<compile_context>
chip_gen: v7x
topology: tpu7x:2x2x1
jax: 0.10.2.dev20260603
libtpu: 0.0.44.dev20260713+nightly
codegen_flags: <defaults>
</compile_context>

<pallas_src>
import functools

import jax
import jax.numpy as jnp
from jax import lax
from jax.experimental import pallas as pl
from jax.experimental.pallas import tpu as pltpu
from jax.experimental.pallas import tpu_sc as plsc

N = 10000
E = 320000
D = 128
DE = 16
H = 8
DH = D // H
DFF = 512

NB = 400
EB = 512


def _ln(x, g, b, eps=1e-5):
    mu = jnp.mean(x, axis=-1, keepdims=True)
    var = jnp.mean((x - mu) ** 2, axis=-1, keepdims=True)
    return g * (x - mu) * lax.rsqrt(var + eps) + b


def _dot(a, b):
    return jnp.dot(a, b, preferred_element_type=jnp.float32)



def _tables_body(x_ref, wd_ref, ws_ref, td_ref, ts_ref):
    x = x_ref[...]
    td_ref[...] = _dot(x, wd_ref[...])
    ts_ref[...] = _dot(x, ws_ref[...])


def _tables(x, w_dst, w_src):
    return pl.pallas_call(
        _tables_body,
        grid=(N // NB,),
        in_specs=[
            pl.BlockSpec((NB, D), lambda i: (i, 0)),
            pl.BlockSpec((D, 2 * D), lambda i: (0, 0)),
            pl.BlockSpec((D, D), lambda i: (0, 0)),
        ],
        out_specs=[
            pl.BlockSpec((NB, 2 * D), lambda i: (i, 0)),
            pl.BlockSpec((NB, D), lambda i: (i, 0)),
        ],
        out_shape=[
            jax.ShapeDtypeStruct((N, 2 * D), jnp.float32),
            jax.ShapeDtypeStruct((N, D), jnp.float32),
        ],
        compiler_params=pltpu.CompilerParams(
            dimension_semantics=("parallel",)),
    )(x, w_dst, w_src)



def _edge_body(g1_ref, g2_ref, ea_ref, wme_ref, bmem_ref, gmln_ref, bmln_ref,
               wk_ref, wv_ref, weu_ref, beu_ref, geln_ref, beln_ref,
               gen_ref, ben_ref, p_ref, pt_ref,
               w_ref, e_ref, uea_ref):
    g1 = g1_ref[...]
    a = g1[:, :D]
    q = g1[:, D:]
    ea = ea_ref[...]
    pre = a + g2_ref[...] + _dot(ea, wme_ref[...]) + bmem_ref[...]
    mem = jnp.maximum(_ln(pre, gmln_ref[...], bmln_ref[...]), 0.0)
    k = _dot(mem, wk_ref[...])
    v = _dot(mem, wv_ref[...])
    l16 = _dot(q * k, p_ref[...]) * (1.0 / (DH ** 0.5))
    eb = jnp.exp(_dot(l16, pt_ref[...]))
    w_ref[...] = eb * v
    e_ref[...] = eb
    de = jnp.maximum(
        _ln(_dot(mem, weu_ref[...]) + beu_ref[...], geln_ref[...], beln_ref[...]),
        0.0)
    uea_ref[...] = _ln(ea + de, gen_ref[...], ben_ref[...])


def _edge(g1, g2, edge_attr, w_me, b_mem, g_mln, b_mln, Wk, Wv,
          W_eu, b_eu, g_eln, b_eln, g_en, b_en, P, Pt):
    row = lambda i: (i, 0)
    full = lambda shape: pl.BlockSpec(shape, lambda i: (0, 0))
    return pl.pallas_call(
        _edge_body,
        grid=(E // EB,),
        in_specs=[
            pl.BlockSpec((EB, 2 * D), row),
            pl.BlockSpec((EB, D), row),
            pl.BlockSpec((EB, DE), row),
            full((DE, D)), full((1, D)), full((1, D)), full((1, D)),
            full((D, D)), full((D, D)),
            full((D, DE)), full((1, DE)), full((1, DE)), full((1, DE)),
            full((1, DE)), full((1, DE)),
            full((D, DE)), full((DE, D)),
        ],
        out_specs=[
            pl.BlockSpec((EB, D), row),
            pl.BlockSpec((EB, D), row),
            pl.BlockSpec((EB, DE), row),
        ],
        out_shape=[
            jax.ShapeDtypeStruct((E, D), jnp.float32),
            jax.ShapeDtypeStruct((E, D), jnp.float32),
            jax.ShapeDtypeStruct((E, DE), jnp.float32),
        ],
        compiler_params=pltpu.CompilerParams(
            dimension_semantics=("parallel",)),
    )(g1, g2, edge_attr, w_me, b_mem, g_mln, b_mln, Wk, Wv,
      W_eu, b_eu, g_eln, b_eln, g_en, b_en, P, Pt)



def _node_body(x_ref, sw_ref, se_ref, wo_ref, gn1_ref, bn1_ref,
               wf1_ref, bf1_ref, wf2_ref, bf2_ref, gn2_ref, bn2_ref, out_ref):
    sw = sw_ref[0] + sw_ref[1]
    zb = se_ref[0] + se_ref[1]
    aggr = _dot(sw / (zb + 1e-16), wo_ref[...])
    h = _ln(x_ref[...] + aggr, gn1_ref[...], bn1_ref[...])
    ff = _dot(jnp.maximum(_dot(h, wf1_ref[...]) + bf1_ref[...], 0.0),
              wf2_ref[...]) + bf2_ref[...]
    out_ref[...] = _ln(h + ff, gn2_ref[...], bn2_ref[...])


def _node(x, sw, se, Wo, g_n1, b_n1, W_f1, b_f1, W_f2, b_f2, g_n2, b_n2):
    full = lambda shape: pl.BlockSpec(shape, lambda i: (0, 0))
    return pl.pallas_call(
        _node_body,
        grid=(N // NB,),
        in_specs=[
            pl.BlockSpec((NB, D), lambda i: (i, 0)),
            pl.BlockSpec((2, NB, D), lambda i: (0, i, 0)),
            pl.BlockSpec((2, NB, D), lambda i: (0, i, 0)),
            full((D, D)),
            full((1, D)), full((1, D)),
            full((D, DFF)), full((1, DFF)),
            full((DFF, D)), full((1, D)),
            full((1, D)), full((1, D)),
        ],
        out_specs=pl.BlockSpec((NB, D), lambda i: (i, 0)),
        out_shape=jax.ShapeDtypeStruct((N, D), jnp.float32),
        compiler_params=pltpu.CompilerParams(
            dimension_semantics=("parallel",)),
    )(x, sw, se, Wo, g_n1, b_n1, W_f1, b_f1, W_f2, b_f2, g_n2, b_n2)



GW = 80
SW = 80
NP = 10240


def _gather(td, ts, idx_dst, idx_src):
    mesh = plsc.VectorSubcoreMesh(core_axis_name="c", subcore_axis_name="s")
    ept = E // 32
    nstep = ept // GW

    @functools.partial(
        pl.kernel,
        out_type=[jax.ShapeDtypeStruct((E, 2 * D), jnp.float32),
                  jax.ShapeDtypeStruct((E, D), jnp.float32)],
        mesh=mesh,
        scratch_types=[pltpu.VMEM((GW, 2 * D), jnp.float32),
                       pltpu.VMEM((GW, 2 * D), jnp.float32),
                       pltpu.VMEM((GW, D), jnp.float32),
                       pltpu.VMEM((GW, D), jnp.float32),
                       pltpu.VMEM((ept,), jnp.int32),
                       pltpu.VMEM((ept,), jnp.int32),
                       pltpu.SemaphoreType.DMA,
                       pltpu.SemaphoreType.DMA],
    )
    def k(td_hbm, ts_hbm, id_hbm, is_hbm, g1_hbm, g2_hbm,
          g1b0, g1b1, g2b0, g2b1, idall, isall, semA, semB):
        cid = lax.axis_index("c")
        sid = lax.axis_index("s")
        wid = sid * 2 + cid
        base0 = wid * ept
        pltpu.sync_copy(id_hbm.at[pl.ds(base0, ept)], idall)
        pltpu.sync_copy(is_hbm.at[pl.ds(base0, ept)], isall)

        def start(c, g1b, g2b, sem):
            sl = pl.ds(c * GW, GW)
            pltpu.async_copy(td_hbm.at[idall.at[sl]], g1b, sem)
            pltpu.async_copy(ts_hbm.at[isall.at[sl]], g2b, sem)

        def finish(c, g1b, g2b, sem):
            sl = pl.ds(c * GW, GW)
            hsl = pl.ds(base0 + c * GW, GW)
            pltpu.make_async_copy(td_hbm.at[idall.at[sl]], g1b, sem).wait()
            pltpu.make_async_copy(ts_hbm.at[isall.at[sl]], g2b, sem).wait()
            pltpu.sync_copy(g1b, g1_hbm.at[hsl])
            pltpu.sync_copy(g2b, g2_hbm.at[hsl])

        start(0, g1b0, g2b0, semA)

        @pl.loop(0, (nstep - 1) // 2)
        def _(j2):
            c0 = 2 * j2
            start(c0 + 1, g1b1, g2b1, semB)
            finish(c0, g1b0, g2b0, semA)
            start(c0 + 2, g1b0, g2b0, semA)
            finish(c0 + 1, g1b1, g2b1, semB)

        finish(nstep - 1, g1b0, g2b0, semA)

    return k(td, ts, idx_dst.reshape(E), idx_src.reshape(E))


def _scatter128(vals, seg):
    mesh = plsc.VectorSubcoreMesh(core_axis_name="c", subcore_axis_name="s")
    rows = NP // 16
    ept = E // 32
    nstep = ept // SW
    zw = jnp.zeros((64, D), jnp.float32)
    ar = jnp.arange(NP, dtype=jnp.int32)

    @functools.partial(
        pl.kernel,
        out_type=jax.ShapeDtypeStruct((2, NP, D), jnp.float32),
        mesh=mesh,
        scratch_types=[pltpu.VMEM_SHARED((NP, D), jnp.float32),
                       pltpu.VMEM((SW, D), jnp.float32),
                       pltpu.VMEM((SW, D), jnp.float32),
                       pltpu.VMEM((SW,), jnp.int32),
                       pltpu.VMEM((SW,), jnp.int32),
                       pltpu.VMEM((64, D), jnp.float32),
                       pltpu.VMEM((64,), jnp.int32),
                       pltpu.SemaphoreType.DMA,
                       pltpu.SemaphoreType.DMA],
    )
    def k(w_hbm, i_hbm, zw_hbm, ar_hbm, ow_hbm, accw,
          wb0, wb1, ib0, ib1, tw, rbuf, semA, semB):
        cid = lax.axis_index("c")
        sid = lax.axis_index("s")
        wid = sid * 2 + cid
        pltpu.sync_copy(zw_hbm, tw)

        @pl.loop(0, rows, step=64)
        def _(j):
            pltpu.sync_copy(ar_hbm.at[pl.ds(sid * rows + j, 64)], rbuf)
            pltpu.sync_copy(tw, accw.at[rbuf])

        plsc.subcore_barrier()
        base0 = wid * ept

        def start(c, wb, ib, sem):
            hsl = pl.ds(base0 + c * SW, SW)
            pltpu.async_copy(w_hbm.at[hsl], wb, sem)
            pltpu.async_copy(i_hbm.at[hsl], ib, sem)

        def finish(c, wb, ib, sem):
            hsl = pl.ds(base0 + c * SW, SW)
            pltpu.make_async_copy(w_hbm.at[hsl], wb, sem).wait()
            pltpu.make_async_copy(i_hbm.at[hsl], ib, sem).wait()
            pltpu.sync_copy(wb, accw.at[ib], add=True)

        start(0, wb0, ib0, semA)

        @pl.loop(0, (nstep - 1) // 2)
        def _(j2):
            c0 = 2 * j2
            start(c0 + 1, wb1, ib1, semB)
            finish(c0, wb0, ib0, semA)
            start(c0 + 2, wb0, ib0, semA)
            finish(c0 + 1, wb1, ib1, semB)

        finish(nstep - 1, wb0, ib0, semA)
        plsc.subcore_barrier()

        @pl.loop(0, rows, step=64)
        def _(j):
            osl = pl.ds(sid * rows + j, 64)
            pltpu.sync_copy(ar_hbm.at[pl.ds(sid * rows + j, 64)], rbuf)
            pltpu.sync_copy(accw.at[rbuf], tw)
            pltpu.sync_copy(tw, ow_hbm.at[cid, osl])

    return k(vals, seg.reshape(E), zw, ar)



def kernel(x, edge_index, edge_attr, W_mem, b_mem, g_mln, b_mln, Wq, Wk, Wv, Wo,
           W_eu, b_eu, g_eln, b_eln, g_en, b_en, W_f1, b_f1, W_f2, b_f2,
           g_n1, b_n1, g_n2, b_n2):
    f32 = jnp.float32
    P = (lax.broadcasted_iota(jnp.int32, (D, DE), 0) // DH ==
         lax.broadcasted_iota(jnp.int32, (D, DE), 1)).astype(f32)
    Pt = P.T
    w_dst = jnp.concatenate([W_mem[:D], Wq], axis=1)
    w_src = W_mem[D:2 * D]
    w_me = W_mem[2 * D:]
    r = lambda a: a.reshape(1, -1)

    td, ts = _tables(x, w_dst, w_src)
    g1, g2 = _gather(td, ts, edge_index[1], edge_index[0])
    w, eb, uea = _edge(g1, g2, edge_attr, w_me, r(b_mem), r(g_mln), r(b_mln),
                       Wk, Wv, W_eu, r(b_eu), r(g_eln), r(b_eln),
                       r(g_en), r(b_en), P, Pt)
    sw = _scatter128(w, edge_index[1])
    se = _scatter128(eb, edge_index[1])
    out = _node(x, sw, se, Wo, r(g_n1), r(b_n1), W_f1, r(b_f1),
                W_f2, r(b_f2), r(g_n2), r(b_n2))
    return (out, uea)

# --- scband reference (transcript-rebuilt; emitter-appended) ---
"""Pipeline reference for scband-edge-aware-gatfusion-55722905698621 (READ-ONLY COPY).

The authoritative reference and input builder live on the scoring server;
editing this copy changes nothing except your own understanding.
"""

import jax, jax.numpy as jnp
import numpy as np

N = 10000
E = 320000
D = 128
DE = 16
H = 8
DH = D // H
DFF = 512


def _ln(x, g, b, eps=1e-5):
    mu = x.mean(-1, keepdims=True)
    var = ((x - mu) ** 2).mean(-1, keepdims=True)
    return g * (x - mu) / jnp.sqrt(var + eps) + b


def setup_inputs(seed: int = 0) -> dict:
    key = jax.random.key(seed)
    ks = jax.random.split(key, 32)
    s = 0.02
    inp = {}
    inp["x"] = jax.random.normal(ks[0], (N, D), dtype=jnp.float32)
    inp["edge_index"] = jax.random.randint(ks[1], (2, E), 0, N, dtype=jnp.int32)
    inp["edge_attr"] = jax.random.normal(ks[2], (E, DE), dtype=jnp.float32)
    # memory_proj: Linear(2D+DE -> D) + LayerNorm(D)
    inp["W_mem"] = jax.random.normal(ks[3], (2 * D + DE, D), dtype=jnp.float32) * s
    inp["b_mem"] = jnp.zeros((D,), dtype=jnp.float32)
    inp["g_mln"] = jnp.ones((D,), dtype=jnp.float32)
    inp["b_mln"] = jnp.zeros((D,), dtype=jnp.float32)
    # attention projections (no bias)
    inp["Wq"] = jax.random.normal(ks[4], (D, D), dtype=jnp.float32) * s
    inp["Wk"] = jax.random.normal(ks[5], (D, D), dtype=jnp.float32) * s
    inp["Wv"] = jax.random.normal(ks[6], (D, D), dtype=jnp.float32) * s
    inp["Wo"] = jax.random.normal(ks[7], (D, D), dtype=jnp.float32) * s
    # edge update: Linear(D -> DE) + LayerNorm(DE), then residual edge_norm LayerNorm(DE)
    inp["W_eu"] = jax.random.normal(ks[8], (D, DE), dtype=jnp.float32) * s
    inp["b_eu"] = jnp.zeros((DE,), dtype=jnp.float32)
    inp["g_eln"] = jnp.ones((DE,), dtype=jnp.float32)
    inp["b_eln"] = jnp.zeros((DE,), dtype=jnp.float32)
    inp["g_en"] = jnp.ones((DE,), dtype=jnp.float32)
    inp["b_en"] = jnp.zeros((DE,), dtype=jnp.float32)
    # ffn: Linear(D -> DFF), ReLU, Linear(DFF -> D)
    inp["W_f1"] = jax.random.normal(ks[9], (D, DFF), dtype=jnp.float32) * s
    inp["b_f1"] = jnp.zeros((DFF,), dtype=jnp.float32)
    inp["W_f2"] = jax.random.normal(ks[10], (DFF, D), dtype=jnp.float32) * s
    inp["b_f2"] = jnp.zeros((D,), dtype=jnp.float32)
    # norm1 / norm2
    inp["g_n1"] = jnp.ones((D,), dtype=jnp.float32)
    inp["b_n1"] = jnp.zeros((D,), dtype=jnp.float32)
    inp["g_n2"] = jnp.ones((D,), dtype=jnp.float32)
    inp["b_n2"] = jnp.zeros((D,), dtype=jnp.float32)
    return inp


def reference(x, edge_index, edge_attr, W_mem, b_mem, g_mln, b_mln, Wq, Wk, Wv, Wo,
              W_eu, b_eu, g_eln, b_eln, g_en, b_en, W_f1, b_f1, W_f2, b_f2,
              g_n1, b_n1, g_n2, b_n2):
    src = jnp.take(x, edge_index[0], axis=0)   # x_j: sender  [E, D]
    tgt = jnp.take(x, edge_index[1], axis=0)   # x_i: receiver [E, D]
    # build_mem
    mem = jnp.concatenate([tgt, src, edge_attr], axis=-1) @ W_mem + b_mem
    mem = jax.nn.relu(_ln(mem, g_mln, b_mln))
    delta_edge = jax.nn.relu(_ln(mem @ W_eu + b_eu, g_eln, b_eln))
    updated_edge_attr = _ln(edge_attr + delta_edge, g_en, b_en)
    # message: per-edge single-key attention with softmax over incoming edges of dst node
    q = (tgt @ Wq).reshape(E, H, DH)
    k = (mem @ Wk).reshape(E, H, DH)
    v = (mem @ Wv).reshape(E, H, DH)
    logits = (q * k).sum(-1) / (DH ** 0.5)    # [E, H]
    seg = edge_index[1]
    m = jax.ops.segment_max(logits, seg, num_segments=N)
    m = jnp.where(jnp.isfinite(m), m, 0.0)
    ex = jnp.exp(logits - m[seg])
    denom = jax.ops.segment_sum(ex, seg, num_segments=N)
    attn = ex / (denom[seg] + 1e-16)
    msg = (attn[..., None] * v).reshape(E, D) @ Wo
    # aggregate (scatter-add over dst nodes)
    aggr = jax.ops.segment_sum(msg, seg, num_segments=N)
    # residual + norms + ffn
    h = _ln(x + aggr, g_n1, b_n1)
    ff = jax.nn.relu(h @ W_f1 + b_f1) @ W_f2 + b_f2
    out = _ln(h + ff, g_n2, b_n2)
    return (out, updated_edge_attr)

if __name__ == "__main__":
    import jax
    _d = setup_inputs()
    print(jax.jit(kernel)(*tuple(_d.values())))

</pallas_src>

<mosaic_0001>
#map = affine_map<(d0, d1) -> (0, 0)>
#map1 = affine_map<(d0, d1) -> (0)>
#map2 = affine_map<(d0, d1) -> (0, 0, 0)>
module attributes {stable_mosaic.version = 14 : i64} {
  func.func @k(%arg0: i32, %arg1: i32, %arg2: memref<320000x128xf32, #tpu.memory_space<hbm>>, %arg3: memref<320000xi32, #tpu.memory_space<hbm>>, %arg4: memref<64x128xf32, #tpu.memory_space<hbm>>, %arg5: memref<10240xi32, #tpu.memory_space<hbm>>, %arg6: memref<2x10240x128xf32, #tpu.memory_space<hbm>>, %arg7: memref<10240x128xf32, #tpu.memory_space<vmem_shared>>, %arg8: memref<80x128xf32, #tpu.memory_space<vmem>>, %arg9: memref<80x128xf32, #tpu.memory_space<vmem>>, %arg10: memref<80xi32, #tpu.memory_space<vmem>>, %arg11: memref<80xi32, #tpu.memory_space<vmem>>, %arg12: memref<64x128xf32, #tpu.memory_space<vmem>>, %arg13: memref<64xi32, #tpu.memory_space<vmem>>, %arg14: memref<!tpu.dma_semaphore, #tpu.memory_space<semaphore_mem>>, %arg15: memref<!tpu.dma_semaphore, #tpu.memory_space<semaphore_mem>>) attributes {dimension_semantics = [#tpu.dimension_semantics<core_parallel>, #tpu.dimension_semantics<subcore_parallel>], iteration_bounds = array<i64: 2, 16>, scalar_prefetch = 0 : i64, scratch_operands = 9 : i64, tpu.core_type = #tpu.core_type<sc_vector_subcore>, window_params = [{transform_indices = #map}, {transform_indices = #map1}, {transform_indices = #map}, {transform_indices = #map1}, {transform_indices = #map2}]} {
    %mul3A = arith.constant 2 : i32
    %mul3A_0 = arith.muli %arg1, %mul3A : i32
    %add3A = arith.addi %mul3A_0, %arg0 : i32
    "tpu.region"() ({
      %run_scoped3A = tpu.sem_alloc : memref<!tpu.dma_semaphore, #tpu.memory_space<semaphore_mem>>
      tpu.enqueue_dma source(%arg4 : memref<64x128xf32, #tpu.memory_space<hbm>>) target(%arg12 : memref<64x128xf32, #tpu.memory_space<vmem>>) target_semaphore(%run_scoped3A : memref<!tpu.dma_semaphore, #tpu.memory_space<semaphore_mem>>)
      tpu.wait_dma2 semaphore(%run_scoped3A : memref<!tpu.dma_semaphore, #tpu.memory_space<semaphore_mem>>) src(%arg4 : memref<64x128xf32, #tpu.memory_space<hbm>>) dst(%arg12 : memref<64x128xf32, #tpu.memory_space<vmem>>)
      tpu.yield
    }) : () -> ()
    %scan3A = arith.constant 0 : i32
    %scan3A_1 = arith.constant 10 : i32
    %scan3A_2 = arith.addi %scan3A, %scan3A_1 : i32
    %scan3A_3 = arith.constant 1 : i32
    scf.for %scan3A_32 = %scan3A to %scan3A_2 step %scan3A_3  : i32 {
      %mul3A_33 = arith.constant 64 : i32
      %mul3A_34 = arith.muli %scan3A_32, %mul3A_33 : i32
      %add3A_35 = arith.constant 0 : i32
      %add3A_36 = arith.addi %add3A_35, %mul3A_34 : i32
      %mul3A_37 = arith.constant 640 : i32
      %mul3A_38 = arith.muli %arg1, %mul3A_37 : i32
      %add3A_39 = arith.addi %mul3A_38, %add3A_36 : i32
      "tpu.region"() ({
        %run_scoped3A = tpu.sem_alloc : memref<!tpu.dma_semaphore, #tpu.memory_space<semaphore_mem>>
        %dma_start3A_40 = tpu.memref_slice %arg5[%add3A_39] : memref<10240xi32, #tpu.memory_space<hbm>> -> memref<64xi32, #tpu.memory_space<hbm>>
        %dma_start3A_41 = tpu.memref_slice %arg5[%add3A_39] : memref<10240xi32, #tpu.memory_space<hbm>> -> memref<64xi32, #tpu.memory_space<hbm>>
        tpu.enqueue_dma source(%dma_start3A_41 : memref<64xi32, #tpu.memory_space<hbm>>) target(%arg13 : memref<64xi32, #tpu.memory_space<vmem>>) target_semaphore(%run_scoped3A : memref<!tpu.dma_semaphore, #tpu.memory_space<semaphore_mem>>)
        %dma_wait3A_42 = tpu.memref_slice %arg5[%add3A_39] : memref<10240xi32, #tpu.memory_space<hbm>> -> memref<64xi32, #tpu.memory_space<hbm>>
        %dma_wait3A_43 = tpu.memref_slice %arg5[%add3A_39] : memref<10240xi32, #tpu.memory_space<hbm>> -> memref<64xi32, #tpu.memory_space<hbm>>
        tpu.wait_dma2 semaphore(%run_scoped3A : memref<!tpu.dma_semaphore, #tpu.memory_space<semaphore_mem>>) src(%dma_wait3A_43 : memref<64xi32, #tpu.memory_space<hbm>>) dst(%arg13 : memref<64xi32, #tpu.memory_space<vmem>>)
        tpu.yield
      }) : () -> ()
      "tpu.region"() ({
        %run_scoped3A = tpu.sem_alloc : memref<!tpu.dma_semaphore, #tpu.memory_space<semaphore_mem>>
        %dma_start3A_40 = arith.constant 0 : i32
        %dma_start3A_41 = arith.constant 0 : i32
        %dma_start3A_42 = tpu.memref_slice %arg7[%dma_start3A_40, %dma_start3A_41] : memref<10240x128xf32, #tpu.memory_space<vmem_shared>> -> memref<10240x128xf32, #tpu.memory_space<vmem_shared>>
        tpu.enqueue_indirect_dma source(%arg12 : memref<64x128xf32, #tpu.memory_space<vmem>>) target(%dma_start3A_42 : memref<10240x128xf32, #tpu.memory_space<vmem_shared>>) offsets(%arg13 : memref<64xi32, #tpu.memory_space<vmem>>) semaphore(%run_scoped3A : memref<!tpu.dma_semaphore, #tpu.memory_space<semaphore_mem>>)
        %dma_wait3A_43 = arith.constant 0 : i32
        %dma_wait3A_44 = arith.constant 0 : i32
        %dma_wait3A_45 = tpu.memref_slice %arg7[%dma_wait3A_43, %dma_wait3A_44] : memref<10240x128xf32, #tpu.memory_space<vmem_shared>> -> memref<10240x128xf32, #tpu.memory_space<vmem_shared>>
        tpu.wait_indirect_dma semaphore(%run_scoped3A : memref<!tpu.dma_semaphore, #tpu.memory_space<semaphore_mem>>) src(%arg12 : memref<64x128xf32, #tpu.memory_space<vmem>>) dst(%dma_wait3A_45 : memref<10240x128xf32, #tpu.memory_space<vmem_shared>>)
        tpu.yield
      }) : () -> ()
    }
    %scan3A_4 = arith.constant 10 : i32
    %barrier3A = arith.constant 0 : index
    tpu.barrier barrier_id(%barrier3A)
    %mul3A_5 = arith.constant 10000 : i32
    %mul3A_6 = arith.muli %add3A, %mul3A_5 : i32
    %add3A_7 = arith.constant 0 : i32
    %add3A_8 = arith.addi %mul3A_6, %add3A_7 : i32
    %dma_start3A = arith.constant 0 : i32
    %dma_start3A_9 = tpu.memref_slice %arg2[%add3A_8, %dma_start3A] : memref<320000x128xf32, #tpu.memory_space<hbm>> -> memref<80x128xf32, #tpu.memory_space<hbm>>
    %dma_start3A_10 = arith.constant 0 : i32
    %dma_start3A_11 = tpu.memref_slice %arg2[%add3A_8, %dma_start3A_10] : memref<320000x128xf32, #tpu.memory_space<hbm>> -> memref<80x128xf32, #tpu.memory_space<hbm>>
    tpu.enqueue_dma source(%dma_start3A_11 : memref<80x128xf32, #tpu.memory_space<hbm>>) target(%arg8 : memref<80x128xf32, #tpu.memory_space<vmem>>) target_semaphore(%arg14 : memref<!tpu.dma_semaphore, #tpu.memory_space<semaphore_mem>>)
    %dma_start3A_12 = tpu.memref_slice %arg3[%add3A_8] : memref<320000xi32, #tpu.memory_space<hbm>> -> memref<80xi32, #tpu.memory_space<hbm>>
    %dma_start3A_13 = tpu.memref_slice %arg3[%add3A_8] : memref<320000xi32, #tpu.memory_space<hbm>> -> memref<80xi32, #tpu.memory_space<hbm>>
    tpu.enqueue_dma source(%dma_start3A_13 : memref<80xi32, #tpu.memory_space<hbm>>) target(%arg10 : memref<80xi32, #tpu.memory_space<vmem>>) target_semaphore(%arg14 : memref<!tpu.dma_semaphore, #tpu.memory_space<semaphore_mem>>)
    %scan3A_14 = arith.constant 0 : i32
    %scan3A_15 = arith.constant 62 : i32
    %scan3A_16 = arith.addi %scan3A_14, %scan3A_15 : i32
    %scan3A_17 = arith.constant 1 : i32
    scf.for %scan3A_32 = %scan3A_14 to %scan3A_16 step %scan3A_17  : i32 {
      %mul3A_33 = arith.constant 1 : i32
      %mul3A_34 = arith.muli %scan3A_32, %mul3A_33 : i32
      %add3A_35 = arith.constant 0 : i32
      %add3A_36 = arith.addi %add3A_35, %mul3A_34 : i32
      %mul3A_37 = arith.constant 2 : i32
      %mul3A_38 = arith.muli %mul3A_37, %add3A_36 : i32
      %add3A_39 = arith.constant 1 : i32
      %add3A_40 = arith.addi %mul3A_38, %add3A_39 : i32
      %mul3A_41 = arith.constant 80 : i32
      %mul3A_42 = arith.muli %add3A_40, %mul3A_41 : i32
      %add3A_43 = arith.addi %mul3A_6, %mul3A_42 : i32
      %dma_start3A_44 = arith.constant 0 : i32
      %dma_start3A_45 = tpu.memref_slice %arg2[%add3A_43, %dma_start3A_44] : memref<320000x128xf32, #tpu.memory_space<hbm>> -> memref<80x128xf32, #tpu.memory_space<hbm>>
      %dma_start3A_46 = arith.constant 0 : i32
      %dma_start3A_47 = tpu.memref_slice %arg2[%add3A_43, %dma_start3A_46] : memref<320000x128xf32, #tpu.memory_space<hbm>> -> memref<80x128xf32, #tpu.memory_space<hbm>>
      tpu.enqueue_dma source(%dma_start3A_47 : memref<80x128xf32, #tpu.memory_space<hbm>>) target(%arg9 : memref<80x128xf32, #tpu.memory_space<vmem>>) target_semaphore(%arg15 : memref<!tpu.dma_semaphore, #tpu.memory_space<semaphore_mem>>)
      %dma_start3A_48 = tpu.memref_slice %arg3[%add3A_43] : memref<320000xi32, #tpu.memory_space<hbm>> -> memref<80xi32, #tpu.memory_space<hbm>>
      %dma_start3A_49 = tpu.memref_slice %arg3[%add3A_43] : memref<320000xi32, #tpu.memory_space<hbm>> -> memref<80xi32, #tpu.memory_space<hbm>>
      tpu.enqueue_dma source(%dma_start3A_49 : memref<80xi32, #tpu.memory_space<hbm>>) target(%arg11 : memref<80xi32, #tpu.memory_space<vmem>>) target_semaphore(%arg15 : memref<!tpu.dma_semaphore, #tpu.memory_space<semaphore_mem>>)
      %mul3A_50 = arith.constant 80 : i32
      %mul3A_51 = arith.muli %mul3A_38, %mul3A_50 : i32
      %add3A_52 = arith.addi %mul3A_6, %mul3A_51 : i32
      %dma_wait3A_53 = arith.constant 0 : i32
      %dma_wait3A_54 = tpu.memref_slice %arg2[%add3A_52, %dma_wait3A_53] : memref<320000x128xf32, #tpu.memory_space<hbm>> -> memref<80x128xf32, #tpu.memory_space<hbm>>
      %dma_wait3A_55 = arith.constant 0 : i32
      %dma_wait3A_56 = tpu.memref_slice %arg2[%add3A_52, %dma_wait3A_55] : memref<320000x128xf32, #tpu.memory_space<hbm>> -> memref<80x128xf32, #tpu.memory_space<hbm>>
      tpu.wait_dma2 semaphore(%arg14 : memref<!tpu.dma_semaphore, #tpu.memory_space<semaphore_mem>>) src(%dma_wait3A_56 : memref<80x128xf32, #tpu.memory_space<hbm>>) dst(%arg8 : memref<80x128xf32, #tpu.memory_space<vmem>>)
      %dma_wait3A_57 = tpu.memref_slice %arg3[%add3A_52] : memref<320000xi32, #tpu.memory_space<hbm>> -> memref<80xi32, #tpu.memory_space<hbm>>
      %dma_wait3A_58 = tpu.memref_slice %arg3[%add3A_52] : memref<320000xi32, #tpu.memory_space<hbm>> -> memref<80xi32, #tpu.memory_space<hbm>>
      tpu.wait_dma2 semaphore(%arg14 : memref<!tpu.dma_semaphore, #tpu.memory_space<semaphore_mem>>) src(%dma_wait3A_58 : memref<80xi32, #tpu.memory_space<hbm>>) dst(%arg10 : memref<80xi32, #tpu.memory_space<vmem>>)
      "tpu.region"() ({
        %run_scoped3A = tpu.sem_alloc : memref<!tpu.dma_semaphore, #tpu.memory_space<semaphore_mem>>
        %dma_start3A_81 = arith.constant 0 : i32
        %dma_start3A_82 = arith.constant 0 : i32
        %dma_start3A_83 = tpu.memref_slice %arg7[%dma_start3A_81, %dma_start3A_82] : memref<10240x128xf32, #tpu.memory_space<vmem_shared>> -> memref<10240x128xf32, #tpu.memory_space<vmem_shared>>
        tpu.enqueue_indirect_dma source(%arg8 : memref<80x128xf32, #tpu.memory_space<vmem>>) target(%dma_start3A_83 : memref<10240x128xf32, #tpu.memory_space<vmem_shared>>) offsets(%arg10 : memref<80xi32, #tpu.memory_space<vmem>>) semaphore(%run_scoped3A : memref<!tpu.dma_semaphore, #tpu.memory_space<semaphore_mem>>) {add = true}
        %dma_wait3A_84 = arith.constant 0 : i32
        %dma_wait3A_85 = arith.constant 0 : i32
        %dma_wait3A_86 = tpu.memref_slice %arg7[%dma_wait3A_84, %dma_wait3A_85] : memref<10240x128xf32, #tpu.memory_space<vmem_shared>> -> memref<10240x128xf32, #tpu.memory_space<vmem_shared>>
        tpu.wait_indirect_dma semaphore(%run_scoped3A : memref<!tpu.dma_semaphore, #tpu.memory_space<semaphore_mem>>) src(%arg8 : memref<80x128xf32, #tpu.memory_space<vmem>>) dst(%dma_wait3A_86 : memref<10240x128xf32, #tpu.memory_space<vmem_shared>>)
        tpu.yield
      }) : () -> ()
      %add3A_59 = arith.constant 2 : i32
      %add3A_60 = arith.addi %mul3A_38, %add3A_59 : i32
      %mul3A_61 = arith.constant 80 : i32
      %mul3A_62 = arith.muli %add3A_60, %mul3A_61 : i32
      %add3A_63 = arith.addi %mul3A_6, %mul3A_62 : i32
      %dma_start3A_64 = arith.constant 0 : i32
      %dma_start3A_65 = tpu.memref_slice %arg2[%add3A_63, %dma_start3A_64] : memref<320000x128xf32, #tpu.memory_space<hbm>> -> memref<80x128xf32, #tpu.memory_space<hbm>>
      %dma_start3A_66 = arith.constant 0 : i32
      %dma_start3A_67 = tpu.memref_slice %arg2[%add3A_63, %dma_start3A_66] : memref<320000x128xf32, #tpu.memory_space<hbm>> -> memref<80x128xf32, #tpu.memory_space<hbm>>
      tpu.enqueue_dma source(%dma_start3A_67 : memref<80x128xf32, #tpu.memory_space<hbm>>) target(%arg8 : memref<80x128xf32, #tpu.memory_space<vmem>>) target_semaphore(%arg14 : memref<!tpu.dma_semaphore, #tpu.memory_space<semaphore_mem>>)
      %dma_start3A_68 = tpu.memref_slice %arg3[%add3A_63] : memref<320000xi32, #tpu.memory_space<hbm>> -> memref<80xi32, #tpu.memory_space<hbm>>
      %dma_start3A_69 = tpu.memref_slice %arg3[%add3A_63] : memref<320000xi32, #tpu.memory_space<hbm>> -> memref<80xi32, #tpu.memory_space<hbm>>
      tpu.enqueue_dma source(%dma_start3A_69 : memref<80xi32, #tpu.memory_space<hbm>>) target(%arg10 : memref<80xi32, #tpu.memory_space<vmem>>) target_semaphore(%arg14 : memref<!tpu.dma_semaphore, #tpu.memory_space<semaphore_mem>>)
      %add3A_70 = arith.constant 1 : i32
      %add3A_71 = arith.addi %mul3A_38, %add3A_70 : i32
      %mul3A_72 = arith.constant 80 : i32
      %mul3A_73 = arith.muli %add3A_71, %mul3A_72 : i32
      %add3A_74 = arith.addi %mul3A_6, %mul3A_73 : i32
      %dma_wait3A_75 = arith.constant 0 : i32
      %dma_wait3A_76 = tpu.memref_slice %arg2[%add3A_74, %dma_wait3A_75] : memref<320000x128xf32, #tpu.memory_space<hbm>> -> memref<80x128xf32, #tpu.memory_space<hbm>>
      %dma_wait3A_77 = arith.constant 0 : i32
      %dma_wait3A_78 = tpu.memref_slice %arg2[%add3A_74, %dma_wait3A_77] : memref<320000x128xf32, #tpu.memory_space<hbm>> -> memref<80x128xf32, #tpu.memory_space<hbm>>
      tpu.wait_dma2 semaphore(%arg15 : memref<!tpu.dma_semaphore, #tpu.memory_space<semaphore_mem>>) src(%dma_wait3A_78 : memref<80x128xf32, #tpu.memory_space<hbm>>) dst(%arg9 : memref<80x128xf32, #tpu.memory_space<vmem>>)
      %dma_wait3A_79 = tpu.memref_slice %arg3[%add3A_74] : memref<320000xi32, #tpu.memory_space<hbm>> -> memref<80xi32, #tpu.memory_space<hbm>>
      %dma_wait3A_80 = tpu.memref_slice %arg3[%add3A_74] : memref<320000xi32, #tpu.memory_space<hbm>> -> memref<80xi32, #tpu.memory_space<hbm>>
      tpu.wait_dma2 semaphore(%arg15 : memref<!tpu.dma_semaphore, #tpu.memory_space<semaphore_mem>>) src(%dma_wait3A_80 : memref<80xi32, #tpu.memory_space<hbm>>) dst(%arg11 : memref<80xi32, #tpu.memory_space<vmem>>)
      "tpu.region"() ({
        %run_scoped3A = tpu.sem_alloc : memref<!tpu.dma_semaphore, #tpu.memory_space<semaphore_mem>>
        %dma_start3A_81 = arith.constant 0 : i32
        %dma_start3A_82 = arith.constant 0 : i32
        %dma_start3A_83 = tpu.memref_slice %arg7[%dma_start3A_81, %dma_start3A_82] : memref<10240x128xf32, #tpu.memory_space<vmem_shared>> -> memref<10240x128xf32, #tpu.memory_space<vmem_shared>>
        tpu.enqueue_indirect_dma source(%arg9 : memref<80x128xf32, #tpu.memory_space<vmem>>) target(%dma_start3A_83 : memref<10240x128xf32, #tpu.memory_space<vmem_shared>>) offsets(%arg11 : memref<80xi32, #tpu.memory_space<vmem>>) semaphore(%run_scoped3A : memref<!tpu.dma_semaphore, #tpu.memory_space<semaphore_mem>>) {add = true}
        %dma_wait3A_84 = arith.constant 0 : i32
        %dma_wait3A_85 = arith.constant 0 : i32
        %dma_wait3A_86 = tpu.memref_slice %arg7[%dma_wait3A_84, %dma_wait3A_85] : memref<10240x128xf32, #tpu.memory_space<vmem_shared>> -> memref<10240x128xf32, #tpu.memory_space<vmem_shared>>
        tpu.wait_indirect_dma semaphore(%run_scoped3A : memref<!tpu.dma_semaphore, #tpu.memory_space<semaphore_mem>>) src(%arg9 : memref<80x128xf32, #tpu.memory_space<vmem>>) dst(%dma_wait3A_86 : memref<10240x128xf32, #tpu.memory_space<vmem_shared>>)
        tpu.yield
      }) : () -> ()
    }
    %scan3A_18 = arith.constant 62 : i32
    %add3A_19 = arith.constant 9920 : i32
    %add3A_20 = arith.addi %mul3A_6, %add3A_19 : i32
    %dma_wait3A = arith.constant 0 : i32
    %dma_wait3A_21 = tpu.memref_slice %arg2[%add3A_20, %dma_wait3A] : memref<320000x128xf32, #tpu.memory_space<hbm>> -> memref<80x128xf32, #tpu.memory_space<hbm>>
    %dma_wait3A_22 = arith.constant 0 : i32
    %dma_wait3A_23 = tpu.memref_slice %arg2[%add3A_20, %dma_wait3A_22] : memref<320000x128xf32, #tpu.memory_space<hbm>> -> memref<80x128xf32, #tpu.memory_space<hbm>>
    tpu.wait_dma2 semaphore(%arg14 : memref<!tpu.dma_semaphore, #tpu.memory_space<semaphore_mem>>) src(%dma_wait3A_23 : memref<80x128xf32, #tpu.memory_space<hbm>>) dst(%arg8 : memref<80x128xf32, #tpu.memory_space<vmem>>)
    %dma_wait3A_24 = tpu.memref_slice %arg3[%add3A_20] : memref<320000xi32, #tpu.memory_space<hbm>> -> memref<80xi32, #tpu.memory_space<hbm>>
    %dma_wait3A_25 = tpu.memref_slice %arg3[%add3A_20] : memref<320000xi32, #tpu.memory_space<hbm>> -> memref<80xi32, #tpu.memory_space<hbm>>
    tpu.wait_dma2 semaphore(%arg14 : memref<!tpu.dma_semaphore, #tpu.memory_space<semaphore_mem>>) src(%dma_wait3A_25 : memref<80xi32, #tpu.memory_space<hbm>>) dst(%arg10 : memref<80xi32, #tpu.memory_space<vmem>>)
    "tpu.region"() ({
      %run_scoped3A = tpu.sem_alloc : memref<!tpu.dma_semaphore, #tpu.memory_space<semaphore_mem>>
      %dma_start3A_32 = arith.constant 0 : i32
      %dma_start3A_33 = arith.constant 0 : i32
      %dma_start3A_34 = tpu.memref_slice %arg7[%dma_start3A_32, %dma_start3A_33] : memref<10240x128xf32, #tpu.memory_space<vmem_shared>> -> memref<10240x128xf32, #tpu.memory_space<vmem_shared>>
      tpu.enqueue_indirect_dma source(%arg8 : memref<80x128xf32, #tpu.memory_space<vmem>>) target(%dma_start3A_34 : memref<10240x128xf32, #tpu.memory_space<vmem_shared>>) offsets(%arg10 : memref<80xi32, #tpu.memory_space<vmem>>) semaphore(%run_scoped3A : memref<!tpu.dma_semaphore, #tpu.memory_space<semaphore_mem>>) {add = true}
      %dma_wait3A_35 = arith.constant 0 : i32
      %dma_wait3A_36 = arith.constant 0 : i32
      %dma_wait3A_37 = tpu.memref_slice %arg7[%dma_wait3A_35, %dma_wait3A_36] : memref<10240x128xf32, #tpu.memory_space<vmem_shared>> -> memref<10240x128xf32, #tpu.memory_space<vmem_shared>>
      tpu.wait_indirect_dma semaphore(%run_scoped3A : memref<!tpu.dma_semaphore, #tpu.memory_space<semaphore_mem>>) src(%arg8 : memref<80x128xf32, #tpu.memory_space<vmem>>) dst(%dma_wait3A_37 : memref<10240x128xf32, #tpu.memory_space<vmem_shared>>)
      tpu.yield
    }) : () -> ()
    %barrier3A_26 = arith.constant 0 : index
    tpu.barrier barrier_id(%barrier3A_26)
    %scan3A_27 = arith.constant 0 : i32
    %scan3A_28 = arith.constant 10 : i32
    %scan3A_29 = arith.addi %scan3A_27, %scan3A_28 : i32
    %scan3A_30 = arith.constant 1 : i32
    scf.for %scan3A_32 = %scan3A_27 to %scan3A_29 step %scan3A_30  : i32 {
      %mul3A_33 = arith.constant 64 : i32
      %mul3A_34 = arith.muli %scan3A_32, %mul3A_33 : i32
      %add3A_35 = arith.constant 0 : i32
      %add3A_36 = arith.addi %add3A_35, %mul3A_34 : i32
      %mul3A_37 = arith.constant 640 : i32
      %mul3A_38 = arith.muli %arg1, %mul3A_37 : i32
      %add3A_39 = arith.addi %mul3A_38, %add3A_36 : i32
      %mul3A_40 = arith.constant 640 : i32
      %mul3A_41 = arith.muli %arg1, %mul3A_40 : i32
      %add3A_42 = arith.addi %mul3A_41, %add3A_36 : i32
      "tpu.region"() ({
        %run_scoped3A = tpu.sem_alloc : memref<!tpu.dma_semaphore, #tpu.memory_space<semaphore_mem>>
        %dma_start3A_43 = tpu.memref_slice %arg5[%add3A_42] : memref<10240xi32, #tpu.memory_space<hbm>> -> memref<64xi32, #tpu.memory_space<hbm>>
        %dma_start3A_44 = tpu.memref_slice %arg5[%add3A_42] : memref<10240xi32, #tpu.memory_space<hbm>> -> memref<64xi32, #tpu.memory_space<hbm>>
        tpu.enqueue_dma source(%dma_start3A_44 : memref<64xi32, #tpu.memory_space<hbm>>) target(%arg13 : memref<64xi32, #tpu.memory_space<vmem>>) target_semaphore(%run_scoped3A : memref<!tpu.dma_semaphore, #tpu.memory_space<semaphore_mem>>)
        %dma_wait3A_45 = tpu.memref_slice %arg5[%add3A_42] : memref<10240xi32, #tpu.memory_space<hbm>> -> memref<64xi32, #tpu.memory_space<hbm>>
        %dma_wait3A_46 = tpu.memref_slice %arg5[%add3A_42] : memref<10240xi32, #tpu.memory_space<hbm>> -> memref<64xi32, #tpu.memory_space<hbm>>
        tpu.wait_dma2 semaphore(%run_scoped3A : memref<!tpu.dma_semaphore, #tpu.memory_space<semaphore_mem>>) src(%dma_wait3A_46 : memref<64xi32, #tpu.memory_space<hbm>>) dst(%arg13 : memref<64xi32, #tpu.memory_space<vmem>>)
        tpu.yield
      }) : () -> ()
      "tpu.region"() ({
        %run_scoped3A = tpu.sem_alloc : memref<!tpu.dma_semaphore, #tpu.memory_space<semaphore_mem>>
        %dma_start3A_43 = arith.constant 0 : i32
        %dma_start3A_44 = arith.constant 0 : i32
        %dma_start3A_45 = tpu.memref_slice %arg7[%dma_start3A_43, %dma_start3A_44] : memref<10240x128xf32, #tpu.memory_space<vmem_shared>> -> memref<10240x128xf32, #tpu.memory_space<vmem_shared>>
        tpu.enqueue_indirect_dma source(%dma_start3A_45 : memref<10240x128xf32, #tpu.memory_space<vmem_shared>>) target(%arg12 : memref<64x128xf32, #tpu.memory_space<vmem>>) offsets(%arg13 : memref<64xi32, #tpu.memory_space<vmem>>) semaphore(%run_scoped3A : memref<!tpu.dma_semaphore, #tpu.memory_space<semaphore_mem>>)
        %dma_wait3A_46 = arith.constant 0 : i32
        %dma_wait3A_47 = arith.constant 0 : i32
        %dma_wait3A_48 = tpu.memref_slice %arg7[%dma_wait3A_46, %dma_wait3A_47] : memref<10240x128xf32, #tpu.memory_space<vmem_shared>> -> memref<10240x128xf32, #tpu.memory_space<vmem_shared>>
        tpu.wait_indirect_dma semaphore(%run_scoped3A : memref<!tpu.dma_semaphore, #tpu.memory_space<semaphore_mem>>) src(%dma_wait3A_48 : memref<10240x128xf32, #tpu.memory_space<vmem_shared>>) dst(%arg12 : memref<64x128xf32, #tpu.memory_space<vmem>>)
        tpu.yield
      }) : () -> ()
      "tpu.region"() ({
        %run_scoped3A = tpu.sem_alloc : memref<!tpu.dma_semaphore, #tpu.memory_space<semaphore_mem>>
        %dma_start3A_43 = arith.constant 0 : i32
        %dma_start3A_44 = tpu.memref_slice %arg6[%arg0, %add3A_39, %dma_start3A_43] : memref<2x10240x128xf32, #tpu.memory_space<hbm>> -> memref<1x64x128xf32, #tpu.memory_space<hbm>>
        %dma_start3A_45 = tpu.memref_squeeze %dma_start3A_44 : memref<1x64x128xf32, #tpu.memory_space<hbm>> -> memref<64x128xf32, #tpu.memory_space<hbm>>
        %dma_start3A_46 = arith.constant 0 : i32
        %dma_start3A_47 = tpu.memref_slice %arg6[%arg0, %add3A_39, %dma_start3A_46] : memref<2x10240x128xf32, #tpu.memory_space<hbm>> -> memref<1x64x128xf32, #tpu.memory_space<hbm>>
        %dma_start3A_48 = tpu.memref_squeeze %dma_start3A_47 : memref<1x64x128xf32, #tpu.memory_space<hbm>> -> memref<64x128xf32, #tpu.memory_space<hbm>>
        tpu.enqueue_dma source(%arg12 : memref<64x128xf32, #tpu.memory_space<vmem>>) target(%dma_start3A_48 : memref<64x128xf32, #tpu.memory_space<hbm>>) target_semaphore(%run_scoped3A : memref<!tpu.dma_semaphore, #tpu.memory_space<semaphore_mem>>)
        %dma_wait3A_49 = arith.constant 0 : i32
        %dma_wait3A_50 = tpu.memref_slice %arg6[%arg0, %add3A_39, %dma_wait3A_49] : memref<2x10240x128xf32, #tpu.memory_space<hbm>> -> memref<1x64x128xf32, #tpu.memory_space<hbm>>
        %dma_wait3A_51 = tpu.memref_squeeze %dma_wait3A_50 : memref<1x64x128xf32, #tpu.memory_space<hbm>> -> memref<64x128xf32, #tpu.memory_space<hbm>>
        %dma_wait3A_52 = arith.constant 0 : i32
        %dma_wait3A_53 = tpu.memref_slice %arg6[%arg0, %add3A_39, %dma_wait3A_52] : memref<2x10240x128xf32, #tpu.memory_space<hbm>> -> memref<1x64x128xf32, #tpu.memory_space<hbm>>
        %dma_wait3A_54 = tpu.memref_squeeze %dma_wait3A_53 : memref<1x64x128xf32, #tpu.memory_space<hbm>> -> memref<64x128xf32, #tpu.memory_space<hbm>>
        tpu.wait_dma2 semaphore(%run_scoped3A : memref<!tpu.dma_semaphore, #tpu.memory_space<semaphore_mem>>) src(%arg12 : memref<64x128xf32, #tpu.memory_space<vmem>>) dst(%dma_wait3A_54 : memref<64x128xf32, #tpu.memory_space<hbm>>)
        tpu.yield
      }) : () -> ()
    }
    %scan3A_31 = arith.constant 10 : i32
    return
  }
}

#map = affine_map<(d0, d1) -> (0, 0)>
#map1 = affine_map<(d0, d1) -> (0)>
module attributes {stable_mosaic.version = 14 : i64} {
  func.func @k(%arg0: i32, %arg1: i32, %arg2: memref<10000x256xf32, #tpu.memory_space<hbm>>, %arg3: memref<10000x128xf32, #tpu.memory_space<hbm>>, %arg4: memref<320000xi32, #tpu.memory_space<hbm>>, %arg5: memref<320000xi32, #tpu.memory_space<hbm>>, %arg6: memref<320000x256xf32, #tpu.memory_space<hbm>>, %arg7: memref<320000x128xf32, #tpu.memory_space<hbm>>, %arg8: memref<80x256xf32, #tpu.memory_space<vmem>>, %arg9: memref<80x256xf32, #tpu.memory_space<vmem>>, %arg10: memref<80x128xf32, #tpu.memory_space<vmem>>, %arg11: memref<80x128xf32, #tpu.memory_space<vmem>>, %arg12: memref<10000xi32, #tpu.memory_space<vmem>>, %arg13: memref<10000xi32, #tpu.memory_space<vmem>>, %arg14: memref<!tpu.dma_semaphore, #tpu.memory_space<semaphore_mem>>, %arg15: memref<!tpu.dma_semaphore, #tpu.memory_space<semaphore_mem>>) attributes {dimension_semantics = [#tpu.dimension_semantics<core_parallel>, #tpu.dimension_semantics<subcore_parallel>], iteration_bounds = array<i64: 2, 16>, scalar_prefetch = 0 : i64, scratch_operands = 8 : i64, tpu.core_type = #tpu.core_type<sc_vector_subcore>, window_params = [{transform_indices = #map}, {transform_indices = #map}, {transform_indices = #map1}, {transform_indices = #map1}, {transform_indices = #map}, {transform_indices = #map}]} {
    %mul3A = arith.constant 2 : i32
    %mul3A_0 = arith.muli %arg1, %mul3A : i32
    %add3A = arith.addi %mul3A_0, %arg0 : i32
    %mul3A_1 = arith.constant 10000 : i32
    %mul3A_2 = arith.muli %add3A, %mul3A_1 : i32
    "tpu.region"() ({
      %run_scoped3A = tpu.sem_alloc : memref<!tpu.dma_semaphore, #tpu.memory_space<semaphore_mem>>
      %dma_start3A_27 = tpu.memref_slice %arg4[%mul3A_2] : memref<320000xi32, #tpu.memory_space<hbm>> -> memref<10000xi32, #tpu.memory_space<hbm>>
      %dma_start3A_28 = tpu.memref_slice %arg4[%mul3A_2] : memref<320000xi32, #tpu.memory_space<hbm>> -> memref<10000xi32, #tpu.memory_space<hbm>>
      tpu.enqueue_dma source(%dma_start3A_28 : memref<10000xi32, #tpu.memory_space<hbm>>) target(%arg12 : memref<10000xi32, #tpu.memory_space<vmem>>) target_semaphore(%run_scoped3A : memref<!tpu.dma_semaphore, #tpu.memory_space<semaphore_mem>>)
      %dma_wait3A_29 = tpu.memref_slice %arg4[%mul3A_2] : memref<320000xi32, #tpu.memory_space<hbm>> -> memref<10000xi32, #tpu.memory_space<hbm>>
      %dma_wait3A_30 = tpu.memref_slice %arg4[%mul3A_2] : memref<320000xi32, #tpu.memory_space<hbm>> -> memref<10000xi32, #tpu.memory_space<hbm>>
      tpu.wait_dma2 semaphore(%run_scoped3A : memref<!tpu.dma_semaphore, #tpu.memory_space<semaphore_mem>>) src(%dma_wait3A_30 : memref<10000xi32, #tpu.memory_space<hbm>>) dst(%arg12 : memref<10000xi32, #tpu.memory_space<vmem>>)
      tpu.yield
    }) : () -> ()
    "tpu.region"() ({
      %run_scoped3A = tpu.sem_alloc : memref<!tpu.dma_semaphore, #tpu.memory_space<semaphore_mem>>
      %dma_start3A_27 = tpu.memref_slice %arg5[%mul3A_2] : memref<320000xi32, #tpu.memory_space<hbm>> -> memref<10000xi32, #tpu.memory_space<hbm>>
      %dma_start3A_28 = tpu.memref_slice %arg5[%mul3A_2] : memref<320000xi32, #tpu.memory_space<hbm>> -> memref<10000xi32, #tpu.memory_space<hbm>>
      tpu.enqueue_dma source(%dma_start3A_28 : memref<10000xi32, #tpu.memory_space<hbm>>) target(%arg13 : memref<10000xi32, #tpu.memory_space<vmem>>) target_semaphore(%run_scoped3A : memref<!tpu.dma_semaphore, #tpu.memory_space<semaphore_mem>>)
      %dma_wait3A_29 = tpu.memref_slice %arg5[%mul3A_2] : memref<320000xi32, #tpu.memory_space<hbm>> -> memref<10000xi32, #tpu.memory_space<hbm>>
      %dma_wait3A_30 = tpu.memref_slice %arg5[%mul3A_2] : memref<320000xi32, #tpu.memory_space<hbm>> -> memref<10000xi32, #tpu.memory_space<hbm>>
      tpu.wait_dma2 semaphore(%run_scoped3A : memref<!tpu.dma_semaphore, #tpu.memory_space<semaphore_mem>>) src(%dma_wait3A_30 : memref<10000xi32, #tpu.memory_space<hbm>>) dst(%arg13 : memref<10000xi32, #tpu.memory_space<vmem>>)
      tpu.yield
    }) : () -> ()
    %dma_start3A = arith.constant 0 : i32
    %dma_start3A_3 = tpu.memref_slice %arg12[%dma_start3A] : memref<10000xi32, #tpu.memory_space<vmem>> -> memref<80xi32, #tpu.memory_space<vmem>>
    %dma_start3A_4 = arith.constant 0 : i32
    %dma_start3A_5 = arith.constant 0 : i32
    %dma_start3A_6 = tpu.memref_slice %arg2[%dma_start3A_4, %dma_start3A_5] : memref<10000x256xf32, #tpu.memory_space<hbm>> -> memref<10000x256xf32, #tpu.memory_space<hbm>>
    tpu.enqueue_indirect_dma source(%dma_start3A_6 : memref<10000x256xf32, #tpu.memory_space<hbm>>) target(%arg8 : memref<80x256xf32, #tpu.memory_space<vmem>>) offsets(%dma_start3A_3 : memref<80xi32, #tpu.memory_space<vmem>>) semaphore(%arg14 : memref<!tpu.dma_semaphore, #tpu.memory_space<semaphore_mem>>)
    %dma_start3A_7 = arith.constant 0 : i32
    %dma_start3A_8 = tpu.memref_slice %arg13[%dma_start3A_7] : memref<10000xi32, #tpu.memory_space<vmem>> -> memref<80xi32, #tpu.memory_space<vmem>>
    %dma_start3A_9 = arith.constant 0 : i32
    %dma_start3A_10 = arith.constant 0 : i32
    %dma_start3A_11 = tpu.memref_slice %arg3[%dma_start3A_9, %dma_start3A_10] : memref<10000x128xf32, #tpu.memory_space<hbm>> -> memref<10000x128xf32, #tpu.memory_space<hbm>>
    tpu.enqueue_indirect_dma source(%dma_start3A_11 : memref<10000x128xf32, #tpu.memory_space<hbm>>) target(%arg10 : memref<80x128xf32, #tpu.memory_space<vmem>>) offsets(%dma_start3A_8 : memref<80xi32, #tpu.memory_space<vmem>>) semaphore(%arg14 : memref<!tpu.dma_semaphore, #tpu.memory_space<semaphore_mem>>)
    %scan3A = arith.constant 0 : i32
    %scan3A_12 = arith.constant 62 : i32
    %scan3A_13 = arith.addi %scan3A, %scan3A_12 : i32
    %scan3A_14 = arith.constant 1 : i32
    scf.for %scan3A_27 = %scan3A to %scan3A_13 step %scan3A_14  : i32 {
      %mul3A_28 = arith.constant 1 : i32
      %mul3A_29 = arith.muli %scan3A_27, %mul3A_28 : i32
      %add3A_30 = arith.constant 0 : i32
      %add3A_31 = arith.addi %add3A_30, %mul3A_29 : i32
      %mul3A_32 = arith.constant 2 : i32
      %mul3A_33 = arith.muli %mul3A_32, %add3A_31 : i32
      %add3A_34 = arith.constant 1 : i32
      %add3A_35 = arith.addi %mul3A_33, %add3A_34 : i32
      %mul3A_36 = arith.constant 80 : i32
      %mul3A_37 = arith.muli %add3A_35, %mul3A_36 : i32
      %dma_start3A_38 = tpu.memref_slice %arg12[%mul3A_37] : memref<10000xi32, #tpu.memory_space<vmem>> -> memref<80xi32, #tpu.memory_space<vmem>>
      %dma_start3A_39 = arith.constant 0 : i32
      %dma_start3A_40 = arith.constant 0 : i32
      %dma_start3A_41 = tpu.memref_slice %arg2[%dma_start3A_39, %dma_start3A_40] : memref<10000x256xf32, #tpu.memory_space<hbm>> -> memref<10000x256xf32, #tpu.memory_space<hbm>>
      tpu.enqueue_indirect_dma source(%dma_start3A_41 : memref<10000x256xf32, #tpu.memory_space<hbm>>) target(%arg9 : memref<80x256xf32, #tpu.memory_space<vmem>>) offsets(%dma_start3A_38 : memref<80xi32, #tpu.memory_space<vmem>>) semaphore(%arg15 : memref<!tpu.dma_semaphore, #tpu.memory_space<semaphore_mem>>)
      %dma_start3A_42 = tpu.memref_slice %arg13[%mul3A_37] : memref<10000xi32, #tpu.memory_space<vmem>> -> memref<80xi32, #tpu.memory_space<vmem>>
      %dma_start3A_43 = arith.constant 0 : i32
      %dma_start3A_44 = arith.constant 0 : i32
      %dma_start3A_45 = tpu.memref_slice %arg3[%dma_start3A_43, %dma_start3A_44] : memref<10000x128xf32, #tpu.memory_space<hbm>> -> memref<10000x128xf32, #tpu.memory_space<hbm>>
      tpu.enqueue_indirect_dma source(%dma_start3A_45 : memref<10000x128xf32, #tpu.memory_space<hbm>>) target(%arg11 : memref<80x128xf32, #tpu.memory_space<vmem>>) offsets(%dma_start3A_42 : memref<80xi32, #tpu.memory_space<vmem>>) semaphore(%arg15 : memref<!tpu.dma_semaphore, #tpu.memory_space<semaphore_mem>>)
      %mul3A_46 = arith.constant 80 : i32
      %mul3A_47 = arith.muli %mul3A_33, %mul3A_46 : i32
      %mul3A_48 = arith.constant 80 : i32
      %mul3A_49 = arith.muli %mul3A_33, %mul3A_48 : i32
      %add3A_50 = arith.addi %mul3A_2, %mul3A_49 : i32
      %dma_wait3A_51 = tpu.memref_slice %arg12[%mul3A_47] : memref<10000xi32, #tpu.memory_space<vmem>> -> memref<80xi32, #tpu.memory_space<vmem>>
      %dma_wait3A_52 = arith.constant 0 : i32
      %dma_wait3A_53 = arith.constant 0 : i32
      %dma_wait3A_54 = tpu.memref_slice %arg2[%dma_wait3A_52, %dma_wait3A_53] : memref<10000x256xf32, #tpu.memory_space<hbm>> -> memref<10000x256xf32, #tpu.memory_space<hbm>>
      tpu.wait_indirect_dma semaphore(%arg14 : memref<!tpu.dma_semaphore, #tpu.memory_space<semaphore_mem>>) src(%dma_wait3A_54 : memref<10000x256xf32, #tpu.memory_space<hbm>>) dst(%arg8 : memref<80x256xf32, #tpu.memory_space<vmem>>)
      %dma_wait3A_55 = tpu.memref_slice %arg13[%mul3A_47] : memref<10000xi32, #tpu.memory_space<vmem>> -> memref<80xi32, #tpu.memory_space<vmem>>
      %dma_wait3A_56 = arith.constant 0 : i32
      %dma_wait3A_57 = arith.constant 0 : i32
      %dma_wait3A_58 = tpu.memref_slice %arg3[%dma_wait3A_56, %dma_wait3A_57] : memref<10000x128xf32, #tpu.memory_space<hbm>> -> memref<10000x128xf32, #tpu.memory_space<hbm>>
      tpu.wait_indirect_dma semaphore(%arg14 : memref<!tpu.dma_semaphore, #tpu.memory_space<semaphore_mem>>) src(%dma_wait3A_58 : memref<10000x128xf32, #tpu.memory_space<hbm>>) dst(%arg10 : memref<80x128xf32, #tpu.memory_space<vmem>>)
      "tpu.region"() ({
        %run_scoped3A = tpu.sem_alloc : memref<!tpu.dma_semaphore, #tpu.memory_space<semaphore_mem>>
        %dma_start3A_86 = arith.constant 0 : i32
        %dma_start3A_87 = tpu.memref_slice %arg6[%add3A_50, %dma_start3A_86] : memref<320000x256xf32, #tpu.memory_space<hbm>> -> memref<80x256xf32, #tpu.memory_space<hbm>>
        %dma_start3A_88 = arith.constant 0 : i32
        %dma_start3A_89 = tpu.memref_slice %arg6[%add3A_50, %dma_start3A_88] : memref<320000x256xf32, #tpu.memory_space<hbm>> -> memref<80x256xf32, #tpu.memory_space<hbm>>
        tpu.enqueue_dma source(%arg8 : memref<80x256xf32, #tpu.memory_space<vmem>>) target(%dma_start3A_89 : memref<80x256xf32, #tpu.memory_space<hbm>>) target_semaphore(%run_scoped3A : memref<!tpu.dma_semaphore, #tpu.memory_space<semaphore_mem>>)
        %dma_wait3A_90 = arith.constant 0 : i32
        %dma_wait3A_91 = tpu.memref_slice %arg6[%add3A_50, %dma_wait3A_90] : memref<320000x256xf32, #tpu.memory_space<hbm>> -> memref<80x256xf32, #tpu.memory_space<hbm>>
        %dma_wait3A_92 = arith.constant 0 : i32
        %dma_wait3A_93 = tpu.memref_slice %arg6[%add3A_50, %dma_wait3A_92] : memref<320000x256xf32, #tpu.memory_space<hbm>> -> memref<80x256xf32, #tpu.memory_space<hbm>>
        tpu.wait_dma2 semaphore(%run_scoped3A : memref<!tpu.dma_semaphore, #tpu.memory_space<semaphore_mem>>) src(%arg8 : memref<80x256xf32, #tpu.memory_space<vmem>>) dst(%dma_wait3A_93 : memref<80x256xf32, #tpu.memory_space<hbm>>)
        tpu.yield
      }) : () -> ()
      "tpu.region"() ({
        %run_scoped3A = tpu.sem_alloc : memref<!tpu.dma_semaphore, #tpu.memory_space<semaphore_mem>>
        %dma_start3A_86 = arith.constant 0 : i32
        %dma_start3A_87 = tpu.memref_slice %arg7[%add3A_50, %dma_start3A_86] : memref<320000x128xf32, #tpu.memory_space<hbm>> -> memref<80x128xf32, #tpu.memory_space<hbm>>
        %dma_start3A_88 = arith.constant 0 : i32
        %dma_start3A_89 = tpu.memref_slice %arg7[%add3A_50, %dma_start3A_88] : memref<320000x128xf32, #tpu.memory_space<hbm>> -> memref<80x128xf32, #tpu.memory_space<hbm>>
        tpu.enqueue_dma source(%arg10 : memref<80x128xf32, #tpu.memory_space<vmem>>) target(%dma_start3A_89 : memref<80x128xf32, #tpu.memory_space<hbm>>) target_semaphore(%run_scoped3A : memref<!tpu.dma_semaphore, #tpu.memory_space<semaphore_mem>>)
        %dma_wait3A_90 = arith.constant 0 : i32
        %dma_wait3A_91 = tpu.memref_slice %arg7[%add3A_50, %dma_wait3A_90] : memref<320000x128xf32, #tpu.memory_space<hbm>> -> memref<80x128xf32, #tpu.memory_space<hbm>>
        %dma_wait3A_92 = arith.constant 0 : i32
        %dma_wait3A_93 = tpu.memref_slice %arg7[%add3A_50, %dma_wait3A_92] : memref<320000x128xf32, #tpu.memory_space<hbm>> -> memref<80x128xf32, #tpu.memory_space<hbm>>
        tpu.wait_dma2 semaphore(%run_scoped3A : memref<!tpu.dma_semaphore, #tpu.memory_space<semaphore_mem>>) src(%arg10 : memref<80x128xf32, #tpu.memory_space<vmem>>) dst(%dma_wait3A_93 : memref<80x128xf32, #tpu.memory_space<hbm>>)
        tpu.yield
      }) : () -> ()
      %add3A_59 = arith.constant 2 : i32
      %add3A_60 = arith.addi %mul3A_33, %add3A_59 : i32
      %mul3A_61 = arith.constant 80 : i32
      %mul3A_62 = arith.muli %add3A_60, %mul3A_61 : i32
      %dma_start3A_63 = tpu.memref_slice %arg12[%mul3A_62] : memref<10000xi32, #tpu.memory_space<vmem>> -> memref<80xi32, #tpu.memory_space<vmem>>
      %dma_start3A_64 = arith.constant 0 : i32
      %dma_start3A_65 = arith.constant 0 : i32
      %dma_start3A_66 = tpu.memref_slice %arg2[%dma_start3A_64, %dma_start3A_65] : memref<10000x256xf32, #tpu.memory_space<hbm>> -> memref<10000x256xf32, #tpu.memory_space<hbm>>
      tpu.enqueue_indirect_dma source(%dma_start3A_66 : memref<10000x256xf32, #tpu.memory_space<hbm>>) target(%arg8 : memref<80x256xf32, #tpu.memory_space<vmem>>) offsets(%dma_start3A_63 : memref<80xi32, #tpu.memory_space<vmem>>) semaphore(%arg14 : memref<!tpu.dma_semaphore, #tpu.memory_space<semaphore_mem>>)
      %dma_start3A_67 = tpu.memref_slice %arg13[%mul3A_62] : memref<10000xi32, #tpu.memory_space<vmem>> -> memref<80xi32, #tpu.memory_space<vmem>>
      %dma_start3A_68 = arith.constant 0 : i32
      %dma_start3A_69 = arith.constant 0 : i32
      %dma_start3A_70 = tpu.memref_slice %arg3[%dma_start3A_68, %dma_start3A_69] : memref<10000x128xf32, #tpu.memory_space<hbm>> -> memref<10000x128xf32, #tpu.memory_space<hbm>>
      tpu.enqueue_indirect_dma source(%dma_start3A_70 : memref<10000x128xf32, #tpu.memory_space<hbm>>) target(%arg10 : memref<80x128xf32, #tpu.memory_space<vmem>>) offsets(%dma_start3A_67 : memref<80xi32, #tpu.memory_space<vmem>>) semaphore(%arg14 : memref<!tpu.dma_semaphore, #tpu.memory_space<semaphore_mem>>)
      %add3A_71 = arith.constant 1 : i32
      %add3A_72 = arith.addi %mul3A_33, %add3A_71 : i32
      %mul3A_73 = arith.constant 80 : i32
      %mul3A_74 = arith.muli %add3A_72, %mul3A_73 : i32
      %mul3A_75 = arith.constant 80 : i32
      %mul3A_76 = arith.muli %add3A_72, %mul3A_75 : i32
      %add3A_77 = arith.addi %mul3A_2, %mul3A_76 : i32
      %dma_wait3A_78 = tpu.memref_slice %arg12[%mul3A_74] : memref<10000xi32, #tpu.memory_space<vmem>> -> memref<80xi32, #tpu.memory_space<vmem>>
      %dma_wait3A_79 = arith.constant 0 : i32
      %dma_wait3A_80 = arith.constant 0 : i32
      %dma_wait3A_81 = tpu.memref_slice %arg2[%dma_wait3A_79, %dma_wait3A_80] : memref<10000x256xf32, #tpu.memory_space<hbm>> -> memref<10000x256xf32, #tpu.memory_space<hbm>>
      tpu.wait_indirect_dma semaphore(%arg15 : memref<!tpu.dma_semaphore, #tpu.memory_space<semaphore_mem>>) src(%dma_wait3A_81 : memref<10000x256xf32, #tpu.memory_space<hbm>>) dst(%arg9 : memref<80x256xf32, #tpu.memory_space<vmem>>)
      %dma_wait3A_82 = tpu.memref_slice %arg13[%mul3A_74] : memref<10000xi32, #tpu.memory_space<vmem>> -> memref<80xi32, #tpu.memory_space<vmem>>
      %dma_wait3A_83 = arith.constant 0 : i32
      %dma_wait3A_84 = arith.constant 0 : i32
      %dma_wait3A_85 = tpu.memref_slice %arg3[%dma_wait3A_83, %dma_wait3A_84] : memref<10000x128xf32, #tpu.memory_space<hbm>> -> memref<10000x128xf32, #tpu.memory_space<hbm>>
      tpu.wait_indirect_dma semaphore(%arg15 : memref<!tpu.dma_semaphore, #tpu.memory_space<semaphore_mem>>) src(%dma_wait3A_85 : memref<10000x128xf32, #tpu.memory_space<hbm>>) dst(%arg11 : memref<80x128xf32, #tpu.memory_space<vmem>>)
      "tpu.region"() ({
        %run_scoped3A = tpu.sem_alloc : memref<!tpu.dma_semaphore, #tpu.memory_space<semaphore_mem>>
        %dma_start3A_86 = arith.constant 0 : i32
        %dma_start3A_87 = tpu.memref_slice %arg6[%add3A_77, %dma_start3A_86] : memref<320000x256xf32, #tpu.memory_space<hbm>> -> memref<80x256xf32, #tpu.memory_space<hbm>>
        %dma_start3A_88 = arith.constant 0 : i32
        %dma_start3A_89 = tpu.memref_slice %arg6[%add3A_77, %dma_start3A_88] : memref<320000x256xf32, #tpu.memory_space<hbm>> -> memref<80x256xf32, #tpu.memory_space<hbm>>
        tpu.enqueue_dma source(%arg9 : memref<80x256xf32, #tpu.memory_space<vmem>>) target(%dma_start3A_89 : memref<80x256xf32, #tpu.memory_space<hbm>>) target_semaphore(%run_scoped3A : memref<!tpu.dma_semaphore, #tpu.memory_space<semaphore_mem>>)
        %dma_wait3A_90 = arith.constant 0 : i32
        %dma_wait3A_91 = tpu.memref_slice %arg6[%add3A_77, %dma_wait3A_90] : memref<320000x256xf32, #tpu.memory_space<hbm>> -> memref<80x256xf32, #tpu.memory_space<hbm>>
        %dma_wait3A_92 = arith.constant 0 : i32
        %dma_wait3A_93 = tpu.memref_slice %arg6[%add3A_77, %dma_wait3A_92] : memref<320000x256xf32, #tpu.memory_space<hbm>> -> memref<80x256xf32, #tpu.memory_space<hbm>>
        tpu.wait_dma2 semaphore(%run_scoped3A : memref<!tpu.dma_semaphore, #tpu.memory_space<semaphore_mem>>) src(%arg9 : memref<80x256xf32, #tpu.memory_space<vmem>>) dst(%dma_wait3A_93 : memref<80x256xf32, #tpu.memory_space<hbm>>)
        tpu.yield
      }) : () -> ()
      "tpu.region"() ({
        %run_scoped3A = tpu.sem_alloc : memref<!tpu.dma_semaphore, #tpu.memory_space<semaphore_mem>>
        %dma_start3A_86 = arith.constant 0 : i32
        %dma_start3A_87 = tpu.memref_slice %arg7[%add3A_77, %dma_start3A_86] : memref<320000x128xf32, #tpu.memory_space<hbm>> -> memref<80x128xf32, #tpu.memory_space<hbm>>
        %dma_start3A_88 = arith.constant 0 : i32
        %dma_start3A_89 = tpu.memref_slice %arg7[%add3A_77, %dma_start3A_88] : memref<320000x128xf32, #tpu.memory_space<hbm>> -> memref<80x128xf32, #tpu.memory_space<hbm>>
        tpu.enqueue_dma source(%arg11 : memref<80x128xf32, #tpu.memory_space<vmem>>) target(%dma_start3A_89 : memref<80x128xf32, #tpu.memory_space<hbm>>) target_semaphore(%run_scoped3A : memref<!tpu.dma_semaphore, #tpu.memory_space<semaphore_mem>>)
        %dma_wait3A_90 = arith.constant 0 : i32
        %dma_wait3A_91 = tpu.memref_slice %arg7[%add3A_77, %dma_wait3A_90] : memref<320000x128xf32, #tpu.memory_space<hbm>> -> memref<80x128xf32, #tpu.memory_space<hbm>>
        %dma_wait3A_92 = arith.constant 0 : i32
        %dma_wait3A_93 = tpu.memref_slice %arg7[%add3A_77, %dma_wait3A_92] : memref<320000x128xf32, #tpu.memory_space<hbm>> -> memref<80x128xf32, #tpu.memory_space<hbm>>
        tpu.wait_dma2 semaphore(%run_scoped3A : memref<!tpu.dma_semaphore, #tpu.memory_space<semaphore_mem>>) src(%arg11 : memref<80x128xf32, #tpu.memory_space<vmem>>) dst(%dma_wait3A_93 : memref<80x128xf32, #tpu.memory_space<hbm>>)
        tpu.yield
      }) : () -> ()
    }
    %scan3A_15 = arith.constant 62 : i32
    %add3A_16 = arith.constant 9920 : i32
    %add3A_17 = arith.addi %mul3A_2, %add3A_16 : i32
    %dma_wait3A = arith.constant 9920 : i32
    %dma_wait3A_18 = tpu.memref_slice %arg12[%dma_wait3A] : memref<10000xi32, #tpu.memory_space<vmem>> -> memref<80xi32, #tpu.memory_space<vmem>>
    %dma_wait3A_19 = arith.constant 0 : i32
    %dma_wait3A_20 = arith.constant 0 : i32
    %dma_wait3A_21 = tpu.memref_slice %arg2[%dma_wait3A_19, %dma_wait3A_20] : memref<10000x256xf32, #tpu.memory_space<hbm>> -> memref<10000x256xf32, #tpu.memory_space<hbm>>
    tpu.wait_indirect_dma semaphore(%arg14 : memref<!tpu.dma_semaphore, #tpu.memory_space<semaphore_mem>>) src(%dma_wait3A_21 : memref<10000x256xf32, #tpu.memory_space<hbm>>) dst(%arg8 : memref<80x256xf32, #tpu.memory_space<vmem>>)
    %dma_wait3A_22 = arith.constant 9920 : i32
    %dma_wait3A_23 = tpu.memref_slice %arg13[%dma_wait3A_22] : memref<10000xi32, #tpu.memory_space<vmem>> -> memref<80xi32, #tpu.memory_space<vmem>>
    %dma_wait3A_24 = arith.constant 0 : i32
    %dma_wait3A_25 = arith.constant 0 : i32
    %dma_wait3A_26 = tpu.memref_slice %arg3[%dma_wait3A_24, %dma_wait3A_25] : memref<10000x128xf32, #tpu.memory_space<hbm>> -> memref<10000x128xf32, #tpu.memory_space<hbm>>
    tpu.wait_indirect_dma semaphore(%arg14 : memref<!tpu.dma_semaphore, #tpu.memory_space<semaphore_mem>>) src(%dma_wait3A_26 : memref<10000x128xf32, #tpu.memory_space<hbm>>) dst(%arg10 : memref<80x128xf32, #tpu.memory_space<vmem>>)
    "tpu.region"() ({
      %run_scoped3A = tpu.sem_alloc : memref<!tpu.dma_semaphore, #tpu.memory_space<semaphore_mem>>
      %dma_start3A_27 = arith.constant 0 : i32
      %dma_start3A_28 = tpu.memref_slice %arg6[%add3A_17, %dma_start3A_27] : memref<320000x256xf32, #tpu.memory_space<hbm>> -> memref<80x256xf32, #tpu.memory_space<hbm>>
      %dma_start3A_29 = arith.constant 0 : i32
      %dma_start3A_30 = tpu.memref_slice %arg6[%add3A_17, %dma_start3A_29] : memref<320000x256xf32, #tpu.memory_space<hbm>> -> memref<80x256xf32, #tpu.memory_space<hbm>>
      tpu.enqueue_dma source(%arg8 : memref<80x256xf32, #tpu.memory_space<vmem>>) target(%dma_start3A_30 : memref<80x256xf32, #tpu.memory_space<hbm>>) target_semaphore(%run_scoped3A : memref<!tpu.dma_semaphore, #tpu.memory_space<semaphore_mem>>)
      %dma_wait3A_31 = arith.constant 0 : i32
      %dma_wait3A_32 = tpu.memref_slice %arg6[%add3A_17, %dma_wait3A_31] : memref<320000x256xf32, #tpu.memory_space<hbm>> -> memref<80x256xf32, #tpu.memory_space<hbm>>
      %dma_wait3A_33 = arith.constant 0 : i32
      %dma_wait3A_34 = tpu.memref_slice %arg6[%add3A_17, %dma_wait3A_33] : memref<320000x256xf32, #tpu.memory_space<hbm>> -> memref<80x256xf32, #tpu.memory_space<hbm>>
      tpu.wait_dma2 semaphore(%run_scoped3A : memref<!tpu.dma_semaphore, #tpu.memory_space<semaphore_mem>>) src(%arg8 : memref<80x256xf32, #tpu.memory_space<vmem>>) dst(%dma_wait3A_34 : memref<80x256xf32, #tpu.memory_space<hbm>>)
      tpu.yield
    }) : () -> ()
    "tpu.region"() ({
      %run_scoped3A = tpu.sem_alloc : memref<!tpu.dma_semaphore, #tpu.memory_space<semaphore_mem>>
      %dma_start3A_27 = arith.constant 0 : i32
      %dma_start3A_28 = tpu.memref_slice %arg7[%add3A_17, %dma_start3A_27] : memref<320000x128xf32, #tpu.memory_space<hbm>> -> memref<80x128xf32, #tpu.memory_space<hbm>>
      %dma_start3A_29 = arith.constant 0 : i32
      %dma_start3A_30 = tpu.memref_slice %arg7[%add3A_17, %dma_start3A_29] : memref<320000x128xf32, #tpu.memory_space<hbm>> -> memref<80x128xf32, #tpu.memory_space<hbm>>
      tpu.enqueue_dma source(%arg10 : memref<80x128xf32, #tpu.memory_space<vmem>>) target(%dma_start3A_30 : memref<80x128xf32, #tpu.memory_space<hbm>>) target_semaphore(%run_scoped3A : memref<!tpu.dma_semaphore, #tpu.memory_space<semaphore_mem>>)
      %dma_wait3A_31 = arith.constant 0 : i32
      %dma_wait3A_32 = tpu.memref_slice %arg7[%add3A_17, %dma_wait3A_31] : memref<320000x128xf32, #tpu.memory_space<hbm>> -> memref<80x128xf32, #tpu.memory_space<hbm>>
      %dma_wait3A_33 = arith.constant 0 : i32
      %dma_wait3A_34 = tpu.memref_slice %arg7[%add3A_17, %dma_wait3A_33] : memref<320000x128xf32, #tpu.memory_space<hbm>> -> memref<80x128xf32, #tpu.memory_space<hbm>>
      tpu.wait_dma2 semaphore(%run_scoped3A : memref<!tpu.dma_semaphore, #tpu.memory_space<semaphore_mem>>) src(%arg10 : memref<80x128xf32, #tpu.memory_space<vmem>>) dst(%dma_wait3A_34 : memref<80x128xf32, #tpu.memory_space<hbm>>)
      tpu.yield
    }) : () -> ()
    return
  }
}

#map = affine_map<(d0, d1) -> (0, 0)>
#map1 = affine_map<(d0, d1) -> (0)>
#map2 = affine_map<(d0, d1) -> (0, 0, 0)>
module attributes {stable_mosaic.version = 14 : i64} {
  func.func @k(%arg0: i32, %arg1: i32, %arg2: memref<320000x128xf32, #tpu.memory_space<hbm>>, %arg3: memref<320000xi32, #tpu.memory_space<hbm>>, %arg4: memref<64x128xf32, #tpu.memory_space<hbm>>, %arg5: memref<10240xi32, #tpu.memory_space<hbm>>, %arg6: memref<2x10240x128xf32, #tpu.memory_space<hbm>>, %arg7: memref<10240x128xf32, #tpu.memory_space<vmem_shared>>, %arg8: memref<80x128xf32, #tpu.memory_space<vmem>>, %arg9: memref<80x128xf32, #tpu.memory_space<vmem>>, %arg10: memref<80xi32, #tpu.memory_space<vmem>>, %arg11: memref<80xi32, #tpu.memory_space<vmem>>, %arg12: memref<64x128xf32, #tpu.memory_space<vmem>>, %arg13: memref<64xi32, #tpu.memory_space<vmem>>, %arg14: memref<!tpu.dma_semaphore, #tpu.memory_space<semaphore_mem>>, %arg15: memref<!tpu.dma_semaphore, #tpu.memory_space<semaphore_mem>>) attributes {dimension_semantics = [#tpu.dimension_semantics<core_parallel>, #tpu.dimension_semantics<subcore_parallel>], iteration_bounds = array<i64: 2, 16>, scalar_prefetch = 0 : i64, scratch_operands = 9 : i64, tpu.core_type = #tpu.core_type<sc_vector_subcore>, window_params = [{transform_indices = #map}, {transform_indices = #map1}, {transform_indices = #map}, {transform_indices = #map1}, {transform_indices = #map2}]} {
    %mul3A = arith.constant 2 : i32
    %mul3A_0 = arith.muli %arg1, %mul3A : i32
    %add3A = arith.addi %mul3A_0, %arg0 : i32
    "tpu.region"() ({
      %run_scoped3A = tpu.sem_alloc : memref<!tpu.dma_semaphore, #tpu.memory_space<semaphore_mem>>
      tpu.enqueue_dma source(%arg4 : memref<64x128xf32, #tpu.memory_space<hbm>>) target(%arg12 : memref<64x128xf32, #tpu.memory_space<vmem>>) target_semaphore(%run_scoped3A : memref<!tpu.dma_semaphore, #tpu.memory_space<semaphore_mem>>)
      tpu.wait_dma2 semaphore(%run_scoped3A : memref<!tpu.dma_semaphore, #tpu.memory_space<semaphore_mem>>) src(%arg4 : memref<64x128xf32, #tpu.memory_space<hbm>>) dst(%arg12 : memref<64x128xf32, #tpu.memory_space<vmem>>)
      tpu.yield
    }) : () -> ()
    %scan3A = arith.constant 0 : i32
    %scan3A_1 = arith.constant 10 : i32
    %scan3A_2 = arith.addi %scan3A, %scan3A_1 : i32
    %scan3A_3 = arith.constant 1 : i32
    scf.for %scan3A_32 = %scan3A to %scan3A_2 step %scan3A_3  : i32 {
      %mul3A_33 = arith.constant 64 : i32
      %mul3A_34 = arith.muli %scan3A_32, %mul3A_33 : i32
      %add3A_35 = arith.constant 0 : i32
      %add3A_36 = arith.addi %add3A_35, %mul3A_34 : i32
      %mul3A_37 = arith.constant 640 : i32
      %mul3A_38 = arith.muli %arg1, %mul3A_37 : i32
      %add3A_39 = arith.addi %mul3A_38, %add3A_36 : i32
      "tpu.region"() ({
        %run_scoped3A = tpu.sem_alloc : memref<!tpu.dma_semaphore, #tpu.memory_space<semaphore_mem>>
        %dma_start3A_40 = tpu.memref_slice %arg5[%add3A_39] : memref<10240xi32, #tpu.memory_space<hbm>> -> memref<64xi32, #tpu.memory_space<hbm>>
        %dma_start3A_41 = tpu.memref_slice %arg5[%add3A_39] : memref<10240xi32, #tpu.memory_space<hbm>> -> memref<64xi32, #tpu.memory_space<hbm>>
        tpu.enqueue_dma source(%dma_start3A_41 : memref<64xi32, #tpu.memory_space<hbm>>) target(%arg13 : memref<64xi32, #tpu.memory_space<vmem>>) target_semaphore(%run_scoped3A : memref<!tpu.dma_semaphore, #tpu.memory_space<semaphore_mem>>)
        %dma_wait3A_42 = tpu.memref_slice %arg5[%add3A_39] : memref<10240xi32, #tpu.memory_space<hbm>> -> memref<64xi32, #tpu.memory_space<hbm>>
        %dma_wait3A_43 = tpu.memref_slice %arg5[%add3A_39] : memref<10240xi32, #tpu.memory_space<hbm>> -> memref<64xi32, #tpu.memory_space<hbm>>
        tpu.wait_dma2 semaphore(%run_scoped3A : memref<!tpu.dma_semaphore, #tpu.memory_space<semaphore_mem>>) src(%dma_wait3A_43 : memref<64xi32, #tpu.memory_space<hbm>>) dst(%arg13 : memref<64xi32, #tpu.memory_space<vmem>>)
        tpu.yield
      }) : () -> ()
      "tpu.region"() ({
        %run_scoped3A = tpu.sem_alloc : memref<!tpu.dma_semaphore, #tpu.memory_space<semaphore_mem>>
        %dma_start3A_40 = arith.constant 0 : i32
        %dma_start3A_41 = arith.constant 0 : i32
        %dma_start3A_42 = tpu.memref_slice %arg7[%dma_start3A_40, %dma_start3A_41] : memref<10240x128xf32, #tpu.memory_space<vmem_shared>> -> memref<10240x128xf32, #tpu.memory_space<vmem_shared>>
        tpu.enqueue_indirect_dma source(%arg12 : memref<64x128xf32, #tpu.memory_space<vmem>>) target(%dma_start3A_42 : memref<10240x128xf32, #tpu.memory_space<vmem_shared>>) offsets(%arg13 : memref<64xi32, #tpu.memory_space<vmem>>) semaphore(%run_scoped3A : memref<!tpu.dma_semaphore, #tpu.memory_space<semaphore_mem>>)
        %dma_wait3A_43 = arith.constant 0 : i32
        %dma_wait3A_44 = arith.constant 0 : i32
        %dma_wait3A_45 = tpu.memref_slice %arg7[%dma_wait3A_43, %dma_wait3A_44] : memref<10240x128xf32, #tpu.memory_space<vmem_shared>> -> memref<10240x128xf32, #tpu.memory_space<vmem_shared>>
        tpu.wait_indirect_dma semaphore(%run_scoped3A : memref<!tpu.dma_semaphore, #tpu.memory_space<semaphore_mem>>) src(%arg12 : memref<64x128xf32, #tpu.memory_space<vmem>>) dst(%dma_wait3A_45 : memref<10240x128xf32, #tpu.memory_space<vmem_shared>>)
        tpu.yield
      }) : () -> ()
    }
    %scan3A_4 = arith.constant 10 : i32
    %barrier3A = arith.constant 0 : index
    tpu.barrier barrier_id(%barrier3A)
    %mul3A_5 = arith.constant 10000 : i32
    %mul3A_6 = arith.muli %add3A, %mul3A_5 : i32
    %add3A_7 = arith.constant 0 : i32
    %add3A_8 = arith.addi %mul3A_6, %add3A_7 : i32
    %dma_start3A = arith.constant 0 : i32
    %dma_start3A_9 = tpu.memref_slice %arg2[%add3A_8, %dma_start3A] : memref<320000x128xf32, #tpu.memory_space<hbm>> -> memref<80x128xf32, #tpu.memory_space<hbm>>
    %dma_start3A_10 = arith.constant 0 : i32
    %dma_start3A_11 = tpu.memref_slice %arg2[%add3A_8, %dma_start3A_10] : memref<320000x128xf32, #tpu.memory_space<hbm>> -> memref<80x128xf32, #tpu.memory_space<hbm>>
    tpu.enqueue_dma source(%dma_start3A_11 : memref<80x128xf32, #tpu.memory_space<hbm>>) target(%arg8 : memref<80x128xf32, #tpu.memory_space<vmem>>) target_semaphore(%arg14 : memref<!tpu.dma_semaphore, #tpu.memory_space<semaphore_mem>>)
    %dma_start3A_12 = tpu.memref_slice %arg3[%add3A_8] : memref<320000xi32, #tpu.memory_space<hbm>> -> memref<80xi32, #tpu.memory_space<hbm>>
    %dma_start3A_13 = tpu.memref_slice %arg3[%add3A_8] : memref<320000xi32, #tpu.memory_space<hbm>> -> memref<80xi32, #tpu.memory_space<hbm>>
    tpu.enqueue_dma source(%dma_start3A_13 : memref<80xi32, #tpu.memory_space<hbm>>) target(%arg10 : memref<80xi32, #tpu.memory_space<vmem>>) target_semaphore(%arg14 : memref<!tpu.dma_semaphore, #tpu.memory_space<semaphore_mem>>)
    %scan3A_14 = arith.constant 0 : i32
    %scan3A_15 = arith.constant 62 : i32
    %scan3A_16 = arith.addi %scan3A_14, %scan3A_15 : i32
    %scan3A_17 = arith.constant 1 : i32
    scf.for %scan3A_32 = %scan3A_14 to %scan3A_16 step %scan3A_17  : i32 {
      %mul3A_33 = arith.constant 1 : i32
      %mul3A_34 = arith.muli %scan3A_32, %mul3A_33 : i32
      %add3A_35 = arith.constant 0 : i32
      %add3A_36 = arith.addi %add3A_35, %mul3A_34 : i32
      %mul3A_37 = arith.constant 2 : i32
      %mul3A_38 = arith.muli %mul3A_37, %add3A_36 : i32
      %add3A_39 = arith.constant 1 : i32
      %add3A_40 = arith.addi %mul3A_38, %add3A_39 : i32
      %mul3A_41 = arith.constant 80 : i32
      %mul3A_42 = arith.muli %add3A_40, %mul3A_41 : i32
      %add3A_43 = arith.addi %mul3A_6, %mul3A_42 : i32
      %dma_start3A_44 = arith.constant 0 : i32
      %dma_start3A_45 = tpu.memref_slice %arg2[%add3A_43, %dma_start3A_44] : memref<320000x128xf32, #tpu.memory_space<hbm>> -> memref<80x128xf32, #tpu.memory_space<hbm>>
      %dma_start3A_46 = arith.constant 0 : i32
      %dma_start3A_47 = tpu.memref_slice %arg2[%add3A_43, %dma_start3A_46] : memref<320000x128xf32, #tpu.memory_space<hbm>> -> memref<80x128xf32, #tpu.memory_space<hbm>>
      tpu.enqueue_dma source(%dma_start3A_47 : memref<80x128xf32, #tpu.memory_space<hbm>>) target(%arg9 : memref<80x128xf32, #tpu.memory_space<vmem>>) target_semaphore(%arg15 : memref<!tpu.dma_semaphore, #tpu.memory_space<semaphore_mem>>)
      %dma_start3A_48 = tpu.memref_slice %arg3[%add3A_43] : memref<320000xi32, #tpu.memory_space<hbm>> -> memref<80xi32, #tpu.memory_space<hbm>>
      %dma_start3A_49 = tpu.memref_slice %arg3[%add3A_43] : memref<320000xi32, #tpu.memory_space<hbm>> -> memref<80xi32, #tpu.memory_space<hbm>>
      tpu.enqueue_dma source(%dma_start3A_49 : memref<80xi32, #tpu.memory_space<hbm>>) target(%arg11 : memref<80xi32, #tpu.memory_space<vmem>>) target_semaphore(%arg15 : memref<!tpu.dma_semaphore, #tpu.memory_space<semaphore_mem>>)
      %mul3A_50 = arith.constant 80 : i32
      %mul3A_51 = arith.muli %mul3A_38, %mul3A_50 : i32
      %add3A_52 = arith.addi %mul3A_6, %mul3A_51 : i32
      %dma_wait3A_53 = arith.constant 0 : i32
      %dma_wait3A_54 = tpu.memref_slice %arg2[%add3A_52, %dma_wait3A_53] : memref<320000x128xf32, #tpu.memory_space<hbm>> -> memref<80x128xf32, #tpu.memory_space<hbm>>
      %dma_wait3A_55 = arith.constant 0 : i32
      %dma_wait3A_56 = tpu.memref_slice %arg2[%add3A_52, %dma_wait3A_55] : memref<320000x128xf32, #tpu.memory_space<hbm>> -> memref<80x128xf32, #tpu.memory_space<hbm>>
      tpu.wait_dma2 semaphore(%arg14 : memref<!tpu.dma_semaphore, #tpu.memory_space<semaphore_mem>>) src(%dma_wait3A_56 : memref<80x128xf32, #tpu.memory_space<hbm>>) dst(%arg8 : memref<80x128xf32, #tpu.memory_space<vmem>>)
      %dma_wait3A_57 = tpu.memref_slice %arg3[%add3A_52] : memref<320000xi32, #tpu.memory_space<hbm>> -> memref<80xi32, #tpu.memory_space<hbm>>
      %dma_wait3A_58 = tpu.memref_slice %arg3[%add3A_52] : memref<320000xi32, #tpu.memory_space<hbm>> -> memref<80xi32, #tpu.memory_space<hbm>>
      tpu.wait_dma2 semaphore(%arg14 : memref<!tpu.dma_semaphore, #tpu.memory_space<semaphore_mem>>) src(%dma_wait3A_58 : memref<80xi32, #tpu.memory_space<hbm>>) dst(%arg10 : memref<80xi32, #tpu.memory_space<vmem>>)
      "tpu.region"() ({
        %run_scoped3A = tpu.sem_alloc : memref<!tpu.dma_semaphore, #tpu.memory_space<semaphore_mem>>
        %dma_start3A_81 = arith.constant 0 : i32
        %dma_start3A_82 = arith.constant 0 : i32
        %dma_start3A_83 = tpu.memref_slice %arg7[%dma_start3A_81, %dma_start3A_82] : memref<10240x128xf32, #tpu.memory_space<vmem_shared>> -> memref<10240x128xf32, #tpu.memory_space<vmem_shared>>
        tpu.enqueue_indirect_dma source(%arg8 : memref<80x128xf32, #tpu.memory_space<vmem>>) target(%dma_start3A_83 : memref<10240x128xf32, #tpu.memory_space<vmem_shared>>) offsets(%arg10 : memref<80xi32, #tpu.memory_space<vmem>>) semaphore(%run_scoped3A : memref<!tpu.dma_semaphore, #tpu.memory_space<semaphore_mem>>) {add = true}
        %dma_wait3A_84 = arith.constant 0 : i32
        %dma_wait3A_85 = arith.constant 0 : i32
        %dma_wait3A_86 = tpu.memref_slice %arg7[%dma_wait3A_84, %dma_wait3A_85] : memref<10240x128xf32, #tpu.memory_space<vmem_shared>> -> memref<10240x128xf32, #tpu.memory_space<vmem_shared>>
        tpu.wait_indirect_dma semaphore(%run_scoped3A : memref<!tpu.dma_semaphore, #tpu.memory_space<semaphore_mem>>) src(%arg8 : memref<80x128xf32, #tpu.memory_space<vmem>>) dst(%dma_wait3A_86 : memref<10240x128xf32, #tpu.memory_space<vmem_shared>>)
        tpu.yield
      }) : () -> ()
      %add3A_59 = arith.constant 2 : i32
      %add3A_60 = arith.addi %mul3A_38, %add3A_59 : i32
      %mul3A_61 = arith.constant 80 : i32
      %mul3A_62 = arith.muli %add3A_60, %mul3A_61 : i32
      %add3A_63 = arith.addi %mul3A_6, %mul3A_62 : i32
      %dma_start3A_64 = arith.constant 0 : i32
      %dma_start3A_65 = tpu.memref_slice %arg2[%add3A_63, %dma_start3A_64] : memref<320000x128xf32, #tpu.memory_space<hbm>> -> memref<80x128xf32, #tpu.memory_space<hbm>>
      %dma_start3A_66 = arith.constant 0 : i32
      %dma_start3A_67 = tpu.memref_slice %arg2[%add3A_63, %dma_start3A_66] : memref<320000x128xf32, #tpu.memory_space<hbm>> -> memref<80x128xf32, #tpu.memory_space<hbm>>
      tpu.enqueue_dma source(%dma_start3A_67 : memref<80x128xf32, #tpu.memory_space<hbm>>) target(%arg8 : memref<80x128xf32, #tpu.memory_space<vmem>>) target_semaphore(%arg14 : memref<!tpu.dma_semaphore, #tpu.memory_space<semaphore_mem>>)
      %dma_start3A_68 = tpu.memref_slice %arg3[%add3A_63] : memref<320000xi32, #tpu.memory_space<hbm>> -> memref<80xi32, #tpu.memory_space<hbm>>
      %dma_start3A_69 = tpu.memref_slice %arg3[%add3A_63] : memref<320000xi32, #tpu.memory_space<hbm>> -> memref<80xi32, #tpu.memory_space<hbm>>
      tpu.enqueue_dma source(%dma_start3A_69 : memref<80xi32, #tpu.memory_space<hbm>>) target(%arg10 : memref<80xi32, #tpu.memory_space<vmem>>) target_semaphore(%arg14 : memref<!tpu.dma_semaphore, #tpu.memory_space<semaphore_mem>>)
      %add3A_70 = arith.constant 1 : i32
      %add3A_71 = arith.addi %mul3A_38, %add3A_70 : i32
      %mul3A_72 = arith.constant 80 : i32
      %mul3A_73 = arith.muli %add3A_71, %mul3A_72 : i32
      %add3A_74 = arith.addi %mul3A_6, %mul3A_73 : i32
      %dma_wait3A_75 = arith.constant 0 : i32
      %dma_wait3A_76 = tpu.memref_slice %arg2[%add3A_74, %dma_wait3A_75] : memref<320000x128xf32, #tpu.memory_space<hbm>> -> memref<80x128xf32, #tpu.memory_space<hbm>>
      %dma_wait3A_77 = arith.constant 0 : i32
      %dma_wait3A_78 = tpu.memref_slice %arg2[%add3A_74, %dma_wait3A_77] : memref<320000x128xf32, #tpu.memory_space<hbm>> -> memref<80x128xf32, #tpu.memory_space<hbm>>
      tpu.wait_dma2 semaphore(%arg15 : memref<!tpu.dma_semaphore, #tpu.memory_space<semaphore_mem>>) src(%dma_wait3A_78 : memref<80x128xf32, #tpu.memory_space<hbm>>) dst(%arg9 : memref<80x128xf32, #tpu.memory_space<vmem>>)
      %dma_wait3A_79 = tpu.memref_slice %arg3[%add3A_74] : memref<320000xi32, #tpu.memory_space<hbm>> -> memref<80xi32, #tpu.memory_space<hbm>>
      %dma_wait3A_80 = tpu.memref_slice %arg3[%add3A_74] : memref<320000xi32, #tpu.memory_space<hbm>> -> memref<80xi32, #tpu.memory_space<hbm>>
      tpu.wait_dma2 semaphore(%arg15 : memref<!tpu.dma_semaphore, #tpu.memory_space<semaphore_mem>>) src(%dma_wait3A_80 : memref<80xi32, #tpu.memory_space<hbm>>) dst(%arg11 : memref<80xi32, #tpu.memory_space<vmem>>)
      "tpu.region"() ({
        %run_scoped3A = tpu.sem_alloc : memref<!tpu.dma_semaphore, #tpu.memory_space<semaphore_mem>>
        %dma_start3A_81 = arith.constant 0 : i32
        %dma_start3A_82 = arith.constant 0 : i32
        %dma_start3A_83 = tpu.memref_slice %arg7[%dma_start3A_81, %dma_start3A_82] : memref<10240x128xf32, #tpu.memory_space<vmem_shared>> -> memref<10240x128xf32, #tpu.memory_space<vmem_shared>>
        tpu.enqueue_indirect_dma source(%arg9 : memref<80x128xf32, #tpu.memory_space<vmem>>) target(%dma_start3A_83 : memref<10240x128xf32, #tpu.memory_space<vmem_shared>>) offsets(%arg11 : memref<80xi32, #tpu.memory_space<vmem>>) semaphore(%run_scoped3A : memref<!tpu.dma_semaphore, #tpu.memory_space<semaphore_mem>>) {add = true}
        %dma_wait3A_84 = arith.constant 0 : i32
        %dma_wait3A_85 = arith.constant 0 : i32
        %dma_wait3A_86 = tpu.memref_slice %arg7[%dma_wait3A_84, %dma_wait3A_85] : memref<10240x128xf32, #tpu.memory_space<vmem_shared>> -> memref<10240x128xf32, #tpu.memory_space<vmem_shared>>
        tpu.wait_indirect_dma semaphore(%run_scoped3A : memref<!tpu.dma_semaphore, #tpu.memory_space<semaphore_mem>>) src(%arg9 : memref<80x128xf32, #tpu.memory_space<vmem>>) dst(%dma_wait3A_86 : memref<10240x128xf32, #tpu.memory_space<vmem_shared>>)
        tpu.yield
      }) : () -> ()
    }
    %scan3A_18 = arith.constant 62 : i32
    %add3A_19 = arith.constant 9920 : i32
    %add3A_20 = arith.addi %mul3A_6, %add3A_19 : i32
    %dma_wait3A = arith.constant 0 : i32
    %dma_wait3A_21 = tpu.memref_slice %arg2[%add3A_20, %dma_wait3A] : memref<320000x128xf32, #tpu.memory_space<hbm>> -> memref<80x128xf32, #tpu.memory_space<hbm>>
    %dma_wait3A_22 = arith.constant 0 : i32
    %dma_wait3A_23 = tpu.memref_slice %arg2[%add3A_20, %dma_wait3A_22] : memref<320000x128xf32, #tpu.memory_space<hbm>> -> memref<80x128xf32, #tpu.memory_space<hbm>>
    tpu.wait_dma2 semaphore(%arg14 : memref<!tpu.dma_semaphore, #tpu.memory_space<semaphore_mem>>) src(%dma_wait3A_23 : memref<80x128xf32, #tpu.memory_space<hbm>>) dst(%arg8 : memref<80x128xf32, #tpu.memory_space<vmem>>)
    %dma_wait3A_24 = tpu.memref_slice %arg3[%add3A_20] : memref<320000xi32, #tpu.memory_space<hbm>> -> memref<80xi32, #tpu.memory_space<hbm>>
    %dma_wait3A_25 = tpu.memref_slice %arg3[%add3A_20] : memref<320000xi32, #tpu.memory_space<hbm>> -> memref<80xi32, #tpu.memory_space<hbm>>
    tpu.wait_dma2 semaphore(%arg14 : memref<!tpu.dma_semaphore, #tpu.memory_space<semaphore_mem>>) src(%dma_wait3A_25 : memref<80xi32, #tpu.memory_space<hbm>>) dst(%arg10 : memref<80xi32, #tpu.memory_space<vmem>>)
    "tpu.region"() ({
      %run_scoped3A = tpu.sem_alloc : memref<!tpu.dma_semaphore, #tpu.memory_space<semaphore_mem>>
      %dma_start3A_32 = arith.constant 0 : i32
      %dma_start3A_33 = arith.constant 0 : i32
      %dma_start3A_34 = tpu.memref_slice %arg7[%dma_start3A_32, %dma_start3A_33] : memref<10240x128xf32, #tpu.memory_space<vmem_shared>> -> memref<10240x128xf32, #tpu.memory_space<vmem_shared>>
      tpu.enqueue_indirect_dma source(%arg8 : memref<80x128xf32, #tpu.memory_space<vmem>>) target(%dma_start3A_34 : memref<10240x128xf32, #tpu.memory_space<vmem_shared>>) offsets(%arg10 : memref<80xi32, #tpu.memory_space<vmem>>) semaphore(%run_scoped3A : memref<!tpu.dma_semaphore, #tpu.memory_space<semaphore_mem>>) {add = true}
      %dma_wait3A_35 = arith.constant 0 : i32
      %dma_wait3A_36 = arith.constant 0 : i32
      %dma_wait3A_37 = tpu.memref_slice %arg7[%dma_wait3A_35, %dma_wait3A_36] : memref<10240x128xf32, #tpu.memory_space<vmem_shared>> -> memref<10240x128xf32, #tpu.memory_space<vmem_shared>>
      tpu.wait_indirect_dma semaphore(%run_scoped3A : memref<!tpu.dma_semaphore, #tpu.memory_space<semaphore_mem>>) src(%arg8 : memref<80x128xf32, #tpu.memory_space<vmem>>) dst(%dma_wait3A_37 : memref<10240x128xf32, #tpu.memory_space<vmem_shared>>)
      tpu.yield
    }) : () -> ()
    %barrier3A_26 = arith.constant 0 : index
    tpu.barrier barrier_id(%barrier3A_26)
    %scan3A_27 = arith.constant 0 : i32
    %scan3A_28 = arith.constant 10 : i32
    %scan3A_29 = arith.addi %scan3A_27, %scan3A_28 : i32
    %scan3A_30 = arith.constant 1 : i32
    scf.for %scan3A_32 = %scan3A_27 to %scan3A_29 step %scan3A_30  : i32 {
      %mul3A_33 = arith.constant 64 : i32
      %mul3A_34 = arith.muli %scan3A_32, %mul3A_33 : i32
      %add3A_35 = arith.constant 0 : i32
      %add3A_36 = arith.addi %add3A_35, %mul3A_34 : i32
      %mul3A_37 = arith.constant 640 : i32
      %mul3A_38 = arith.muli %arg1, %mul3A_37 : i32
      %add3A_39 = arith.addi %mul3A_38, %add3A_36 : i32
      %mul3A_40 = arith.constant 640 : i32
      %mul3A_41 = arith.muli %arg1, %mul3A_40 : i32
      %add3A_42 = arith.addi %mul3A_41, %add3A_36 : i32
      "tpu.region"() ({
        %run_scoped3A = tpu.sem_alloc : memref<!tpu.dma_semaphore, #tpu.memory_space<semaphore_mem>>
        %dma_start3A_43 = tpu.memref_slice %arg5[%add3A_42] : memref<10240xi32, #tpu.memory_space<hbm>> -> memref<64xi32, #tpu.memory_space<hbm>>
        %dma_start3A_44 = tpu.memref_slice %arg5[%add3A_42] : memref<10240xi32, #tpu.memory_space<hbm>> -> memref<64xi32, #tpu.memory_space<hbm>>
        tpu.enqueue_dma source(%dma_start3A_44 : memref<64xi32, #tpu.memory_space<hbm>>) target(%arg13 : memref<64xi32, #tpu.memory_space<vmem>>) target_semaphore(%run_scoped3A : memref<!tpu.dma_semaphore, #tpu.memory_space<semaphore_mem>>)
        %dma_wait3A_45 = tpu.memref_slice %arg5[%add3A_42] : memref<10240xi32, #tpu.memory_space<hbm>> -> memref<64xi32, #tpu.memory_space<hbm>>
        %dma_wait3A_46 = tpu.memref_slice %arg5[%add3A_42] : memref<10240xi32, #tpu.memory_space<hbm>> -> memref<64xi32, #tpu.memory_space<hbm>>
        tpu.wait_dma2 semaphore(%run_scoped3A : memref<!tpu.dma_semaphore, #tpu.memory_space<semaphore_mem>>) src(%dma_wait3A_46 : memref<64xi32, #tpu.memory_space<hbm>>) dst(%arg13 : memref<64xi32, #tpu.memory_space<vmem>>)
        tpu.yield
      }) : () -> ()
      "tpu.region"() ({
        %run_scoped3A = tpu.sem_alloc : memref<!tpu.dma_semaphore, #tpu.memory_space<semaphore_mem>>
        %dma_start3A_43 = arith.constant 0 : i32
        %dma_start3A_44 = arith.constant 0 : i32
        %dma_start3A_45 = tpu.memref_slice %arg7[%dma_start3A_43, %dma_start3A_44] : memref<10240x128xf32, #tpu.memory_space<vmem_shared>> -> memref<10240x128xf32, #tpu.memory_space<vmem_shared>>
        tpu.enqueue_indirect_dma source(%dma_start3A_45 : memref<10240x128xf32, #tpu.memory_space<vmem_shared>>) target(%arg12 : memref<64x128xf32, #tpu.memory_space<vmem>>) offsets(%arg13 : memref<64xi32, #tpu.memory_space<vmem>>) semaphore(%run_scoped3A : memref<!tpu.dma_semaphore, #tpu.memory_space<semaphore_mem>>)
        %dma_wait3A_46 = arith.constant 0 : i32
        %dma_wait3A_47 = arith.constant 0 : i32
        %dma_wait3A_48 = tpu.memref_slice %arg7[%dma_wait3A_46, %dma_wait3A_47] : memref<10240x128xf32, #tpu.memory_space<vmem_shared>> -> memref<10240x128xf32, #tpu.memory_space<vmem_shared>>
        tpu.wait_indirect_dma semaphore(%run_scoped3A : memref<!tpu.dma_semaphore, #tpu.memory_space<semaphore_mem>>) src(%dma_wait3A_48 : memref<10240x128xf32, #tpu.memory_space<vmem_shared>>) dst(%arg12 : memref<64x128xf32, #tpu.memory_space<vmem>>)
        tpu.yield
      }) : () -> ()
      "tpu.region"() ({
        %run_scoped3A = tpu.sem_alloc : memref<!tpu.dma_semaphore, #tpu.memory_space<semaphore_mem>>
        %dma_start3A_43 = arith.constant 0 : i32
        %dma_start3A_44 = tpu.memref_slice %arg6[%arg0, %add3A_39, %dma_start3A_43] : memref<2x10240x128xf32, #tpu.memory_space<hbm>> -> memref<1x64x128xf32, #tpu.memory_space<hbm>>
        %dma_start3A_45 = tpu.memref_squeeze %dma_start3A_44 : memref<1x64x128xf32, #tpu.memory_space<hbm>> -> memref<64x128xf32, #tpu.memory_space<hbm>>
        %dma_start3A_46 = arith.constant 0 : i32
        %dma_start3A_47 = tpu.memref_slice %arg6[%arg0, %add3A_39, %dma_start3A_46] : memref<2x10240x128xf32, #tpu.memory_space<hbm>> -> memref<1x64x128xf32, #tpu.memory_space<hbm>>
        %dma_start3A_48 = tpu.memref_squeeze %dma_start3A_47 : memref<1x64x128xf32, #tpu.memory_space<hbm>> -> memref<64x128xf32, #tpu.memory_space<hbm>>
        tpu.enqueue_dma source(%arg12 : memref<64x128xf32, #tpu.memory_space<vmem>>) target(%dma_start3A_48 : memref<64x128xf32, #tpu.memory_space<hbm>>) target_semaphore(%run_scoped3A : memref<!tpu.dma_semaphore, #tpu.memory_space<semaphore_mem>>)
        %dma_wait3A_49 = arith.constant 0 : i32
        %dma_wait3A_50 = tpu.memref_slice %arg6[%arg0, %add3A_39, %dma_wait3A_49] : memref<2x10240x128xf32, #tpu.memory_space<hbm>> -> memref<1x64x128xf32, #tpu.memory_space<hbm>>
        %dma_wait3A_51 = tpu.memref_squeeze %dma_wait3A_50 : memref<1x64x128xf32, #tpu.memory_space<hbm>> -> memref<64x128xf32, #tpu.memory_space<hbm>>
        %dma_wait3A_52 = arith.constant 0 : i32
        %dma_wait3A_53 = tpu.memref_slice %arg6[%arg0, %add3A_39, %dma_wait3A_52] : memref<2x10240x128xf32, #tpu.memory_space<hbm>> -> memref<1x64x128xf32, #tpu.memory_space<hbm>>
        %dma_wait3A_54 = tpu.memref_squeeze %dma_wait3A_53 : memref<1x64x128xf32, #tpu.memory_space<hbm>> -> memref<64x128xf32, #tpu.memory_space<hbm>>
        tpu.wait_dma2 semaphore(%run_scoped3A : memref<!tpu.dma_semaphore, #tpu.memory_space<semaphore_mem>>) src(%arg12 : memref<64x128xf32, #tpu.memory_space<vmem>>) dst(%dma_wait3A_54 : memref<64x128xf32, #tpu.memory_space<hbm>>)
        tpu.yield
      }) : () -> ()
    }
    %scan3A_31 = arith.constant 10 : i32
    return
  }
}

module attributes {stable_mosaic.version = 14 : i64} {
  func.func @_tables_body(%arg0: i32, %arg1: memref<400x128xf32, #tpu.memory_space<vmem>>, %arg2: memref<128x256xf32, #tpu.memory_space<vmem>>, %arg3: memref<128x128xf32, #tpu.memory_space<vmem>>, %arg4: memref<400x256xf32, #tpu.memory_space<vmem>>, %arg5: memref<400x128xf32, #tpu.memory_space<vmem>>) attributes {dimension_semantics = [#tpu.dimension_semantics<parallel>], iteration_bounds = array<i64: 25>, scalar_prefetch = 0 : i64, scratch_operands = 0 : i64, tpu.core_type = #tpu.core_type<tc>, window_params = [{transform_indices = @transform_0, window_bounds = array<i64: 400, 128>}, {pipeline_mode = #tpu.pipeline_mode<synchronous>, transform_indices = @transform_1, window_bounds = array<i64: 128, 256>}, {pipeline_mode = #tpu.pipeline_mode<synchronous>, transform_indices = @transform_2, window_bounds = array<i64: 128, 128>}, {transform_indices = @transform_3, window_bounds = array<i64: 400, 256>}, {transform_indices = @transform_4, window_bounds = array<i64: 400, 128>}]} {
    %get3A = arith.constant 0 : index
    %get3A_0 = arith.constant 0 : index
    %get3A_1 = vector.load %arg1[%get3A, %get3A_0] : memref<400x128xf32, #tpu.memory_space<vmem>>, vector<400x128xf32>
    %get3A_2 = arith.constant 0 : index
    %get3A_3 = arith.constant 0 : index
    %get3A_4 = vector.load %arg2[%get3A_2, %get3A_3] : memref<128x256xf32, #tpu.memory_space<vmem>>, vector<128x256xf32>
    %dot_general3A = arith.constant dense<0.000000e+00> : vector<400x256xf32>
    %dot_general3A_5 = tpu.matmul %get3A_1, %get3A_4, %dot_general3A {dimension_numbers = #tpu.dot_dimension_numbers<[1], [0], [0], [1], [0, 0, 1, 1], [], []>, transpose_lhs_hint = false} : vector<400x128xf32>, vector<128x256xf32>, vector<400x256xf32> -> vector<400x256xf32>
    %swap3A = arith.constant 0 : index
    %swap3A_6 = arith.constant 0 : index
    %swap3A_7 = vector.load %arg4[%swap3A, %swap3A_6] : memref<400x256xf32, #tpu.memory_space<vmem>>, vector<400x256xf32>
    tpu.vector_store %arg4[%swap3A, %swap3A_6], %dot_general3A_5 {strides = array<i32>} : memref<400x256xf32, #tpu.memory_space<vmem>>, vector<400x256xf32>,
    %get3A_8 = arith.constant 0 : index
    %get3A_9 = arith.constant 0 : index
    %get3A_10 = vector.load %arg3[%get3A_8, %get3A_9] : memref<128x128xf32, #tpu.memory_space<vmem>>, vector<128x128xf32>
    %dot_general3A_11 = arith.constant dense<0.000000e+00> : vector<400x128xf32>
    %dot_general3A_12 = tpu.matmul %get3A_1, %get3A_10, %dot_general3A_11 {dimension_numbers = #tpu.dot_dimension_numbers<[1], [0], [0], [1], [0, 0, 1, 1], [], []>, transpose_lhs_hint = false} : vector<400x128xf32>, vector<128x128xf32>, vector<400x128xf32> -> vector<400x128xf32>
    %swap3A_13 = arith.constant 0 : index
    %swap3A_14 = arith.constant 0 : index
    %swap3A_15 = vector.load %arg5[%swap3A_13, %swap3A_14] : memref<400x128xf32, #tpu.memory_space<vmem>>, vector<400x128xf32>
    tpu.vector_store %arg5[%swap3A_13, %swap3A_14], %dot_general3A_12 {strides = array<i32>} : memref<400x128xf32, #tpu.memory_space<vmem>>, vector<400x128xf32>,
    return
  }
  func.func @transform_0(%arg0: i32) -> (i32, i32) {
    %c0_i32 = arith.constant 0 : i32
    %c0_i32_0 = arith.constant 0 : i32
    return %arg0, %c0_i32 : i32, i32
  }
  func.func @transform_1(%arg0: i32) -> (i32, i32) {
    %c0_i32 = arith.constant 0 : i32
    %c0_i32_0 = arith.constant 0 : i32
    %c0_i32_1 = arith.constant 0 : i32
    return %c0_i32, %c0_i32_0 : i32, i32
  }
  func.func @transform_2(%arg0: i32) -> (i32, i32) {
    %c0_i32 = arith.constant 0 : i32
    %c0_i32_0 = arith.constant 0 : i32
    %c0_i32_1 = arith.constant 0 : i32
    return %c0_i32, %c0_i32_0 : i32, i32
  }
  func.func @transform_3(%arg0: i32) -> (i32, i32) {
    %c0_i32 = arith.constant 0 : i32
    %c0_i32_0 = arith.constant 0 : i32
    return %arg0, %c0_i32 : i32, i32
  }
  func.func @transform_4(%arg0: i32) -> (i32, i32) {
    %c0_i32 = arith.constant 0 : i32
    %c0_i32_0 = arith.constant 0 : i32
    return %arg0, %c0_i32 : i32, i32
  }
}

module attributes {stable_mosaic.version = 14 : i64} {
  func.func @_edge_body(%arg0: i32, %arg1: memref<512x256xf32, #tpu.memory_space<vmem>>, %arg2: memref<512x128xf32, #tpu.memory_space<vmem>>, %arg3: memref<512x16xf32, #tpu.memory_space<vmem>>, %arg4: memref<16x128xf32, #tpu.memory_space<vmem>>, %arg5: memref<1x128xf32, #tpu.memory_space<vmem>>, %arg6: memref<1x128xf32, #tpu.memory_space<vmem>>, %arg7: memref<1x128xf32, #tpu.memory_space<vmem>>, %arg8: memref<128x128xf32, #tpu.memory_space<vmem>>, %arg9: memref<128x128xf32, #tpu.memory_space<vmem>>, %arg10: memref<128x16xf32, #tpu.memory_space<vmem>>, %arg11: memref<1x16xf32, #tpu.memory_space<vmem>>, %arg12: memref<1x16xf32, #tpu.memory_space<vmem>>, %arg13: memref<1x16xf32, #tpu.memory_space<vmem>>, %arg14: memref<1x16xf32, #tpu.memory_space<vmem>>, %arg15: memref<1x16xf32, #tpu.memory_space<vmem>>, %arg16: memref<128x16xf32, #tpu.memory_space<vmem>>, %arg17: memref<16x128xf32, #tpu.memory_space<vmem>>, %arg18: memref<512x128xf32, #tpu.memory_space<vmem>>, %arg19: memref<512x128xf32, #tpu.memory_space<vmem>>, %arg20: memref<512x16xf32, #tpu.memory_space<vmem>>) attributes {dimension_semantics = [#tpu.dimension_semantics<parallel>], iteration_bounds = array<i64: 625>, scalar_prefetch = 0 : i64, scratch_operands = 0 : i64, tpu.core_type = #tpu.core_type<tc>, window_params = [{transform_indices = @transform_0, window_bounds = array<i64: 512, 256>}, {transform_indices = @transform_1, window_bounds = array<i64: 512, 128>}, {transform_indices = @transform_2, window_bounds = array<i64: 512, 16>}, {pipeline_mode = #tpu.pipeline_mode<synchronous>, transform_indices = @transform_3, window_bounds = array<i64: 16, 128>}, {pipeline_mode = #tpu.pipeline_mode<synchronous>, transform_indices = @transform_4, window_bounds = array<i64: 1, 128>}, {pipeline_mode = #tpu.pipeline_mode<synchronous>, transform_indices = @transform_5, window_bounds = array<i64: 1, 128>}, {pipeline_mode = #tpu.pipeline_mode<synchronous>, transform_indices = @transform_6, window_bounds = array<i64: 1, 128>}, {pipeline_mode = #tpu.pipeline_mode<synchronous>, transform_indices = @transform_7, window_bounds = array<i64: 128, 128>}, {pipeline_mode = #tpu.pipeline_mode<synchronous>, transform_indices = @transform_8, window_bounds = array<i64: 128, 128>}, {pipeline_mode = #tpu.pipeline_mode<synchronous>, transform_indices = @transform_9, window_bounds = array<i64: 128, 16>}, {pipeline_mode = #tpu.pipeline_mode<synchronous>, transform_indices = @transform_10, window_bounds = array<i64: 1, 16>}, {pipeline_mode = #tpu.pipeline_mode<synchronous>, transform_indices = @transform_11, window_bounds = array<i64: 1, 16>}, {pipeline_mode = #tpu.pipeline_mode<synchronous>, transform_indices = @transform_12, window_bounds = array<i64: 1, 16>}, {pipeline_mode = #tpu.pipeline_mode<synchronous>, transform_indices = @transform_13, window_bounds = array<i64: 1, 16>}, {pipeline_mode = #tpu.pipeline_mode<synchronous>, transform_indices = @transform_14, window_bounds = array<i64: 1, 16>}, {pipeline_mode = #tpu.pipeline_mode<synchronous>, transform_indices = @transform_15, window_bounds = array<i64: 128, 16>}, {pipeline_mode = #tpu.pipeline_mode<synchronous>, transform_indices = @transform_16, window_bounds = array<i64: 16, 128>}, {transform_indices = @transform_17, window_bounds = array<i64: 512, 128>}, {transform_indices = @transform_18, window_bounds = array<i64: 512, 128>}, {transform_indices = @transform_19, window_bounds = array<i64: 512, 16>}]} {
    %get3A = arith.constant 0 : index
    %get3A_0 = arith.constant 0 : index
    %get3A_1 = vector.load %arg1[%get3A, %get3A_0] : memref<512x256xf32, #tpu.memory_space<vmem>>, vector<512x256xf32>
    %slice3A = vector.extract_strided_slice %get3A_1 {offsets = [0, 0], sizes = [512, 128], strides = [1, 1]} : vector<512x256xf32> to vector<512x128xf32>
    %slice3A_2 = vector.extract_strided_slice %get3A_1 {offsets = [0, 128], sizes = [512, 128], strides = [1, 1]} : vector<512x256xf32> to vector<512x128xf32>
    %get3A_3 = arith.constant 0 : index
    %get3A_4 = arith.constant 0 : index
    %get3A_5 = vector.load %arg3[%get3A_3, %get3A_4] : memref<512x16xf32, #tpu.memory_space<vmem>>, vector<512x16xf32>
    %get3A_6 = arith.constant 0 : index
    %get3A_7 = arith.constant 0 : index
    %get3A_8 = vector.load %arg2[%get3A_6, %get3A_7] : memref<512x128xf32, #tpu.memory_space<vmem>>, vector<512x128xf32>
    %add3A = arith.addf %slice3A, %get3A_8 : vector<512x128xf32>
    %get3A_9 = arith.constant 0 : index
    %get3A_10 = arith.constant 0 : index
    %get3A_11 = vector.load %arg4[%get3A_9, %get3A_10] : memref<16x128xf32, #tpu.memory_space<vmem>>, vector<16x128xf32>
    %dot_general3A = arith.constant dense<0.000000e+00> : vector<512x128xf32>
    %dot_general3A_12 = tpu.matmul %get3A_5, %get3A_11, %dot_general3A {dimension_numbers = #tpu.dot_dimension_numbers<[1], [0], [0], [1], [0, 0, 1, 1], [], []>, transpose_lhs_hint = false} : vector<512x16xf32>, vector<16x128xf32>, vector<512x128xf32> -> vector<512x128xf32>
    %add3A_13 = arith.addf %add3A, %dot_general3A_12 : vector<512x128xf32>
    %get3A_14 = arith.constant 0 : index
    %get3A_15 = arith.constant 0 : index
    %get3A_16 = vector.load %arg5[%get3A_14, %get3A_15] : memref<1x128xf32, #tpu.memory_space<vmem>>, vector<1x128xf32>
    %add3A_17 = vector.broadcast %get3A_16 : vector<1x128xf32> to vector<512x128xf32>
    %add3A_18 = arith.addf %add3A_13, %add3A_17 : vector<512x128xf32>
    %get3A_19 = arith.constant 0 : index
    %get3A_20 = arith.constant 0 : index
    %get3A_21 = vector.load %arg6[%get3A_19, %get3A_20] : memref<1x128xf32, #tpu.memory_space<vmem>>, vector<1x128xf32>
    %get3A_22 = arith.constant 0 : index
    %get3A_23 = arith.constant 0 : index
    %get3A_24 = vector.load %arg7[%get3A_22, %get3A_23] : memref<1x128xf32, #tpu.memory_space<vmem>>, vector<1x128xf32>
    %reduce_sum3A = arith.constant dense<0.000000e+00> : vector<512xf32>
    %reduce_sum3A_25 = vector.multi_reduction <add>, %add3A_18, %reduce_sum3A [1] : vector<512x128xf32> to vector<512xf32>
    %broadcast_in_dim3A = vector.shape_cast %reduce_sum3A_25 : vector<512xf32> to vector<512x1xf32>
    %div3A = arith.constant 1.280000e+02 : f32
    %div3A_26 = vector.broadcast %div3A : f32 to vector<512x1xf32>
    %div3A_27 = arith.divf %broadcast_in_dim3A, %div3A_26 : vector<512x1xf32>
    %sub3A = vector.broadcast %div3A_27 : vector<512x1xf32> to vector<512x128xf32>
    %sub3A_28 = arith.subf %add3A_18, %sub3A : vector<512x128xf32>
    %integer_pow3A = arith.mulf %sub3A_28, %sub3A_28 : vector<512x128xf32>
    %reduce_sum3A_29 = arith.constant dense<0.000000e+00> : vector<512xf32>
    %reduce_sum3A_30 = vector.multi_reduction <add>, %integer_pow3A, %reduce_sum3A_29 [1] : vector<512x128xf32> to vector<512xf32>
    %broadcast_in_dim3A_31 = vector.shape_cast %reduce_sum3A_30 : vector<512xf32> to vector<512x1xf32>
    %div3A_32 = arith.constant 1.280000e+02 : f32
    %div3A_33 = vector.broadcast %div3A_32 : f32 to vector<512x1xf32>
    %div3A_34 = arith.divf %broadcast_in_dim3A_31, %div3A_33 : vector<512x1xf32>
    %sub3A_35 = vector.broadcast %div3A_27 : vector<512x1xf32> to vector<512x128xf32>
    %sub3A_36 = arith.subf %add3A_18, %sub3A_35 : vector<512x128xf32>
    %mul3A = vector.broadcast %get3A_21 : vector<1x128xf32> to vector<512x128xf32>
    %mul3A_37 = arith.mulf %mul3A, %sub3A_36 : vector<512x128xf32>
    %add3A_38 = arith.constant 9.99999974E-6 : f32
    %add3A_39 = vector.broadcast %add3A_38 : f32 to vector<512x1xf32>
    %add3A_40 = arith.addf %div3A_34, %add3A_39 : vector<512x1xf32>
    %sqrt3A = math.sqrt %add3A_40 : vector<512x1xf32>
    %div3A_41 = vector.broadcast %sqrt3A : vector<512x1xf32> to vector<512x128xf32>
    %div3A_42 = arith.divf %mul3A_37, %div3A_41 : vector<512x128xf32>
    %add3A_43 = vector.broadcast %get3A_24 : vector<1x128xf32> to vector<512x128xf32>
    %add3A_44 = arith.addf %div3A_42, %add3A_43 : vector<512x128xf32>
    %max3A = arith.constant 0.000000e+00 : f32
    %max3A_45 = vector.broadcast %max3A : f32 to vector<512x128xf32>
    %max3A_46 = arith.maximumf %add3A_44, %max3A_45 : vector<512x128xf32>
    %get3A_47 = arith.constant 0 : index
    %get3A_48 = arith.constant 0 : index
    %get3A_49 = vector.load %arg8[%get3A_47, %get3A_48] : memref<128x128xf32, #tpu.memory_space<vmem>>, vector<128x128xf32>
    %dot_general3A_50 = arith.constant dense<0.000000e+00> : vector<512x128xf32>
    %dot_general3A_51 = tpu.matmul %max3A_46, %get3A_49, %dot_general3A_50 {dimension_numbers = #tpu.dot_dimension_numbers<[1], [0], [0], [1], [0, 0, 1, 1], [], []>, transpose_lhs_hint = false} : vector<512x128xf32>, vector<128x128xf32>, vector<512x128xf32> -> vector<512x128xf32>
    %get3A_52 = arith.constant 0 : index
    %get3A_53 = arith.constant 0 : index
    %get3A_54 = vector.load %arg9[%get3A_52, %get3A_53] : memref<128x128xf32, #tpu.memory_space<vmem>>, vector<128x128xf32>
    %dot_general3A_55 = arith.constant dense<0.000000e+00> : vector<512x128xf32>
    %dot_general3A_56 = tpu.matmul %max3A_46, %get3A_54, %dot_general3A_55 {dimension_numbers = #tpu.dot_dimension_numbers<[1], [0], [0], [1], [0, 0, 1, 1], [], []>, transpose_lhs_hint = false} : vector<512x128xf32>, vector<128x128xf32>, vector<512x128xf32> -> vector<512x128xf32>
    %mul3A_57 = arith.mulf %slice3A_2, %dot_general3A_51 : vector<512x128xf32>
    %get3A_58 = arith.constant 0 : index
    %get3A_59 = arith.constant 0 : index
    %get3A_60 = vector.load %arg16[%get3A_58, %get3A_59] : memref<128x16xf32, #tpu.memory_space<vmem>>, vector<128x16xf32>
    %dot_general3A_61 = arith.constant dense<0.000000e+00> : vector<512x16xf32>
    %dot_general3A_62 = tpu.matmul %mul3A_57, %get3A_60, %dot_general3A_61 {dimension_numbers = #tpu.dot_dimension_numbers<[1], [0], [0], [1], [0, 0, 1, 1], [], []>, transpose_lhs_hint = false} : vector<512x128xf32>, vector<128x16xf32>, vector<512x16xf32> -> vector<512x16xf32>
    %mul3A_63 = arith.constant 2.500000e-01 : f32
    %mul3A_64 = vector.broadcast %mul3A_63 : f32 to vector<512x16xf32>
    %mul3A_65 = arith.mulf %dot_general3A_62, %mul3A_64 : vector<512x16xf32>
    %get3A_66 = arith.constant 0 : index
    %get3A_67 = arith.constant 0 : index
    %get3A_68 = vector.load %arg17[%get3A_66, %get3A_67] : memref<16x128xf32, #tpu.memory_space<vmem>>, vector<16x128xf32>
    %dot_general3A_69 = arith.constant dense<0.000000e+00> : vector<512x128xf32>
    %dot_general3A_70 = tpu.matmul %mul3A_65, %get3A_68, %dot_general3A_69 {dimension_numbers = #tpu.dot_dimension_numbers<[1], [0], [0], [1], [0, 0, 1, 1], [], []>, transpose_lhs_hint = false} : vector<512x16xf32>, vector<16x128xf32>, vector<512x128xf32> -> vector<512x128xf32>
    %exp3A = math.exp %dot_general3A_70 : vector<512x128xf32>
    %mul3A_71 = arith.mulf %exp3A, %dot_general3A_56 : vector<512x128xf32>
    %swap3A = arith.constant 0 : index
    %swap3A_72 = arith.constant 0 : index
    %swap3A_73 = vector.load %arg18[%swap3A, %swap3A_72] : memref<512x128xf32, #tpu.memory_space<vmem>>, vector<512x128xf32>
    tpu.vector_store %arg18[%swap3A, %swap3A_72], %mul3A_71 {strides = array<i32>} : memref<512x128xf32, #tpu.memory_space<vmem>>, vector<512x128xf32>,
    %swap3A_74 = arith.constant 0 : index
    %swap3A_75 = arith.constant 0 : index
    %swap3A_76 = vector.load %arg19[%swap3A_74, %swap3A_75] : memref<512x128xf32, #tpu.memory_space<vmem>>, vector<512x128xf32>
    tpu.vector_store %arg19[%swap3A_74, %swap3A_75], %exp3A {strides = array<i32>} : memref<512x128xf32, #tpu.memory_space<vmem>>, vector<512x128xf32>,
    %get3A_77 = arith.constant 0 : index
    %get3A_78 = arith.constant 0 : index
    %get3A_79 = vector.load %arg10[%get3A_77, %get3A_78] : memref<128x16xf32, #tpu.memory_space<vmem>>, vector<128x16xf32>
    %dot_general3A_80 = arith.constant dense<0.000000e+00> : vector<512x16xf32>
    %dot_general3A_81 = tpu.matmul %max3A_46, %get3A_79, %dot_general3A_80 {dimension_numbers = #tpu.dot_dimension_numbers<[1], [0], [0], [1], [0, 0, 1, 1], [], []>, transpose_lhs_hint = false} : vector<512x128xf32>, vector<128x16xf32>, vector<512x16xf32> -> vector<512x16xf32>
    %get3A_82 = arith.constant 0 : index
    %get3A_83 = arith.constant 0 : index
    %get3A_84 = vector.load %arg11[%get3A_82, %get3A_83] : memref<1x16xf32, #tpu.memory_space<vmem>>, vector<1x16xf32>
    %add3A_85 = vector.broadcast %get3A_84 : vector<1x16xf32> to vector<512x16xf32>
    %add3A_86 = arith.addf %dot_general3A_81, %add3A_85 : vector<512x16xf32>
    %get3A_87 = arith.constant 0 : index
    %get3A_88 = arith.constant 0 : index
    %get3A_89 = vector.load %arg12[%get3A_87, %get3A_88] : memref<1x16xf32, #tpu.memory_space<vmem>>, vector<1x16xf32>
    %get3A_90 = arith.constant 0 : index
    %get3A_91 = arith.constant 0 : index
    %get3A_92 = vector.load %arg13[%get3A_90, %get3A_91] : memref<1x16xf32, #tpu.memory_space<vmem>>, vector<1x16xf32>
    %reduce_sum3A_93 = arith.constant dense<0.000000e+00> : vector<512xf32>
    %reduce_sum3A_94 = vector.multi_reduction <add>, %add3A_86, %reduce_sum3A_93 [1] : vector<512x16xf32> to vector<512xf32>
    %broadcast_in_dim3A_95 = vector.shape_cast %reduce_sum3A_94 : vector<512xf32> to vector<512x1xf32>
    %div3A_96 = arith.constant 1.600000e+01 : f32
    %div3A_97 = vector.broadcast %div3A_96 : f32 to vector<512x1xf32>
    %div3A_98 = arith.divf %broadcast_in_dim3A_95, %div3A_97 : vector<512x1xf32>
    %sub3A_99 = vector.broadcast %div3A_98 : vector<512x1xf32> to vector<512x16xf32>
    %sub3A_100 = arith.subf %add3A_86, %sub3A_99 : vector<512x16xf32>
    %integer_pow3A_101 = arith.mulf %sub3A_100, %sub3A_100 : vector<512x16xf32>
    %reduce_sum3A_102 = arith.constant dense<0.000000e+00> : vector<512xf32>
    %reduce_sum3A_103 = vector.multi_reduction <add>, %integer_pow3A_101, %reduce_sum3A_102 [1] : vector<512x16xf32> to vector<512xf32>
    %broadcast_in_dim3A_104 = vector.shape_cast %reduce_sum3A_103 : vector<512xf32> to vector<512x1xf32>
    %div3A_105 = arith.constant 1.600000e+01 : f32
    %div3A_106 = vector.broadcast %div3A_105 : f32 to vector<512x1xf32>
    %div3A_107 = arith.divf %broadcast_in_dim3A_104, %div3A_106 : vector<512x1xf32>
    %sub3A_108 = vector.broadcast %div3A_98 : vector<512x1xf32> to vector<512x16xf32>
    %sub3A_109 = arith.subf %add3A_86, %sub3A_108 : vector<512x16xf32>
    %mul3A_110 = vector.broadcast %get3A_89 : vector<1x16xf32> to vector<512x16xf32>
    %mul3A_111 = arith.mulf %mul3A_110, %sub3A_109 : vector<512x16xf32>
    %add3A_112 = arith.constant 9.99999974E-6 : f32
    %add3A_113 = vector.broadcast %add3A_112 : f32 to vector<512x1xf32>
    %add3A_114 = arith.addf %div3A_107, %add3A_113 : vector<512x1xf32>
    %sqrt3A_115 = math.sqrt %add3A_114 : vector<512x1xf32>
    %div3A_116 = vector.broadcast %sqrt3A_115 : vector<512x1xf32> to vector<512x16xf32>
    %div3A_117 = arith.divf %mul3A_111, %div3A_116 : vector<512x16xf32>
    %add3A_118 = vector.broadcast %get3A_92 : vector<1x16xf32> to vector<512x16xf32>
    %add3A_119 = arith.addf %div3A_117, %add3A_118 : vector<512x16xf32>
    %max3A_120 = arith.constant 0.000000e+00 : f32
    %max3A_121 = vector.broadcast %max3A_120 : f32 to vector<512x16xf32>
    %max3A_122 = arith.maximumf %add3A_119, %max3A_121 : vector<512x16xf32>
    %add3A_123 = arith.addf %get3A_5, %max3A_122 : vector<512x16xf32>
    %get3A_124 = arith.constant 0 : index
    %get3A_125 = arith.constant 0 : index
    %get3A_126 = vector.load %arg14[%get3A_124, %get3A_125] : memref<1x16xf32, #tpu.memory_space<vmem>>, vector<1x16xf32>
    %get3A_127 = arith.constant 0 : index
    %get3A_128 = arith.constant 0 : index
    %get3A_129 = vector.load %arg15[%get3A_127, %get3A_128] : memref<1x16xf32, #tpu.memory_space<vmem>>, vector<1x16xf32>
    %reduce_sum3A_130 = arith.constant dense<0.000000e+00> : vector<512xf32>
    %reduce_sum3A_131 = vector.multi_reduction <add>, %add3A_123, %reduce_sum3A_130 [1] : vector<512x16xf32> to vector<512xf32>
    %broadcast_in_dim3A_132 = vector.shape_cast %reduce_sum3A_131 : vector<512xf32> to vector<512x1xf32>
    %div3A_133 = arith.constant 1.600000e+01 : f32
    %div3A_134 = vector.broadcast %div3A_133 : f32 to vector<512x1xf32>
    %div3A_135 = arith.divf %broadcast_in_dim3A_132, %div3A_134 : vector<512x1xf32>
    %sub3A_136 = vector.broadcast %div3A_135 : vector<512x1xf32> to vector<512x16xf32>
    %sub3A_137 = arith.subf %add3A_123, %sub3A_136 : vector<512x16xf32>
    %integer_pow3A_138 = arith.mulf %sub3A_137, %sub3A_137 : vector<512x16xf32>
    %reduce_sum3A_139 = arith.constant dense<0.000000e+00> : vector<512xf32>
    %reduce_sum3A_140 = vector.multi_reduction <add>, %integer_pow3A_138, %reduce_sum3A_139 [1] : vector<512x16xf32> to vector<512xf32>
    %broadcast_in_dim3A_141 = vector.shape_cast %reduce_sum3A_140 : vector<512xf32> to vector<512x1xf32>
    %div3A_142 = arith.constant 1.600000e+01 : f32
    %div3A_143 = vector.broadcast %div3A_142 : f32 to vector<512x1xf32>
    %div3A_144 = arith.divf %broadcast_in_dim3A_141, %div3A_143 : vector<512x1xf32>
    %sub3A_145 = vector.broadcast %div3A_135 : vector<512x1xf32> to vector<512x16xf32>
    %sub3A_146 = arith.subf %add3A_123, %sub3A_145 : vector<512x16xf32>
    %mul3A_147 = vector.broadcast %get3A_126 : vector<1x16xf32> to vector<512x16xf32>
    %mul3A_148 = arith.mulf %mul3A_147, %sub3A_146 : vector<512x16xf32>
    %add3A_149 = arith.constant 9.99999974E-6 : f32
    %add3A_150 = vector.broadcast %add3A_149 : f32 to vector<512x1xf32>
    %add3A_151 = arith.addf %div3A_144, %add3A_150 : vector<512x1xf32>
    %sqrt3A_152 = math.sqrt %add3A_151 : vector<512x1xf32>
    %div3A_153 = vector.broadcast %sqrt3A_152 : vector<512x1xf32> to vector<512x16xf32>
    %div3A_154 = arith.divf %mul3A_148, %div3A_153 : vector<512x16xf32>
    %add3A_155 = vector.broadcast %get3A_129 : vector<1x16xf32> to vector<512x16xf32>
    %add3A_156 = arith.addf %div3A_154, %add3A_155 : vector<512x16xf32>
    %swap3A_157 = arith.constant 0 : index
    %swap3A_158 = arith.constant 0 : index
    %swap3A_159 = vector.load %arg20[%swap3A_157, %swap3A_158] : memref<512x16xf32, #tpu.memory_space<vmem>>, vector<512x16xf32>
    tpu.vector_store %arg20[%swap3A_157, %swap3A_158], %add3A_156 {strides = array<i32>} : memref<512x16xf32, #tpu.memory_space<vmem>>, vector<512x16xf32>,
    return
  }
  func.func @transform_0(%arg0: i32) -> (i32, i32) {
    %c0_i32 = arith.constant 0 : i32
    %c0_i32_0 = arith.constant 0 : i32
    return %arg0, %c0_i32 : i32, i32
  }
  func.func @transform_1(%arg0: i32) -> (i32, i32) {
    %c0_i32 = arith.constant 0 : i32
    %c0_i32_0 = arith.constant 0 : i32
    return %arg0, %c0_i32 : i32, i32
  }
  func.func @transform_2(%arg0: i32) -> (i32, i32) {
    %c0_i32 = arith.constant 0 : i32
    %c0_i32_0 = arith.constant 0 : i32
    return %arg0, %c0_i32 : i32, i32
  }
  func.func @transform_3(%arg0: i32) -> (i32, i32) {
    %c0_i32 = arith.constant 0 : i32
    %c0_i32_0 = arith.constant 0 : i32
    %c0_i32_1 = arith.constant 0 : i32
    return %c0_i32, %c0_i32_0 : i32, i32
  }
  func.func @transform_4(%arg0: i32) -> (i32, i32) {
    %c0_i32 = arith.constant 0 : i32
    %c0_i32_0 = arith.constant 0 : i32
    %c0_i32_1 = arith.constant 0 : i32
    return %c0_i32, %c0_i32_0 : i32, i32
  }
  func.func @transform_5(%arg0: i32) -> (i32, i32) {
    %c0_i32 = arith.constant 0 : i32
    %c0_i32_0 = arith.constant 0 : i32
    %c0_i32_1 = arith.constant 0 : i32
    return %c0_i32, %c0_i32_0 : i32, i32
  }
  func.func @transform_6(%arg0: i32) -> (i32, i32) {
    %c0_i32 = arith.constant 0 : i32
    %c0_i32_0 = arith.constant 0 : i32
    %c0_i32_1 = arith.constant 0 : i32
    return %c0_i32, %c0_i32_0 : i32, i32
  }
  func.func @transform_7(%arg0: i32) -> (i32, i32) {
    %c0_i32 = arith.constant 0 : i32
    %c0_i32_0 = arith.constant 0 : i32
    %c0_i32_1 = arith.constant 0 : i32
    return %c0_i32, %c0_i32_0 : i32, i32
  }
  func.func @transform_8(%arg0: i32) -> (i32, i32) {
    %c0_i32 = arith.constant 0 : i32
    %c0_i32_0 = arith.constant 0 : i32
    %c0_i32_1 = arith.constant 0 : i32
    return %c0_i32, %c0_i32_0 : i32, i32
  }
  func.func @transform_9(%arg0: i32) -> (i32, i32) {
    %c0_i32 = arith.constant 0 : i32
    %c0_i32_0 = arith.constant 0 : i32
    %c0_i32_1 = arith.constant 0 : i32
    return %c0_i32, %c0_i32_0 : i32, i32
  }
  func.func @transform_10(%arg0: i32) -> (i32, i32) {
    %c0_i32 = arith.constant 0 : i32
    %c0_i32_0 = arith.constant 0 : i32
    %c0_i32_1 = arith.constant 0 : i32
    return %c0_i32, %c0_i32_0 : i32, i32
  }
  func.func @transform_11(%arg0: i32) -> (i32, i32) {
    %c0_i32 = arith.constant 0 : i32
    %c0_i32_0 = arith.constant 0 : i32
    %c0_i32_1 = arith.constant 0 : i32
    return %c0_i32, %c0_i32_0 : i32, i32
  }
  func.func @transform_12(%arg0: i32) -> (i32, i32) {
    %c0_i32 = arith.constant 0 : i32
    %c0_i32_0 = arith.constant 0 : i32
    %c0_i32_1 = arith.constant 0 : i32
    return %c0_i32, %c0_i32_0 : i32, i32
  }
  func.func @transform_13(%arg0: i32) -> (i32, i32) {
    %c0_i32 = arith.constant 0 : i32
    %c0_i32_0 = arith.constant 0 : i32
    %c0_i32_1 = arith.constant 0 : i32
    return %c0_i32, %c0_i32_0 : i32, i32
  }
  func.func @transform_14(%arg0: i32) -> (i32, i32) {
    %c0_i32 = arith.constant 0 : i32
    %c0_i32_0 = arith.constant 0 : i32
    %c0_i32_1 = arith.constant 0 : i32
    return %c0_i32, %c0_i32_0 : i32, i32
  }
  func.func @transform_15(%arg0: i32) -> (i32, i32) {
    %c0_i32 = arith.constant 0 : i32
    %c0_i32_0 = arith.constant 0 : i32
    %c0_i32_1 = arith.constant 0 : i32
    return %c0_i32, %c0_i32_0 : i32, i32
  }
  func.func @transform_16(%arg0: i32) -> (i32, i32) {
    %c0_i32 = arith.constant 0 : i32
    %c0_i32_0 = arith.constant 0 : i32
    %c0_i32_1 = arith.constant 0 : i32
    return %c0_i32, %c0_i32_0 : i32, i32
  }
  func.func @transform_17(%arg0: i32) -> (i32, i32) {
    %c0_i32 = arith.constant 0 : i32
    %c0_i32_0 = arith.constant 0 : i32
    return %arg0, %c0_i32 : i32, i32
  }
  func.func @transform_18(%arg0: i32) -> (i32, i32) {
    %c0_i32 = arith.constant 0 : i32
    %c0_i32_0 = arith.constant 0 : i32
    return %arg0, %c0_i32 : i32, i32
  }
  func.func @transform_19(%arg0: i32) -> (i32, i32) {
    %c0_i32 = arith.constant 0 : i32
    %c0_i32_0 = arith.constant 0 : i32
    return %arg0, %c0_i32 : i32, i32
  }
}

module attributes {stable_mosaic.version = 14 : i64} {
  func.func @_node_body(%arg0: i32, %arg1: memref<400x128xf32, #tpu.memory_space<vmem>>, %arg2: memref<2x400x128xf32, #tpu.memory_space<vmem>>, %arg3: memref<2x400x128xf32, #tpu.memory_space<vmem>>, %arg4: memref<128x128xf32, #tpu.memory_space<vmem>>, %arg5: memref<1x128xf32, #tpu.memory_space<vmem>>, %arg6: memref<1x128xf32, #tpu.memory_space<vmem>>, %arg7: memref<128x512xf32, #tpu.memory_space<vmem>>, %arg8: memref<1x512xf32, #tpu.memory_space<vmem>>, %arg9: memref<512x128xf32, #tpu.memory_space<vmem>>, %arg10: memref<1x128xf32, #tpu.memory_space<vmem>>, %arg11: memref<1x128xf32, #tpu.memory_space<vmem>>, %arg12: memref<1x128xf32, #tpu.memory_space<vmem>>, %arg13: memref<400x128xf32, #tpu.memory_space<vmem>>) attributes {dimension_semantics = [#tpu.dimension_semantics<parallel>], iteration_bounds = array<i64: 25>, scalar_prefetch = 0 : i64, scratch_operands = 0 : i64, tpu.core_type = #tpu.core_type<tc>, window_params = [{transform_indices = @transform_0, window_bounds = array<i64: 400, 128>}, {transform_indices = @transform_1, window_bounds = array<i64: 2, 400, 128>}, {transform_indices = @transform_2, window_bounds = array<i64: 2, 400, 128>}, {pipeline_mode = #tpu.pipeline_mode<synchronous>, transform_indices = @transform_3, window_bounds = array<i64: 128, 128>}, {pipeline_mode = #tpu.pipeline_mode<synchronous>, transform_indices = @transform_4, window_bounds = array<i64: 1, 128>}, {pipeline_mode = #tpu.pipeline_mode<synchronous>, transform_indices = @transform_5, window_bounds = array<i64: 1, 128>}, {pipeline_mode = #tpu.pipeline_mode<synchronous>, transform_indices = @transform_6, window_bounds = array<i64: 128, 512>}, {pipeline_mode = #tpu.pipeline_mode<synchronous>, transform_indices = @transform_7, window_bounds = array<i64: 1, 512>}, {pipeline_mode = #tpu.pipeline_mode<synchronous>, transform_indices = @transform_8, window_bounds = array<i64: 512, 128>}, {pipeline_mode = #tpu.pipeline_mode<synchronous>, transform_indices = @transform_9, window_bounds = array<i64: 1, 128>}, {pipeline_mode = #tpu.pipeline_mode<synchronous>, transform_indices = @transform_10, window_bounds = array<i64: 1, 128>}, {pipeline_mode = #tpu.pipeline_mode<synchronous>, transform_indices = @transform_11, window_bounds = array<i64: 1, 128>}, {transform_indices = @transform_12, window_bounds = array<i64: 400, 128>}]} {
    %get3A = arith.constant 0 : index
    %get3A_0 = arith.constant 0 : index
    %get3A_1 = arith.constant 0 : index
    %get3A_2 = vector.load %arg2[%get3A, %get3A_0, %get3A_1] : memref<2x400x128xf32, #tpu.memory_space<vmem>>, vector<1x400x128xf32>
    %get3A_3 = vector.shape_cast %get3A_2 : vector<1x400x128xf32> to vector<400x128xf32>
    %get3A_4 = arith.constant 1 : index
    %get3A_5 = arith.constant 0 : index
    %get3A_6 = arith.constant 0 : index
    %get3A_7 = vector.load %arg2[%get3A_4, %get3A_5, %get3A_6] : memref<2x400x128xf32, #tpu.memory_space<vmem>>, vector<1x400x128xf32>
    %get3A_8 = vector.shape_cast %get3A_7 : vector<1x400x128xf32> to vector<400x128xf32>
    %add3A = arith.addf %get3A_3, %get3A_8 : vector<400x128xf32>
    %get3A_9 = arith.constant 0 : index
    %get3A_10 = arith.constant 0 : index
    %get3A_11 = arith.constant 0 : index
    %get3A_12 = vector.load %arg3[%get3A_9, %get3A_10, %get3A_11] : memref<2x400x128xf32, #tpu.memory_space<vmem>>, vector<1x400x128xf32>
    %get3A_13 = vector.shape_cast %get3A_12 : vector<1x400x128xf32> to vector<400x128xf32>
    %get3A_14 = arith.constant 1 : index
    %get3A_15 = arith.constant 0 : index
    %get3A_16 = arith.constant 0 : index
    %get3A_17 = vector.load %arg3[%get3A_14, %get3A_15, %get3A_16] : memref<2x400x128xf32, #tpu.memory_space<vmem>>, vector<1x400x128xf32>
    %get3A_18 = vector.shape_cast %get3A_17 : vector<1x400x128xf32> to vector<400x128xf32>
    %add3A_19 = arith.addf %get3A_13, %get3A_18 : vector<400x128xf32>
    %add3A_20 = arith.constant 1.000000e-16 : f32
    %add3A_21 = vector.broadcast %add3A_20 : f32 to vector<400x128xf32>
    %add3A_22 = arith.addf %add3A_19, %add3A_21 : vector<400x128xf32>
    %div3A = arith.divf %add3A, %add3A_22 : vector<400x128xf32>
    %get3A_23 = arith.constant 0 : index
    %get3A_24 = arith.constant 0 : index
    %get3A_25 = vector.load %arg4[%get3A_23, %get3A_24] : memref<128x128xf32, #tpu.memory_space<vmem>>, vector<128x128xf32>
    %dot_general3A = arith.constant dense<0.000000e+00> : vector<400x128xf32>
    %dot_general3A_26 = tpu.matmul %div3A, %get3A_25, %dot_general3A {dimension_numbers = #tpu.dot_dimension_numbers<[1], [0], [0], [1], [0, 0, 1, 1], [], []>, transpose_lhs_hint = false} : vector<400x128xf32>, vector<128x128xf32>, vector<400x128xf32> -> vector<400x128xf32>
    %get3A_27 = arith.constant 0 : index
    %get3A_28 = arith.constant 0 : index
    %get3A_29 = vector.load %arg1[%get3A_27, %get3A_28] : memref<400x128xf32, #tpu.memory_space<vmem>>, vector<400x128xf32>
    %add3A_30 = arith.addf %get3A_29, %dot_general3A_26 : vector<400x128xf32>
    %get3A_31 = arith.constant 0 : index
    %get3A_32 = arith.constant 0 : index
    %get3A_33 = vector.load %arg5[%get3A_31, %get3A_32] : memref<1x128xf32, #tpu.memory_space<vmem>>, vector<1x128xf32>
    %get3A_34 = arith.constant 0 : index
    %get3A_35 = arith.constant 0 : index
    %get3A_36 = vector.load %arg6[%get3A_34, %get3A_35] : memref<1x128xf32, #tpu.memory_space<vmem>>, vector<1x128xf32>
    %reduce_sum3A = arith.constant dense<0.000000e+00> : vector<400xf32>
    %reduce_sum3A_37 = vector.multi_reduction <add>, %add3A_30, %reduce_sum3A [1] : vector<400x128xf32> to vector<400xf32>
    %broadcast_in_dim3A = vector.shape_cast %reduce_sum3A_37 : vector<400xf32> to vector<400x1xf32>
    %div3A_38 = arith.constant 1.280000e+02 : f32
    %div3A_39 = vector.broadcast %div3A_38 : f32 to vector<400x1xf32>
    %div3A_40 = arith.divf %broadcast_in_dim3A, %div3A_39 : vector<400x1xf32>
    %sub3A = vector.broadcast %div3A_40 : vector<400x1xf32> to vector<400x128xf32>
    %sub3A_41 = arith.subf %add3A_30, %sub3A : vector<400x128xf32>
    %integer_pow3A = arith.mulf %sub3A_41, %sub3A_41 : vector<400x128xf32>
    %reduce_sum3A_42 = arith.constant dense<0.000000e+00> : vector<400xf32>
    %reduce_sum3A_43 = vector.multi_reduction <add>, %integer_pow3A, %reduce_sum3A_42 [1] : vector<400x128xf32> to vector<400xf32>
    %broadcast_in_dim3A_44 = vector.shape_cast %reduce_sum3A_43 : vector<400xf32> to vector<400x1xf32>
    %div3A_45 = arith.constant 1.280000e+02 : f32
    %div3A_46 = vector.broadcast %div3A_45 : f32 to vector<400x1xf32>
    %div3A_47 = arith.divf %broadcast_in_dim3A_44, %div3A_46 : vector<400x1xf32>
    %sub3A_48 = vector.broadcast %div3A_40 : vector<400x1xf32> to vector<400x128xf32>
    %sub3A_49 = arith.subf %add3A_30, %sub3A_48 : vector<400x128xf32>
    %mul3A = vector.broadcast %get3A_33 : vector<1x128xf32> to vector<400x128xf32>
    %mul3A_50 = arith.mulf %mul3A, %sub3A_49 : vector<400x128xf32>
    %add3A_51 = arith.constant 9.99999974E-6 : f32
    %add3A_52 = vector.broadcast %add3A_51 : f32 to vector<400x1xf32>
    %add3A_53 = arith.addf %div3A_47, %add3A_52 : vector<400x1xf32>
    %sqrt3A = math.sqrt %add3A_53 : vector<400x1xf32>
    %div3A_54 = vector.broadcast %sqrt3A : vector<400x1xf32> to vector<400x128xf32>
    %div3A_55 = arith.divf %mul3A_50, %div3A_54 : vector<400x128xf32>
    %add3A_56 = vector.broadcast %get3A_36 : vector<1x128xf32> to vector<400x128xf32>
    %add3A_57 = arith.addf %div3A_55, %add3A_56 : vector<400x128xf32>
    %get3A_58 = arith.constant 0 : index
    %get3A_59 = arith.constant 0 : index
    %get3A_60 = vector.load %arg7[%get3A_58, %get3A_59] : memref<128x512xf32, #tpu.memory_space<vmem>>, vector<128x512xf32>
    %dot_general3A_61 = arith.constant dense<0.000000e+00> : vector<400x512xf32>
    %dot_general3A_62 = tpu.matmul %add3A_57, %get3A_60, %dot_general3A_61 {dimension_numbers = #tpu.dot_dimension_numbers<[1], [0], [0], [1], [0, 0, 1, 1], [], []>, transpose_lhs_hint = false} : vector<400x128xf32>, vector<128x512xf32>, vector<400x512xf32> -> vector<400x512xf32>
    %get3A_63 = arith.constant 0 : index
    %get3A_64 = arith.constant 0 : index
    %get3A_65 = vector.load %arg8[%get3A_63, %get3A_64] : memref<1x512xf32, #tpu.memory_space<vmem>>, vector<1x512xf32>
    %add3A_66 = vector.broadcast %get3A_65 : vector<1x512xf32> to vector<400x512xf32>
    %add3A_67 = arith.addf %dot_general3A_62, %add3A_66 : vector<400x512xf32>
    %max3A = arith.constant 0.000000e+00 : f32
    %max3A_68 = vector.broadcast %max3A : f32 to vector<400x512xf32>
    %max3A_69 = arith.maximumf %add3A_67, %max3A_68 : vector<400x512xf32>
    %get3A_70 = arith.constant 0 : index
    %get3A_71 = arith.constant 0 : index
    %get3A_72 = vector.load %arg9[%get3A_70, %get3A_71] : memref<512x128xf32, #tpu.memory_space<vmem>>, vector<512x128xf32>
    %dot_general3A_73 = arith.constant dense<0.000000e+00> : vector<400x128xf32>
    %dot_general3A_74 = tpu.matmul %max3A_69, %get3A_72, %dot_general3A_73 {dimension_numbers = #tpu.dot_dimension_numbers<[1], [0], [0], [1], [0, 0, 1, 1], [], []>, transpose_lhs_hint = false} : vector<400x512xf32>, vector<512x128xf32>, vector<400x128xf32> -> vector<400x128xf32>
    %get3A_75 = arith.constant 0 : index
    %get3A_76 = arith.constant 0 : index
    %get3A_77 = vector.load %arg10[%get3A_75, %get3A_76] : memref<1x128xf32, #tpu.memory_space<vmem>>, vector<1x128xf32>
    %add3A_78 = vector.broadcast %get3A_77 : vector<1x128xf32> to vector<400x128xf32>
    %add3A_79 = arith.addf %dot_general3A_74, %add3A_78 : vector<400x128xf32>
    %add3A_80 = arith.addf %add3A_57, %add3A_79 : vector<400x128xf32>
    %get3A_81 = arith.constant 0 : index
    %get3A_82 = arith.constant 0 : index
    %get3A_83 = vector.load %arg11[%get3A_81, %get3A_82] : memref<1x128xf32, #tpu.memory_space<vmem>>, vector<1x128xf32>
    %get3A_84 = arith.constant 0 : index
    %get3A_85 = arith.constant 0 : index
    %get3A_86 = vector.load %arg12[%get3A_84, %get3A_85] : memref<1x128xf32, #tpu.memory_space<vmem>>, vector<1x128xf32>
    %reduce_sum3A_87 = arith.constant dense<0.000000e+00> : vector<400xf32>
    %reduce_sum3A_88 = vector.multi_reduction <add>, %add3A_80, %reduce_sum3A_87 [1] : vector<400x128xf32> to vector<400xf32>
    %broadcast_in_dim3A_89 = vector.shape_cast %reduce_sum3A_88 : vector<400xf32> to vector<400x1xf32>
    %div3A_90 = arith.constant 1.280000e+02 : f32
    %div3A_91 = vector.broadcast %div3A_90 : f32 to vector<400x1xf32>
    %div3A_92 = arith.divf %broadcast_in_dim3A_89, %div3A_91 : vector<400x1xf32>
    %sub3A_93 = vector.broadcast %div3A_92 : vector<400x1xf32> to vector<400x128xf32>
    %sub3A_94 = arith.subf %add3A_80, %sub3A_93 : vector<400x128xf32>
    %integer_pow3A_95 = arith.mulf %sub3A_94, %sub3A_94 : vector<400x128xf32>
    %reduce_sum3A_96 = arith.constant dense<0.000000e+00> : vector<400xf32>
    %reduce_sum3A_97 = vector.multi_reduction <add>, %integer_pow3A_95, %reduce_sum3A_96 [1] : vector<400x128xf32> to vector<400xf32>
    %broadcast_in_dim3A_98 = vector.shape_cast %reduce_sum3A_97 : vector<400xf32> to vector<400x1xf32>
    %div3A_99 = arith.constant 1.280000e+02 : f32
    %div3A_100 = vector.broadcast %div3A_99 : f32 to vector<400x1xf32>
    %div3A_101 = arith.divf %broadcast_in_dim3A_98, %div3A_100 : vector<400x1xf32>
    %sub3A_102 = vector.broadcast %div3A_92 : vector<400x1xf32> to vector<400x128xf32>
    %sub3A_103 = arith.subf %add3A_80, %sub3A_102 : vector<400x128xf32>
    %mul3A_104 = vector.broadcast %get3A_83 : vector<1x128xf32> to vector<400x128xf32>
    %mul3A_105 = arith.mulf %mul3A_104, %sub3A_103 : vector<400x128xf32>
    %add3A_106 = arith.constant 9.99999974E-6 : f32
    %add3A_107 = vector.broadcast %add3A_106 : f32 to vector<400x1xf32>
    %add3A_108 = arith.addf %div3A_101, %add3A_107 : vector<400x1xf32>
    %sqrt3A_109 = math.sqrt %add3A_108 : vector<400x1xf32>
    %div3A_110 = vector.broadcast %sqrt3A_109 : vector<400x1xf32> to vector<400x128xf32>
    %div3A_111 = arith.divf %mul3A_105, %div3A_110 : vector<400x128xf32>
    %add3A_112 = vector.broadcast %get3A_86 : vector<1x128xf32> to vector<400x128xf32>
    %add3A_113 = arith.addf %div3A_111, %add3A_112 : vector<400x128xf32>
    %swap3A = arith.constant 0 : index
    %swap3A_114 = arith.constant 0 : index
    %swap3A_115 = vector.load %arg13[%swap3A, %swap3A_114] : memref<400x128xf32, #tpu.memory_space<vmem>>, vector<400x128xf32>
    tpu.vector_store %arg13[%swap3A, %swap3A_114], %add3A_113 {strides = array<i32>} : memref<400x128xf32, #tpu.memory_space<vmem>>, vector<400x128xf32>,
    return
  }
  func.func @transform_0(%arg0: i32) -> (i32, i32) {
    %c0_i32 = arith.constant 0 : i32
    %c0_i32_0 = arith.constant 0 : i32
    return %arg0, %c0_i32 : i32, i32
  }
  func.func @transform_1(%arg0: i32) -> (i32, i32, i32) {
    %c0_i32 = arith.constant 0 : i32
    %c0_i32_0 = arith.constant 0 : i32
    %c0_i32_1 = arith.constant 0 : i32
    return %c0_i32, %arg0, %c0_i32_0 : i32, i32, i32
  }
  func.func @transform_2(%arg0: i32) -> (i32, i32, i32) {
    %c0_i32 = arith.constant 0 : i32
    %c0_i32_0 = arith.constant 0 : i32
    %c0_i32_1 = arith.constant 0 : i32
    return %c0_i32, %arg0, %c0_i32_0 : i32, i32, i32
  }
  func.func @transform_3(%arg0: i32) -> (i32, i32) {
    %c0_i32 = arith.constant 0 : i32
    %c0_i32_0 = arith.constant 0 : i32
    %c0_i32_1 = arith.constant 0 : i32
    return %c0_i32, %c0_i32_0 : i32, i32
  }
  func.func @transform_4(%arg0: i32) -> (i32, i32) {
    %c0_i32 = arith.constant 0 : i32
    %c0_i32_0 = arith.constant 0 : i32
    %c0_i32_1 = arith.constant 0 : i32
    return %c0_i32, %c0_i32_0 : i32, i32
  }
  func.func @transform_5(%arg0: i32) -> (i32, i32) {
    %c0_i32 = arith.constant 0 : i32
    %c0_i32_0 = arith.constant 0 : i32
    %c0_i32_1 = arith.constant 0 : i32
    return %c0_i32, %c0_i32_0 : i32, i32
  }
  func.func @transform_6(%arg0: i32) -> (i32, i32) {
    %c0_i32 = arith.constant 0 : i32
    %c0_i32_0 = arith.constant 0 : i32
    %c0_i32_1 = arith.constant 0 : i32
    return %c0_i32, %c0_i32_0 : i32, i32
  }
  func.func @transform_7(%arg0: i32) -> (i32, i32) {
    %c0_i32 = arith.constant 0 : i32
    %c0_i32_0 = arith.constant 0 : i32
    %c0_i32_1 = arith.constant 0 : i32
    return %c0_i32, %c0_i32_0 : i32, i32
  }
  func.func @transform_8(%arg0: i32) -> (i32, i32) {
    %c0_i32 = arith.constant 0 : i32
    %c0_i32_0 = arith.constant 0 : i32
    %c0_i32_1 = arith.constant 0 : i32
    return %c0_i32, %c0_i32_0 : i32, i32
  }
  func.func @transform_9(%arg0: i32) -> (i32, i32) {
    %c0_i32 = arith.constant 0 : i32
    %c0_i32_0 = arith.constant 0 : i32
    %c0_i32_1 = arith.constant 0 : i32
    return %c0_i32, %c0_i32_0 : i32, i32
  }
  func.func @transform_10(%arg0: i32) -> (i32, i32) {
    %c0_i32 = arith.constant 0 : i32
    %c0_i32_0 = arith.constant 0 : i32
    %c0_i32_1 = arith.constant 0 : i32
    return %c0_i32, %c0_i32_0 : i32, i32
  }
  func.func @transform_11(%arg0: i32) -> (i32, i32) {
    %c0_i32 = arith.constant 0 : i32
    %c0_i32_0 = arith.constant 0 : i32
    %c0_i32_1 = arith.constant 0 : i32
    return %c0_i32, %c0_i32_0 : i32, i32
  }
  func.func @transform_12(%arg0: i32) -> (i32, i32) {
    %c0_i32 = arith.constant 0 : i32
    %c0_i32_0 = arith.constant 0 : i32
    return %arg0, %c0_i32 : i32, i32
  }
}

</mosaic_0001>

<sc_bundles>
// kernel: kernel.11.cloned.1.call-start
scs
__scs_entry_jumppad:
0x0: {  	(pc) =	sbr.rel $0x88, $3  }
0x1: {  	(tag) =	ssettag $0x0;
	lr =	simm.s32 $0x1  }
0x2: {  	[smem:$0x3F88] =	sst lr;
	_ =	strace $0xD0000000  }
0x3: {  	_ = 	snop  }
0x4: {  	_ = 	snop  }
0x5: {  	_ = 	snop  }
0x6: {  	_ = 	snop  }
0x7: {  	_ = 	snop  }
__scs_overlays_trampoline_lowered:
0x8: {  	[smem:$0x3F97] =	sst s0  }
0x9: {  	[smem:$0x3F98] =	sst s1  }
0xa: {  	[smem:$0x3F99] =	sst s2  }
0xb: {  	[smem:$0x3F9A] =	sst s3  }
0xc: {  	[smem:$0x3F9B] =	sst s4  }
0xd: {  	[smem:$0x3F9C] =	sst s5  }
0xe: {  	[smem:$0x3F9D] =	sst s6  }
0xf: {  	[smem:$0x3F9E] =	sst s7  }
0x10: {  	[smem:$0x3F9F] =	sst s8  }
0x11: {  	[smem:$0x3FA0] =	sst s9;
	s0 =	simm.s32 @!p0 $0x0  }
0x12: {  	s1 =	sld [smem:$0x3F86];
	s0 =	simm.s32 @p0 $0x1  }
0x13: {  	[smem:$0x3FA1] =	sst s0;
	s0 =	simm.s32 @!p1 $0x0  }
0x14: {  	s2 =	sld [smem:$0x3F85];
	s0 =	simm.s32 @p1 $0x1  }
0x15: {  	[smem:$0x3FA2] =	sst s0;
	s0 =	simm.s32 @!p2 $0x0  }
0x16: {  	s3 =	sld [smem:$0x3FDB];
	s0 =	simm.s32 @p2 $0x1  }
0x17: {  	s4 =	simm.s32 $0x1BF5;
	[smem:$0x3FA4] =	sst s0  }
0x18: {  	s0 =	sld [smem:$0x3F87];
	_ =	swait.ge [sflag:s4], $0x0  }
0x19: {  	s7 =	sld [smem:$0x3F88]  }
0x1a: {  	s8 =	sadd.s32 $0xFFFFE003, lr  }
0x1b: {  	s9 =	sadd.s32 $0xFFFFFEF7, lr;
	s5 =	simm.s32 $0xFFFFFFFF;
	p2 =	slt.u32 s8, $0xFFFFF086  }
0x1c: {  	p1 =	slt.u32 s9, $0xF7A;
	s5 =	simm.s32 @!p2 $0x0  }
0x1d: {  	s5 =	simm.s32 @p1 $0x1;
	p0 =	seq.s32 s7, s2  }
0x1e: {  	s7 =	smul.u32 @!p0 $0xF7A, s2;
	p2 =	seq.s32 @!p0 s5, $0x0  }
0x1f: {  	s9 =	smul.u32 $0xF7A, s1;
	s8 =	simm.s32 @!p0 $0x1BF5;
	p2 =	por !p2, p0  }
0x20: {  	[sflag:s8] =	ssyncset.s32 @!p0 $0xFFFFF086;
	s6 =	sadd.s32 @!p0 s3, s7;
	s7 =	simm.s32 @!p0 $0x108  }
0x21: {  	s3 =	sadd.s32 s3, s9;
	s6 =	sadd.s32 @!p0 $0x88, s6;
	s7 =	simm.s32 @p2 $0x1082  }
0x22: {  	[simem:s7], [sflag:s8] =	dma.local @!p0 [hbm:s6], $0xF7A  }
0x23: {  	s9 =	sor.u32 $0xD0000000, s2;
	s6 =	simm.s32 $0x108;
	_ =	swait.ge @!p0 [sflag:s8], $0x0  }
0x24: {  	s3 =	sadd.s32 $0x88, s3;
	s6 =	simm.s32 @!p1 $0x1082;
	[sflag:s4] =	ssyncset.s32 $0xFFFFF086  }
0x25: {  	[simem:s6], [sflag:s4] =	dma.local [hbm:s3], $0xF7A  }
0x26: {  	[smem:$0x3F88] =	sst s1;
	(tag) =	ssettag s2;
	_ =	strace s9  }
0x27: {  	s1 =	sld [smem:$0x3F98]  }
0x28: {  	s2 =	sld [smem:$0x3F99]  }
0x29: {  	s4 =	sld [smem:$0x3F9B]  }
0x2a: {  	p0 =	seq.s32 s5, $0x0;
	s5 =	sld [smem:$0x3F9C]  }
0x2b: {  	s6 =	sld [smem:$0x3F9D]  }
0x2c: {  	s7 =	sld [smem:$0x3F9E]  }
0x2d: {  	s3 =	simm.s32 $0x108;
	s8 =	sld [smem:$0x3F9F]  }
0x2e: {  	s3 =	simm.s32 @!p0 $0x1082;
	s9 =	sld [smem:$0x3FA0]  }
0x2f: {  	lr =	sadd.s32 s0, s3;
	s0 =	sld [smem:$0x3F97]  }
0x30: {  	s3 =	sld [smem:$0x3F9A]  }
0x31: {  	[smem:$0x3FA3] =	sst s10  }
0x32: {  	s10 =	sld [smem:$0x3FA1];
	_ =	sdelay $0x3  }
0x33: {  	p0 =	seq.s32 s10, $0x1;
	s10 =	sld [smem:$0x3FA3];
	_ =	sdelay $0x3  }
0x34: {  	[smem:$0x3FA3] =	sst s10  }
0x35: {  	s10 =	sld [smem:$0x3FA2];
	_ =	sdelay $0x3  }
0x36: {  	p1 =	seq.s32 s10, $0x1;
	s10 =	sld [smem:$0x3FA3];
	_ =	sdelay $0x3  }
0x37: {  	[smem:$0x3FA3] =	sst s10  }
0x38: {  	s10 =	sld [smem:$0x3FA4]  }
0x39: {  	_ = 	snop;
	(pc) =	sbr.ind lr, $3  }
0x3a: {  	_ = 	snop  }
0x3b: {  	_ = 	snop  }
0x3c: {  	p2 =	seq.s32 s10, $0x1;
	s10 =	sld [smem:$0x3FA3]  }
0x3d: {  	_ =	shalt  }
0x3e: {  	_ =	shalt  }
0x3f: {  	_ =	shalt  }
0x40: {  	_ =	shalt  }
0x41: {  	_ =	shalt  }
0x42: {  	_ =	shalt  }
0x43: {  	_ =	shalt  }
0x44: {  	_ =	shalt  }
0x45: {  	_ =	shalt  }
0x46: {  	_ =	shalt  }
0x47: {  	_ =	shalt  }
0x48: {  	_ =	shalt  }
0x49: {  	_ =	shalt  }
0x4a: {  	_ =	shalt  }
0x4b: {  	_ =	shalt  }
0x4c: {  	_ =	shalt  }
0x4d: {  	_ =	shalt  }
0x4e: {  	_ =	shalt  }
0x4f: {  	_ =	shalt  }
0x50: {  	_ =	shalt  }
0x51: {  	_ =	shalt  }
0x52: {  	_ =	shalt  }
0x53: {  	_ =	shalt  }
0x54: {  	_ =	shalt  }
0x55: {  	_ =	shalt  }
0x56: {  	_ =	shalt  }
0x57: {  	_ =	shalt  }
0x58: {  	_ =	shalt  }
0x59: {  	_ =	shalt  }
0x5a: {  	_ =	shalt  }
0x5b: {  	_ =	shalt  }
0x5c: {  	_ =	shalt  }
0x5d: {  	_ =	shalt  }
0x5e: {  	_ =	shalt  }
0x5f: {  	_ =	shalt  }
0x60: {  	_ =	shalt  }
0x61: {  	_ =	shalt  }
0x62: {  	_ =	shalt  }
0x63: {  	_ =	shalt  }
0x64: {  	_ =	shalt  }
0x65: {  	_ =	shalt  }
0x66: {  	_ =	shalt  }
0x67: {  	_ =	shalt  }
0x68: {  	_ =	shalt  }
0x69: {  	_ =	shalt  }
0x6a: {  	_ =	shalt  }
0x6b: {  	_ =	shalt  }
0x6c: {  	_ =	shalt  }
0x6d: {  	_ =	shalt  }
0x6e: {  	_ =	shalt  }
0x6f: {  	_ =	shalt  }
0x70: {  	_ =	shalt  }
0x71: {  	_ =	shalt  }
0x72: {  	_ =	shalt  }
0x73: {  	_ =	shalt  }
0x74: {  	_ =	shalt  }
0x75: {  	_ =	shalt  }
0x76: {  	_ =	shalt  }
0x77: {  	_ =	shalt  }
0x78: {  	_ =	shalt  }
0x79: {  	_ =	shalt  }
0x7a: {  	_ =	shalt  }
0x7b: {  	_ =	shalt  }
0x7c: {  	_ =	shalt  }
0x7d: {  	_ =	shalt  }
0x7e: {  	_ =	shalt  }
0x7f: {  	_ =	shalt  }
0x80: {  	_ =	shalt  }
0x81: {  	_ =	shalt  }
0x82: {  	_ =	shalt  }
0x83: {  	_ =	shalt  }
0x84: {  	_ =	shalt  }
0x85: {  	_ =	shalt  }
0x86: {  	_ =	shalt  }
0x87: {  	_ =	shalt  }
.Lfunc_end0:
.L_simem_size_0:
called_computation.1_lowered:
.L_overlay_start_0:
0x88: {  	s2 =	sld [smem:$0x3FD9]  }
0x89: {  	s3 =	sld [smem:$0x3FFE];
	_ =	sdelay $0x1  }
0x8a: {  	s1 =	srdreg.scid  }
0x8b: {  	s0 =	sand.u32 $0x1, s1  }
0x8c: {  	s15 =	sshll.u32 s0, $0xA;
	s2 =	sadd.s32 s3, s2  }
0x8d: {  	s2 =	sadd.s32 s2, s15  }
0x8e: {  	[smem:$0x3FAF] =	sst s2  }
0x8f: {  	_ = 	snop  }
0x90: {  	s2 =	sld [smem:$0x3FD0];
	_ =	sdelay $0x2  }
0x91: {  	s16 =	simm.s32 $0xB;
	s4 =	simm.s32 $0x10  }
0x92: {  	[smem:s4], [sflag:s16] =	dma.local [hbm:s2], $0x1  }
0x93: {  	_ =	swait.eq [sflag:s16], $0x1  }
0x94: {  	[sflag:s16] =	ssyncset.done $0x0  }
0x95: {  	[sflag:s16] =	ssyncadd.s32 $0xFFFFFFFF  }
0x96: {  	s17 =	sld [smem:$0x10];
	(tm) =	ssettm $0x1  }
0x97: {  	s18 =	sld [smem:$0x3FFB];
	_ =	sdelay $0x3  }
0x98: {  	_ =	strace s18  }
0x99: {  	s2 =	sld [smem:$0x3FFC];
	_ =	sdelay $0x3  }
0x9a: {  	_ =	strace s2  }
0x9b: {  	s2 =	sld [smem:$0x3FFD];
	_ =	sdelay $0x3  }
0x9c: {  	_ =	strace s2  }
0x9d: {  	_ =	strace $0x8FFFFFFF  }
0x9e: {  	s19 =	sld [smem:$0x3FDB];
	_ =	sdelay $0x1  }
0x9f: {  	s20 =	simm.s32 $_scs_section_size  }
0xa0: {  	s5 =	simm.s32 $_size__tile_overlayer_lowered;
	s6 =	simm.s32 $_tile_overlayer_lowered  }
0xa1: {  	s7 =	simm.s32 $0x1BFF;
	s21 =	sshll.u32 s6, $0x1;
	s4 =	sadd.s32 s20, s19  }
0xa2: {  	s22 =	simm.s32 $0x0;
	s5 =	sshll.u32 s5, $0x1;
	s6 =	sadd.s32 s21, s4  }
0xa3: {  	[timem:s22], [sflag:s7] =	dma.local [hbm:s6], s5  }
0xa4: {  	_ =	swait.ge [sflag:s7], s5  }
0xa5: {  	s5 =	ssub.s32 $0x0, s5;
	[sflag:s7] =	ssyncset.done $0x0  }
0xa6: {  	[sflag:s7] =	ssyncadd.s32 s5;
	_ =	sdelay $0x1  }
0xa7: {  	s23 =	simm.s32 $0x1B8B  }
0xa8: {  	_ =	swait.ge [sflag:s23], $0x1  }
0xa9: {  	[sflag:s23] =	ssyncset.done $0x0  }
0xaa: {  	[sflag:s23] =	ssyncadd.s32 $0xFFFFFFFF  }
0xab: {  	s5 =	sld [smem:$0x0]  }
0xac: {  	s6 =	sand.u32 $0xFFFFFFFE, s1  }
0xad: {  	p0 =	sne.s32 s1, s6  }
0xae: {  	s6 =	sshll.u32 @p0 s6, $0xE  }
0xaf: {  	s6 =	sadd.s32 @p0 $0x11B8D, s6;
	s7 =	sshll.u32 @p0 s5, $0x11  }
0xb0: {  	s6 =	sor.u32 @p0 s7, s6  }
0xb1: {  	[sflag:s6] =	ssyncadd.remote.s32 @p0 $0x1;
	_ =	sdelay $0x1  }
0xb2: {  	s6 =	simm.s32 @p0 $0x1B8D  }
0xb3: {  	_ =	swait.eq @p0 [sflag:s6], $0x1  }
0xb4: {  	[sflag:s6] =	ssyncadd.s32 @p0 $0xFFFFFFFF  }
0xb5: {  	s7 =	sshll.u32 @!p0 s1, $0xE  }
0xb6: {  	s7 =	sor.u32 @!p0 $0x4000, s7;
	s6 =	simm.s32 @!p0 $0x1B8D  }
0xb7: {  	s5 =	sshll.u32 @!p0 s5, $0x11;
	s7 =	sadd.s32 @!p0 $0x11B8D, s7;
	_ =	swait.eq @!p0 [sflag:s6], $0x1  }
0xb8: {  	s5 =	sor.u32 @!p0 s5, s7;
	[sflag:s6] =	ssyncadd.s32 @!p0 $0xFFFFFFFF  }
0xb9: {  	s25 =	simm.s32 $0x1B8E;
	s24 =	sld [smem:$0x3FFE];
	[sflag:s5] =	ssyncadd.remote.s32 @!p0 $0x1  }
0xba: {  	s26 =	simm.s32 $execute0_lowered;
	[smem:$0x3FD2] =	sst s25  }
0xbb: {  	s6 =	sshll.u32 s26, $0x1;
	_ =	strace $0x8000004C;
	[dreg:$0x1] =	wrdreg $0xFFFFFFFF  }
0xbc: {  	s28 =	simm.s32 $_size_execute0_lowered;
	s4 =	sadd.s32 s4, s6;
	[dreg:$0x0] =	wrdreg $0x0  }
0xbd: {  	s6 =	sshll.u32 s28, $0x1;
	[dreg:$0x2] =	wrdreg s4  }
0xbe: {  	[dreg:$0x3] =	wrdreg s6  }
0xbf: {  	[dreg:$0x4] =	wrdreg $0xC0  }
0xc0: {  	_ =	task [dreg:s22], $0x5FFFF  }
0xc1: {  	[dreg:$0x1] =	wrdreg $0xFFFFFFFF  }
0xc2: {  	[dreg:$0x0] =	wrdreg $0x60  }
0xc3: {  	[dreg:$0x2] =	wrdreg s24  }
0xc4: {  	[dreg:$0x3] =	wrdreg s17  }
0xc5: {  	[dreg:$0x4] =	wrdreg $0x0  }
0xc6: {  	[dreg:$0x5] =	wrdreg $0x9  }
0xc7: {  	_ =	task.clear_ibuf [dreg:s22], $0x6FFFF;
	_ =	strace $0x9000004C  }
0xc8: {  	s29 =	simm.s32 $0x9;
	_ =	strace $0x8000004E  }
0xc9: {  	_ =	swait.ge [sflag:s29], $0x1  }
0xca: {  	[sflag:s29] =	ssyncadd.s32 $0xFFFFFFFF  }
0xcb: {  	_ =	strace $0x9000004E  }
0xcc: {  	_ =	sfence  }
0xcd: {  	s30 =	sld [smem:$0x0];
	_ =	sdelay $0x2  }
0xce: {  	s31 =	sshll.u32 s1, $0xD;
	s1 =	sshrl.u32 s1, $0x2  }
0xcf: {  	s4 =	sand.u32 $0x4000, s31;
	s1 =	sadd.s32 s1, s30  }
0xd0: {  	s0 =	sor.u32 s4, s0;
	s1 =	sshll.u32 s1, $0x11  }
0xd1: {  	s0 =	sor.u32 s1, s0  }
0xd2: {  	s0 =	sadd.s32 $0x8F2B, s0  }
0xd3: {  	[sflag:s0] =	ssyncadd.remote.s32 $0x1  }
0xd4: {  	_ =	sfence.sel $0xFFFF  }
0xd5: {  	[dreg:$0x0] =	wrdreg $0xFFFFFFFF;
	(pc) =	sbr.abs _section_cstart, $3  }
0xd6: {  	[dreg:$0x1] =	wrdreg $0xFFFFFFFF  }
0xd7: {  	_ =	task.clear_ibuf [dreg:s22], $0x2FFFF;
	_ =	strace $0x9FFFFFFF  }
0xd8: {  	(tm) =	ssettm $0x7FFFFFFF  }
0xd9: {  	_ =	shalt  }
tec
execute0_lowered:
.L_overlay_start_1:
0x0: {  	(tag) =	ssettag $0x1  }
0x1: {  	s0 =	rddreg [dreg:$0x0]  }
0x2: {  	s3 =	rddreg [dreg:$0x1]  }
0x3: {  	s1 =	rddreg [dreg:$0x2];
	s13 =	stileid.u32  }
0x4: {  	s2 =	simm.s32 $0x0;
	s4 =	srdreg.scid;
	s8 =	smul.u32 $0x14000, s13  }
0x5: {  	s28 =	simm.s32 $0x40;
	s29 =	simm.s32 $0x14000;
	s10 =	smul.u32 $0x280, s13  }
0x6: {  	s30 =	simm.s32 $0x19000;
	s5 =	sand.u32 $0x1, s4;
	s20 =	smul.u32 $0x4E20, s13  }
0x7: {  	[smem:$0x7FF] =	sst s2;
	s14 =	sadd.s32 $0x5C00, s0;
	s6 =	smul.u32 $0x140000, s5  }
0x8: {  	_ =	strace $0x8000004D;
	[dreg:$0x4] =	wrdreg s14;
	s14 =	smul.u32 $0x4E200, s13  }
0x9: {  	s31 =	simm.s32 $0x16800;
	s9 =	sshll.u32 s13, $0x1;
	s22 =	smul.u32 $0x2710, s5  }
0xa: {  	s9 =	sor.u32 s5, s9;
	s24 =	ssub.s32 $0x2, s5;
	s5 =	smul.u32 $0x27100, s5  }
0xb: {  	s7 =	sadd.s32 $0x1D65200, s0;
	s4 =	sadd.s32 $0xF400, s0;
	s11 =	smul.u32 $0x2710, s9  }
0xc: {  	s12 =	sshrl.u32 s24, $0x1;
	s9 =	smul.u32 $0x27100, s9;
	s10 =	sshrl.u32 s10, $0x3  }
0xd: {  	s6 =	sadd.s32 s8, s6;
	s25 =	ssub.s32 s24, s12;
	s23 =	sadd.s32 s22, s20  }
0xe: {  	s6 =	sshrl.u32 s6, $0x3;
	s26 =	sadd.s32 s7, s9;
	s9 =	sshrl.u32 s11, $0x3  }
0xf: {  	s24 =	sadd.s32 $0x50, s23;
	s0 =	sadd.s32 s6, s0;
	[dreg:$0x5] =	wrdreg s26  }
0x10: {  	s8 =	sadd.s32 s4, s9;
	s6 =	smax.u32 s25, $0x1;
	s9 =	sadd.s32 s3, s10  }
0x11: {  	s25 =	smul.u32 $0x50, s13;
	s10 =	sadd.s32 $0xA0, s23;
	[dreg:$0x6] =	wrdreg s8  }
0x12: {  	s26 =	sshrl.u32 s24, $0x3;
	s24 =	simm.s32 $0x19100;
	[dreg:$0x7] =	wrdreg s6  }
0x13: {  	s11 =	sadd.s32 $0x8, s9;
	s12 =	sadd.s32 $0x10, s9;
	s18 =	sadd.s32 $0x18, s9  }
0x14: {  	s19 =	sadd.s32 $0x20, s9;
	s21 =	sadd.s32 $0x28, s9;
	[dreg:$0x8] =	wrdreg s11  }
0x15: {  	s15 =	sadd.s32 $0x30, s9;
	s16 =	sadd.s32 $0x38, s9;
	[dreg:$0x9] =	wrdreg s12  }
0x16: {  	s17 =	sadd.s32 $0x40, s9;
	s6 =	sadd.s32 s14, s7;
	[dreg:$0xa] =	wrdreg s18  }
0x17: {  	s22 =	sadd.s32 $0x69200, s0;
	s0 =	simm.s32 $0x19080;
	[dreg:$0xb] =	wrdreg s19  }
0x18: {  	s7 =	simm.s32 $0x0;
	[dreg:$0xc] =	wrdreg s21;
	s18 =	sadd.s32 $0x48, s9  }
0x19: {  	s5 =	sadd.s32 s5, s6;
	s21 =	sadd.s32 s26, s4;
	s23 =	sadd.s32 s25, s3  }
0x1a: {  	s25 =	simm.s32 $0x3;
	s26 =	simm.s32 $0x1B100;
	s3 =	simm.s32 $0x1  }
0x1b: {  	s6 =	simm.s32 $0x2;
	s19 =	sadd.s32 $0xA00, s5;
	s5 =	simm.s32 $0x50  }
.LBB2_1:
0x1c: {  	s8 =	rddreg [dreg:$0x4]  }
0x1d: {  	[tilespmem:s24], [sflag:$0x3] =	stream.linear.gather [hbm4b:s8+s2], $0x2000, $0x38;
	[tilespmem:$0x1B180] =	vst v63  }
0x1e: {  	_ =	swait.ge [sflag:s25], $0x2000  }
0x1f: {  	[sflag:s25] =	ssyncset.done $0x0  }
0x20: {  	[sflag:s25] =	ssyncadd.s32 $0xFFFFE000  }
0x21: {  	[tilespmem:s26], [sflag:$0x3] =	stream.linear.gather [hbm4b:s9+s2], $0x40, $0x38;
	[tilespmem:$0x1B180] =	vst v63  }
0x22: {  	_ =	swait.ge [sflag:s25], $0x40  }
0x23: {  	[sflag:s25] =	ssyncset.done $0x0  }
0x24: {  	[sflag:s25] =	ssyncadd.s32 $0xFFFFFFC0  }
0x25: {  	[spmem:s1] =	stream.indirect.scatter [tilespmem:s24], [sflag:$0x3], $0x80, s26, s28, $0xb8;
	[tilespmem:$0x1B180] =	vst v63  }
0x26: {  	_ =	swait.ge [sflag:s25], $0x2000  }
0x27: {  	[sflag:s25] =	ssyncset.done $0x0  }
0x28: {  	s11 =	rddreg [dreg:$0x8];
	[sflag:s25] =	ssyncadd.s32 $0xFFFFE000  }
0x29: {  	[tilespmem:s26], [sflag:$0x3] =	stream.linear.gather [hbm4b:s11+s2], $0x40, $0x38;
	[tilespmem:$0x1B180] =	vst v63  }
0x2a: {  	_ =	swait.ge [sflag:s25], $0x40  }
0x2b: {  	[sflag:s25] =	ssyncset.done $0x0  }
0x2c: {  	[sflag:s25] =	ssyncadd.s32 $0xFFFFFFC0  }
0x2d: {  	[spmem:s1] =	stream.indirect.scatter [tilespmem:s24], [sflag:$0x3], $0x80, s26, s28, $0xb8;
	[tilespmem:$0x1B180] =	vst v63  }
0x2e: {  	_ =	swait.ge [sflag:s25], $0x2000  }
0x2f: {  	[sflag:s25] =	ssyncset.done $0x0  }
0x30: {  	s12 =	rddreg [dreg:$0x9];
	[sflag:s25] =	ssyncadd.s32 $0xFFFFE000  }
0x31: {  	[tilespmem:s26], [sflag:$0x3] =	stream.linear.gather [hbm4b:s12+s2], $0x40, $0x38;
	[tilespmem:$0x1B180] =	vst v63  }
0x32: {  	_ =	swait.ge [sflag:s25], $0x40  }
0x33: {  	[sflag:s25] =	ssyncset.done $0x0  }
0x34: {  	[sflag:s25] =	ssyncadd.s32 $0xFFFFFFC0  }
0x35: {  	[spmem:s1] =	stream.indirect.scatter [tilespmem:s24], [sflag:$0x3], $0x80, s26, s28, $0xb8;
	[tilespmem:$0x1B180] =	vst v63  }
0x36: {  	_ =	swait.ge [sflag:s25], $0x2000  }
0x37: {  	[sflag:s25] =	ssyncset.done $0x0  }
0x38: {  	s13 =	rddreg [dreg:$0xa];
	[sflag:s25] =	ssyncadd.s32 $0xFFFFE000  }
0x39: {  	[tilespmem:s26], [sflag:$0x3] =	stream.linear.gather [hbm4b:s13+s2], $0x40, $0x38;
	[tilespmem:$0x1B180] =	vst v63  }
0x3a: {  	_ =	swait.ge [sflag:s25], $0x40  }
0x3b: {  	[sflag:s25] =	ssyncset.done $0x0  }
0x3c: {  	[sflag:s25] =	ssyncadd.s32 $0xFFFFFFC0  }
0x3d: {  	[spmem:s1] =	stream.indirect.scatter [tilespmem:s24], [sflag:$0x3], $0x80, s26, s28, $0xb8;
	[tilespmem:$0x1B180] =	vst v63  }
0x3e: {  	_ =	swait.ge [sflag:s25], $0x2000  }
0x3f: {  	[sflag:s25] =	ssyncset.done $0x0  }
0x40: {  	s14 =	rddreg [dreg:$0xb];
	[sflag:s25] =	ssyncadd.s32 $0xFFFFE000  }
0x41: {  	[tilespmem:s26], [sflag:$0x3] =	stream.linear.gather [hbm4b:s14+s2], $0x40, $0x38;
	[tilespmem:$0x1B180] =	vst v63  }
0x42: {  	_ =	swait.ge [sflag:s25], $0x40  }
0x43: {  	[sflag:s25] =	ssyncset.done $0x0  }
0x44: {  	[sflag:s25] =	ssyncadd.s32 $0xFFFFFFC0  }
0x45: {  	[spmem:s1] =	stream.indirect.scatter [tilespmem:s24], [sflag:$0x3], $0x80, s26, s28, $0xb8;
	[tilespmem:$0x1B180] =	vst v63  }
0x46: {  	_ =	swait.ge [sflag:s25], $0x2000  }
0x47: {  	[sflag:s25] =	ssyncset.done $0x0  }
0x48: {  	s20 =	rddreg [dreg:$0xc];
	[sflag:s25] =	ssyncadd.s32 $0xFFFFE000  }
0x49: {  	[tilespmem:s26], [sflag:$0x3] =	stream.linear.gather [hbm4b:s20+s2], $0x40, $0x38;
	[tilespmem:$0x1B180] =	vst v63  }
0x4a: {  	_ =	swait.ge [sflag:s25], $0x40  }
0x4b: {  	[sflag:s25] =	ssyncset.done $0x0  }
0x4c: {  	[sflag:s25] =	ssyncadd.s32 $0xFFFFFFC0  }
0x4d: {  	[spmem:s1] =	stream.indirect.scatter [tilespmem:s24], [sflag:$0x3], $0x80, s26, s28, $0xb8;
	[tilespmem:$0x1B180] =	vst v63  }
0x4e: {  	_ =	swait.ge [sflag:s25], $0x2000  }
0x4f: {  	[sflag:s25] =	ssyncset.done $0x0  }
0x50: {  	[sflag:s25] =	ssyncadd.s32 $0xFFFFE000  }
0x51: {  	[tilespmem:s26], [sflag:$0x3] =	stream.linear.gather [hbm4b:s15+s2], $0x40, $0x38;
	[tilespmem:$0x1B180] =	vst v63  }
0x52: {  	_ =	swait.ge [sflag:s25], $0x40  }
0x53: {  	[sflag:s25] =	ssyncset.done $0x0  }
0x54: {  	[sflag:s25] =	ssyncadd.s32 $0xFFFFFFC0  }
0x55: {  	[spmem:s1] =	stream.indirect.scatter [tilespmem:s24], [sflag:$0x3], $0x80, s26, s28, $0xb8;
	[tilespmem:$0x1B180] =	vst v63  }
0x56: {  	_ =	swait.ge [sflag:s25], $0x2000  }
0x57: {  	[sflag:s25] =	ssyncset.done $0x0  }
0x58: {  	[sflag:s25] =	ssyncadd.s32 $0xFFFFE000  }
0x59: {  	[tilespmem:s26], [sflag:$0x3] =	stream.linear.gather [hbm4b:s16+s2], $0x40, $0x38;
	[tilespmem:$0x1B180] =	vst v63  }
0x5a: {  	_ =	swait.ge [sflag:s25], $0x40  }
0x5b: {  	[sflag:s25] =	ssyncset.done $0x0  }
0x5c: {  	[sflag:s25] =	ssyncadd.s32 $0xFFFFFFC0  }
0x5d: {  	[spmem:s1] =	stream.indirect.scatter [tilespmem:s24], [sflag:$0x3], $0x80, s26, s28, $0xb8;
	[tilespmem:$0x1B180] =	vst v63  }
0x5e: {  	_ =	swait.ge [sflag:s25], $0x2000  }
0x5f: {  	[sflag:s25] =	ssyncset.done $0x0  }
0x60: {  	[sflag:s25] =	ssyncadd.s32 $0xFFFFE000  }
0x61: {  	[tilespmem:s26], [sflag:$0x3] =	stream.linear.gather [hbm4b:s17+s2], $0x40, $0x38;
	[tilespmem:$0x1B180] =	vst v63  }
0x62: {  	_ =	swait.ge [sflag:s25], $0x40  }
0x63: {  	[sflag:s25] =	ssyncset.done $0x0  }
0x64: {  	[sflag:s25] =	ssyncadd.s32 $0xFFFFFFC0  }
0x65: {  	[spmem:s1] =	stream.indirect.scatter [tilespmem:s24], [sflag:$0x3], $0x80, s26, s28, $0xb8;
	[tilespmem:$0x1B180] =	vst v63  }
0x66: {  	_ =	swait.ge [sflag:s25], $0x2000  }
0x67: {  	[sflag:s25] =	ssyncset.done $0x0  }
0x68: {  	[sflag:s25] =	ssyncadd.s32 $0xFFFFE000  }
0x69: {  	[tilespmem:s26], [sflag:$0x3] =	stream.linear.gather [hbm4b:s18+s2], $0x40, $0x38;
	[tilespmem:$0x1B180] =	vst v63  }
0x6a: {  	_ =	swait.ge [sflag:s25], $0x40  }
0x6b: {  	[sflag:s25] =	ssyncset.done $0x0  }
0x6c: {  	[sflag:s25] =	ssyncadd.s32 $0xFFFFFFC0  }
0x6d: {  	[spmem:s1] =	stream.indirect.scatter [tilespmem:s24], [sflag:$0x3], $0x80, s26, s28, $0xb8;
	[tilespmem:$0x1B180] =	vst v63  }
0x6e: {  	_ =	swait.ge [sflag:s25], $0x2000  }
0x6f: {  	[sflag:s25] =	ssyncset.done $0x0  }
0x70: {  	[sflag:s25] =	ssyncadd.s32 $0xFFFFE000  }
0x71: {  	[bflag:$0x0] =	sbarrier.arrive $0xFFFF  }
0x72: {  	s11 =	rddreg [dreg:$0x5]  }
0x73: {  	[tilespmem:s29], [sflag:$0x1] =	stream.linear.gather [hbm4b:s11+s2], $0x2800, $0x38;
	[tilespmem:$0x1B180] =	vst v63  }
0x74: {  	s12 =	rddreg [dreg:$0x6]  }
0x75: {  	[tilespmem:s30], [sflag:$0x1] =	stream.linear.gather [hbm4b:s12+s2], $0x50, $0x38;
	[tilespmem:$0x1B180] =	vst v63  }
0x76: {  	s13 =	sadd.s32 $0xFFFFFB00, s19  }
0x77: {  	[tilespmem:s31], [sflag:$0x2] =	stream.linear.gather [hbm4b:s13+s2], $0x2800, $0x38;
	[tilespmem:$0x1B180] =	vst v63  }
0x78: {  	s14 =	sadd.s32 $0x0, s21  }
0x79: {  	[tilespmem:s0], [sflag:$0x2] =	stream.linear.gather [hbm4b:s14+s2], $0x50, $0x38;
	[tilespmem:$0x1B180] =	vst v63  }
0x7a: {  	_ =	swait.ge [sflag:s3], $0x2800  }
0x7b: {  	[sflag:s3] =	ssyncset.done $0x0  }
0x7c: {  	[sflag:s3] =	ssyncadd.s32 $0xFFFFD800  }
0x7d: {  	_ =	swait.ge [sflag:s3], $0x50  }
0x7e: {  	[sflag:s3] =	ssyncset.done $0x0  }
0x7f: {  	[sflag:s3] =	ssyncadd.s32 $0xFFFFFFB0  }
0x80: {  	[spmem:s1] =	stream.indirect.scatter.add.f32 [tilespmem:s29], [sflag:$0x3], $0x80, s30, s5, $0xb8;
	[tilespmem:$0x1B180] =	vst v63  }
0x81: {  	_ =	swait.ge [sflag:s25], $0x2800  }
0x82: {  	[sflag:s25] =	ssyncset.done $0x0  }
0x83: {  	s20 =	sshrl.u32 s10, $0x3;
	[sflag:s25] =	ssyncadd.s32 $0xFFFFD800  }
0x84: {  	[tilespmem:s29], [sflag:$0x1] =	stream.linear.gather [hbm4b:s19+s2], $0x2800, $0x38;
	[tilespmem:$0x1B180] =	vst v63  }
0x85: {  	s8 =	sadd.s32 s4, s20  }
0x86: {  	[tilespmem:s30], [sflag:$0x1] =	stream.linear.gather [hbm4b:s8+s2], $0x50, $0x38;
	[tilespmem:$0x1B180] =	vst v63  }
0x87: {  	_ =	swait.ge [sflag:s6], $0x2800  }
0x88: {  	[sflag:s6] =	ssyncset.done $0x0  }
0x89: {  	[sflag:s6] =	ssyncadd.s32 $0xFFFFD800  }
0x8a: {  	_ =	swait.ge [sflag:s6], $0x50  }
0x8b: {  	[sflag:s6] =	ssyncset.done $0x0  }
0x8c: {  	[sflag:s6] =	ssyncadd.s32 $0xFFFFFFB0  }
0x8d: {  	[spmem:s1] =	stream.indirect.scatter.add.f32 [tilespmem:s31], [sflag:$0x3], $0x80, s0, s5, $0xb8;
	[tilespmem:$0x1B180] =	vst v63  }
0x8e: {  	s20 =	smov.u32 s10;
	s11 =	simm.s32 $0x14;
	_ =	swait.ge [sflag:s25], $0x2800  }
0x8f: {  	s12 =	simm.s32 $0x28;
	s8 =	sadd.s32 $0xA00, s19;
	[sflag:s25] =	ssyncset.done $0x0  }
.LBB2_2:
0x90: {  	s13 =	sadd.s32 $0xFFFFFB00, s8  }
0x91: {  	[sflag:s25] =	ssyncadd.s32 $0xFFFFD800;
	s20 =	sadd.s32 $0xA0, s20;
	s14 =	smov.u32 s12  }
0x92: {  	[tilespmem:s31], [sflag:$0x2] =	stream.linear.gather [hbm4b:s13+s2], $0x2800, $0x38;
	[tilespmem:$0x1B180] =	vst v63  }
0x93: {  	p0 =	sne.s32 s12, $0x4C4;
	s12 =	sadd.s32 $0x14, s12;
	s11 =	sadd.s32 s11, s21  }
0x94: {  	[tilespmem:s0], [sflag:$0x2] =	stream.linear.gather [hbm4b:s11+s2], $0x50, $0x38;
	[tilespmem:$0x1B180] =	vst v63  }
0x95: {  	s11 =	smov.u32 s14;
	_ =	swait.ge [sflag:s3], $0x2800  }
0x96: {  	[sflag:s3] =	ssyncset.done $0x0  }
0x97: {  	[sflag:s3] =	ssyncadd.s32 $0xFFFFD800  }
0x98: {  	_ =	swait.ge [sflag:s3], $0x50  }
0x99: {  	[sflag:s3] =	ssyncset.done $0x0  }
0x9a: {  	[sflag:s3] =	ssyncadd.s32 $0xFFFFFFB0  }
0x9b: {  	[spmem:s1] =	stream.indirect.scatter.add.f32 [tilespmem:s29], [sflag:$0x3], $0x80, s30, s5, $0xb8;
	[tilespmem:$0x1B180] =	vst v63  }
0x9c: {  	_ =	swait.ge [sflag:s25], $0x2800  }
0x9d: {  	[sflag:s25] =	ssyncset.done $0x0  }
0x9e: {  	s13 =	sshrl.u32 s20, $0x3;
	[sflag:s25] =	ssyncadd.s32 $0xFFFFD800  }
0x9f: {  	[tilespmem:s29], [sflag:$0x1] =	stream.linear.gather [hbm4b:s8+s2], $0x2800, $0x38;
	[tilespmem:$0x1B180] =	vst v63  }
0xa0: {  	s13 =	sadd.s32 s4, s13  }
0xa1: {  	[tilespmem:s30], [sflag:$0x1] =	stream.linear.gather [hbm4b:s13+s2], $0x50, $0x38;
	[tilespmem:$0x1B180] =	vst v63  }
0xa2: {  	_ =	swait.ge [sflag:s6], $0x2800  }
0xa3: {  	[sflag:s6] =	ssyncset.done $0x0  }
0xa4: {  	[sflag:s6] =	ssyncadd.s32 $0xFFFFD800  }
0xa5: {  	_ =	swait.ge [sflag:s6], $0x50  }
.Ltmp0:
0xa6: {  	[sflag:s6] =	ssyncset.done $0x0;
	(pc) =	sbr.rel @p0 .LBB2_2-.Ltmp0, $4  }
0xa7: {  	[sflag:s6] =	ssyncadd.s32 $0xFFFFFFB0  }
0xa8: {  	[spmem:s1] =	stream.indirect.scatter.add.f32 [tilespmem:s31], [sflag:$0x3], $0x80, s0, s5, $0xb8;
	[tilespmem:$0x1B180] =	vst v63  }
0xa9: {  	_ =	swait.ge [sflag:s25], $0x2800  }
0xaa: {  	s8 =	sadd.s32 $0xA00, s8;
	[sflag:s25] =	ssyncset.done $0x0  }
0xab: {  	s12 =	sadd.s32 $0xFFFFFB00, s8;
	[sflag:s25] =	ssyncadd.s32 $0xFFFFD800  }
0xac: {  	[tilespmem:s31], [sflag:$0x2] =	stream.linear.gather [hbm4b:s12+s2], $0x2800, $0x38;
	[tilespmem:$0x1B180] =	vst v63  }
0xad: {  	s11 =	sadd.s32 s11, s21  }
0xae: {  	[tilespmem:s0], [sflag:$0x2] =	stream.linear.gather [hbm4b:s11+s2], $0x50, $0x38;
	[tilespmem:$0x1B180] =	vst v63  }
0xaf: {  	_ =	swait.ge [sflag:s3], $0x2800  }
0xb0: {  	[sflag:s3] =	ssyncset.done $0x0  }
0xb1: {  	[sflag:s3] =	ssyncadd.s32 $0xFFFFD800  }
0xb2: {  	_ =	swait.ge [sflag:s3], $0x50  }
0xb3: {  	[sflag:s3] =	ssyncset.done $0x0  }
0xb4: {  	[sflag:s3] =	ssyncadd.s32 $0xFFFFFFB0  }
0xb5: {  	[spmem:s1] =	stream.indirect.scatter.add.f32 [tilespmem:s29], [sflag:$0x3], $0x80, s30, s5, $0xb8;
	[tilespmem:$0x1B180] =	vst v63  }
0xb6: {  	_ =	swait.ge [sflag:s25], $0x2800  }
0xb7: {  	s13 =	sadd.s32 $0xA0, s20;
	[sflag:s25] =	ssyncset.done $0x0  }
0xb8: {  	s11 =	sshrl.u32 s13, $0x3;
	[sflag:s25] =	ssyncadd.s32 $0xFFFFD800  }
0xb9: {  	[tilespmem:s29], [sflag:$0x1] =	stream.linear.gather [hbm4b:s8+s2], $0x2800, $0x38;
	[tilespmem:$0x1B180] =	vst v63  }
0xba: {  	s14 =	sadd.s32 s4, s11  }
0xbb: {  	[tilespmem:s30], [sflag:$0x1] =	stream.linear.gather [hbm4b:s14+s2], $0x50, $0x38;
	[tilespmem:$0x1B180] =	vst v63  }
0xbc: {  	_ =	swait.ge [sflag:s6], $0x2800  }
0xbd: {  	[sflag:s6] =	ssyncset.done $0x0  }
0xbe: {  	[sflag:s6] =	ssyncadd.s32 $0xFFFFD800  }
0xbf: {  	_ =	swait.ge [sflag:s6], $0x50  }
0xc0: {  	[sflag:s6] =	ssyncset.done $0x0  }
0xc1: {  	[sflag:s6] =	ssyncadd.s32 $0xFFFFFFB0  }
0xc2: {  	[spmem:s1] =	stream.indirect.scatter.add.f32 [tilespmem:s31], [sflag:$0x3], $0x80, s0, s5, $0xb8;
	[tilespmem:$0x1B180] =	vst v63  }
0xc3: {  	_ =	swait.ge [sflag:s25], $0x2800  }
0xc4: {  	[sflag:s25] =	ssyncset.done $0x0  }
0xc5: {  	[sflag:s25] =	ssyncadd.s32 $0xFFFFD800  }
0xc6: {  	_ =	swait.ge [sflag:s3], $0x2800  }
0xc7: {  	[sflag:s3] =	ssyncset.done $0x0  }
0xc8: {  	[sflag:s3] =	ssyncadd.s32 $0xFFFFD800  }
0xc9: {  	_ =	swait.ge [sflag:s3], $0x50  }
0xca: {  	[sflag:s3] =	ssyncset.done $0x0  }
0xcb: {  	[sflag:s3] =	ssyncadd.s32 $0xFFFFFFB0  }
0xcc: {  	[spmem:s1] =	stream.indirect.scatter.add.f32 [tilespmem:s29], [sflag:$0x3], $0x80, s30, s5, $0xb8;
	[tilespmem:$0x1B180] =	vst v63  }
0xcd: {  	_ =	swait.ge [sflag:s25], $0x2800  }
0xce: {  	[sflag:s25] =	ssyncset.done $0x0  }
0xcf: {  	[sflag:s25] =	ssyncadd.s32 $0xFFFFD800  }
0xd0: {  	s20 =	sadd.s32 $0x0, s23;
	[bflag:$0x0] =	sbarrier.arrive $0xFFFF  }
0xd1: {  	[tilespmem:s26], [sflag:$0x3] =	stream.linear.gather [hbm4b:s20+s2], $0x40, $0x38;
	[tilespmem:$0x1B180] =	vst v63  }
0xd2: {  	_ =	swait.ge [sflag:s25], $0x40  }
0xd3: {  	[sflag:s25] =	ssyncset.done $0x0  }
0xd4: {  	[sflag:s25] =	ssyncadd.s32 $0xFFFFFFC0  }
0xd5: {  	[tilespmem:s24], [sflag:$0x3] =	stream.indirect.gather [spmem:s1], $0x80, s26, s28, $0xb8;
	[tilespmem:$0x1B180] =	vst v63  }
0xd6: {  	_ =	swait.ge [sflag:s25], $0x2000  }
0xd7: {  	[sflag:s25] =	ssyncset.done $0x0  }
0xd8: {  	[sflag:s25] =	ssyncadd.s32 $0xFFFFE000  }
0xd9: {  	[hbm4b:s22+s2] =	stream.linear.scatter [tilespmem:s24], [sflag:$0x3], $0x2000, $0x38;
	[tilespmem:$0x1B180] =	vst v63  }
0xda: {  	s12 =	simm.s32 $0x10;
	_ =	swait.ge [sflag:s25], $0x2000  }
0xdb: {  	s11 =	simm.s32 $0x8;
	s8 =	sadd.s32 $0x400, s22;
	[sflag:s25] =	ssyncset.done $0x0  }
.LBB2_4:
0xdc: {  	s13 =	sadd.s32 s11, s23  }
0xdd: {  	[sflag:s25] =	ssyncadd.s32 $0xFFFFE000;
	s11 =	smov.u32 s12;
	s14 =	sadd.s32 $0x8, s12  }
0xde: {  	[tilespmem:s26], [sflag:$0x3] =	stream.linear.gather [hbm4b:s13+s2], $0x40, $0x38;
	[tilespmem:$0x1B180] =	vst v63  }
0xdf: {  	p0 =	sne.s32 s12, $0x48;
	_ =	swait.ge [sflag:s25], $0x40  }
0xe0: {  	[sflag:s25] =	ssyncset.done $0x0  }
0xe1: {  	[sflag:s25] =	ssyncadd.s32 $0xFFFFFFC0  }
0xe2: {  	[tilespmem:s24], [sflag:$0x3] =	stream.indirect.gather [spmem:s1], $0x80, s26, s28, $0xb8;
	[tilespmem:$0x1B180] =	vst v63  }
0xe3: {  	_ =	swait.ge [sflag:s25], $0x2000  }
.Ltmp1:
0xe4: {  	[sflag:s25] =	ssyncset.done $0x0;
	(pc) =	sbr.rel @p0 .LBB2_4-.Ltmp1, $4  }
0xe5: {  	[sflag:s25] =	ssyncadd.s32 $0xFFFFE000  }
0xe6: {  	[hbm4b:s8+s2] =	stream.linear.scatter [tilespmem:s24], [sflag:$0x3], $0x2000, $0x38;
	[tilespmem:$0x1B180] =	vst v63  }
0xe7: {  	_ =	swait.ge [sflag:s25], $0x2000  }
0xe8: {  	s12 =	smov.u32 s14;
	s8 =	sadd.s32 $0x400, s8;
	[sflag:s25] =	ssyncset.done $0x0  }
0xe9: {  	s11 =	sadd.s32 s11, s23;
	[sflag:s25] =	ssyncadd.s32 $0xFFFFE000  }
0xea: {  	[tilespmem:s26], [sflag:$0x3] =	stream.linear.gather [hbm4b:s11+s2], $0x40, $0x38;
	[tilespmem:$0x1B180] =	vst v63  }
0xeb: {  	_ =	swait.ge [sflag:s25], $0x40  }
0xec: {  	[sflag:s25] =	ssyncset.done $0x0  }
0xed: {  	[sflag:s25] =	ssyncadd.s32 $0xFFFFFFC0  }
0xee: {  	[tilespmem:s24], [sflag:$0x3] =	stream.indirect.gather [spmem:s1], $0x80, s26, s28, $0xb8;
	[tilespmem:$0x1B180] =	vst v63  }
0xef: {  	_ =	swait.ge [sflag:s25], $0x2000  }
0xf0: {  	[sflag:s25] =	ssyncset.done $0x0  }
0xf1: {  	[sflag:s25] =	ssyncadd.s32 $0xFFFFE000  }
0xf2: {  	[hbm4b:s8+s2] =	stream.linear.scatter [tilespmem:s24], [sflag:$0x3], $0x2000, $0x38;
	[tilespmem:$0x1B180] =	vst v63  }
0xf3: {  	_ =	swait.ge [sflag:s25], $0x2000  }
0xf4: {  	s7 =	sadd.s32 $0x1, s7;
	s20 =	rddreg [dreg:$0x7]  }
0xf5: {  	p0 =	sne.s32 s7, s20  }
.Ltmp2:
0xf6: {  	_ = 	snop;
	(pc) =	sbr.rel @p0 .LBB2_1-.Ltmp2, $3  }
0xf7: {  	_ =	sdelay $0x1  }
0xf8: {  	[sflag:s25] =	ssyncset.done $0x0  }
0xf9: {  	[sflag:s25] =	ssyncadd.s32 $0xFFFFE000  }
0xfa: {  	_ =	sfence.sel $0x180000  }
0xfb: {  	[bflag:$0x0] =	sbarrier.arrive $0xFFFF  }
0xfc: {  	_ =	strace $0x9000004D  }
0xfd: {  	s0 =	stileid.u32;
	[bflag:$0x2] =	sbarrier.arrive $0xFFFF  }
0xfe: {  	p0 =	sne.s32 s0, $0x0;
	s0 =	rddreg [dreg:$0x3]  }
0xff: {  	s0 =	sadd.s32 @!p0 $0x100000, s0  }
0x100: {  	[sflag:s0] =	ssyncadd.tile.s32 @!p0 $0x1;
	_ =	shalt  }
.Lfunc_end2:
_tile_overlayer_lowered:
.L_overlay_start_2:
0x101: {  	(tag) =	ssettag $0x2  }
0x102: {  	s0 =	rddreg [dreg:$0x0];
	s2 =	stileid.u32  }
0x103: {  	s1 =	rddreg [dreg:$0x1];
	p0 =	sne.s32 s2, $0x0  }
0x104: {  	s3 =	rddreg [dreg:$0x2];
	[bflag:$0x3] =	sbarrier.arrive $0xFFFF;
	s2 =	simm.s32 @!p0 $0x1C03  }
0x105: {  	[timem:s3], [sflag:s2] =	dma.local @!p0 [hbm:s0], s1  }
0x106: {  	s0 =	simm.s32 @!p0 $0x3  }
0x107: {  	_ =	swait.ge @!p0 [sflag:s0], s1  }
0x108: {  	s1 =	ssub.s32 @!p0 $0x0, s1;
	[sflag:s0] =	ssyncset.done @!p0 $0x0  }
0x109: {  	[sflag:s0] =	ssyncadd.s32 @!p0 s1  }
0x10a: {  	[bflag:$0x3] =	sbarrier.arrive $0xFFFF  }
0x10b: {  	_ =	shalt  }

// kernel: kernel.14.cloned.1.call-start
scs
__scs_entry_jumppad:
0x0: {  	(pc) =	sbr.rel $0x88, $3  }
0x1: {  	(tag) =	ssettag $0x0;
	lr =	simm.s32 $0x1  }
0x2: {  	[smem:$0x3F88] =	sst lr;
	_ =	strace $0xD0000000  }
0x3: {  	_ = 	snop  }
0x4: {  	_ = 	snop  }
0x5: {  	_ = 	snop  }
0x6: {  	_ = 	snop  }
0x7: {  	_ = 	snop  }
__scs_overlays_trampoline_lowered:
0x8: {  	[smem:$0x3F97] =	sst s0  }
0x9: {  	[smem:$0x3F98] =	sst s1  }
0xa: {  	[smem:$0x3F99] =	sst s2  }
0xb: {  	[smem:$0x3F9A] =	sst s3  }
0xc: {  	[smem:$0x3F9B] =	sst s4  }
0xd: {  	[smem:$0x3F9C] =	sst s5  }
0xe: {  	[smem:$0x3F9D] =	sst s6  }
0xf: {  	[smem:$0x3F9E] =	sst s7  }
0x10: {  	[smem:$0x3F9F] =	sst s8  }
0x11: {  	[smem:$0x3FA0] =	sst s9;
	s0 =	simm.s32 @!p0 $0x0  }
0x12: {  	s1 =	sld [smem:$0x3F86];
	s0 =	simm.s32 @p0 $0x1  }
0x13: {  	[smem:$0x3FA1] =	sst s0;
	s0 =	simm.s32 @!p1 $0x0  }
0x14: {  	s2 =	sld [smem:$0x3F85];
	s0 =	simm.s32 @p1 $0x1  }
0x15: {  	[smem:$0x3FA2] =	sst s0;
	s0 =	simm.s32 @!p2 $0x0  }
0x16: {  	s3 =	sld [smem:$0x3FDB];
	s0 =	simm.s32 @p2 $0x1  }
0x17: {  	s4 =	simm.s32 $0x1BF5;
	[smem:$0x3FA4] =	sst s0  }
0x18: {  	s0 =	sld [smem:$0x3F87];
	_ =	swait.ge [sflag:s4], $0x0  }
0x19: {  	s7 =	sld [smem:$0x3F88]  }
0x1a: {  	s8 =	sadd.s32 $0xFFFFE003, lr  }
0x1b: {  	s9 =	sadd.s32 $0xFFFFFEF7, lr;
	s5 =	simm.s32 $0xFFFFFFFF;
	p2 =	slt.u32 s8, $0xFFFFF086  }
0x1c: {  	p1 =	slt.u32 s9, $0xF7A;
	s5 =	simm.s32 @!p2 $0x0  }
0x1d: {  	s5 =	simm.s32 @p1 $0x1;
	p0 =	seq.s32 s7, s2  }
0x1e: {  	s7 =	smul.u32 @!p0 $0xF7A, s2;
	p2 =	seq.s32 @!p0 s5, $0x0  }
0x1f: {  	s9 =	smul.u32 $0xF7A, s1;
	s8 =	simm.s32 @!p0 $0x1BF5;
	p2 =	por !p2, p0  }
0x20: {  	[sflag:s8] =	ssyncset.s32 @!p0 $0xFFFFF086;
	s6 =	sadd.s32 @!p0 s3, s7;
	s7 =	simm.s32 @!p0 $0x108  }
0x21: {  	s3 =	sadd.s32 s3, s9;
	s6 =	sadd.s32 @!p0 $0x88, s6;
	s7 =	simm.s32 @p2 $0x1082  }
0x22: {  	[simem:s7], [sflag:s8] =	dma.local @!p0 [hbm:s6], $0xF7A  }
0x23: {  	s9 =	sor.u32 $0xD0000000, s2;
	s6 =	simm.s32 $0x108;
	_ =	swait.ge @!p0 [sflag:s8], $0x0  }
0x24: {  	s3 =	sadd.s32 $0x88, s3;
	s6 =	simm.s32 @!p1 $0x1082;
	[sflag:s4] =	ssyncset.s32 $0xFFFFF086  }
0x25: {  	[simem:s6], [sflag:s4] =	dma.local [hbm:s3], $0xF7A  }
0x26: {  	[smem:$0x3F88] =	sst s1;
	(tag) =	ssettag s2;
	_ =	strace s9  }
0x27: {  	s1 =	sld [smem:$0x3F98]  }
0x28: {  	s2 =	sld [smem:$0x3F99]  }
0x29: {  	s4 =	sld [smem:$0x3F9B]  }
0x2a: {  	p0 =	seq.s32 s5, $0x0;
	s5 =	sld [smem:$0x3F9C]  }
0x2b: {  	s6 =	sld [smem:$0x3F9D]  }
0x2c: {  	s7 =	sld [smem:$0x3F9E]  }
0x2d: {  	s3 =	simm.s32 $0x108;
	s8 =	sld [smem:$0x3F9F]  }
0x2e: {  	s3 =	simm.s32 @!p0 $0x1082;
	s9 =	sld [smem:$0x3FA0]  }
0x2f: {  	lr =	sadd.s32 s0, s3;
	s0 =	sld [smem:$0x3F97]  }
0x30: {  	s3 =	sld [smem:$0x3F9A]  }
0x31: {  	[smem:$0x3FA3] =	sst s10  }
0x32: {  	s10 =	sld [smem:$0x3FA1];
	_ =	sdelay $0x3  }
0x33: {  	p0 =	seq.s32 s10, $0x1;
	s10 =	sld [smem:$0x3FA3];
	_ =	sdelay $0x3  }
0x34: {  	[smem:$0x3FA3] =	sst s10  }
0x35: {  	s10 =	sld [smem:$0x3FA2];
	_ =	sdelay $0x3  }
0x36: {  	p1 =	seq.s32 s10, $0x1;
	s10 =	sld [smem:$0x3FA3];
	_ =	sdelay $0x3  }
0x37: {  	[smem:$0x3FA3] =	sst s10  }
0x38: {  	s10 =	sld [smem:$0x3FA4]  }
0x39: {  	_ = 	snop;
	(pc) =	sbr.ind lr, $3  }
0x3a: {  	_ = 	snop  }
0x3b: {  	_ = 	snop  }
0x3c: {  	p2 =	seq.s32 s10, $0x1;
	s10 =	sld [smem:$0x3FA3]  }
0x3d: {  	_ =	shalt  }
0x3e: {  	_ =	shalt  }
0x3f: {  	_ =	shalt  }
0x40: {  	_ =	shalt  }
0x41: {  	_ =	shalt  }
0x42: {  	_ =	shalt  }
0x43: {  	_ =	shalt  }
0x44: {  	_ =	shalt  }
0x45: {  	_ =	shalt  }
0x46: {  	_ =	shalt  }
0x47: {  	_ =	shalt  }
0x48: {  	_ =	shalt  }
0x49: {  	_ =	shalt  }
0x4a: {  	_ =	shalt  }
0x4b: {  	_ =	shalt  }
0x4c: {  	_ =	shalt  }
0x4d: {  	_ =	shalt  }
0x4e: {  	_ =	shalt  }
0x4f: {  	_ =	shalt  }
0x50: {  	_ =	shalt  }
0x51: {  	_ =	shalt  }
0x52: {  	_ =	shalt  }
0x53: {  	_ =	shalt  }
0x54: {  	_ =	shalt  }
0x55: {  	_ =	shalt  }
0x56: {  	_ =	shalt  }
0x57: {  	_ =	shalt  }
0x58: {  	_ =	shalt  }
0x59: {  	_ =	shalt  }
0x5a: {  	_ =	shalt  }
0x5b: {  	_ =	shalt  }
0x5c: {  	_ =	shalt  }
0x5d: {  	_ =	shalt  }
0x5e: {  	_ =	shalt  }
0x5f: {  	_ =	shalt  }
0x60: {  	_ =	shalt  }
0x61: {  	_ =	shalt  }
0x62: {  	_ =	shalt  }
0x63: {  	_ =	shalt  }
0x64: {  	_ =	shalt  }
0x65: {  	_ =	shalt  }
0x66: {  	_ =	shalt  }
0x67: {  	_ =	shalt  }
0x68: {  	_ =	shalt  }
0x69: {  	_ =	shalt  }
0x6a: {  	_ =	shalt  }
0x6b: {  	_ =	shalt  }
0x6c: {  	_ =	shalt  }
0x6d: {  	_ =	shalt  }
0x6e: {  	_ =	shalt  }
0x6f: {  	_ =	shalt  }
0x70: {  	_ =	shalt  }
0x71: {  	_ =	shalt  }
0x72: {  	_ =	shalt  }
0x73: {  	_ =	shalt  }
0x74: {  	_ =	shalt  }
0x75: {  	_ =	shalt  }
0x76: {  	_ =	shalt  }
0x77: {  	_ =	shalt  }
0x78: {  	_ =	shalt  }
0x79: {  	_ =	shalt  }
0x7a: {  	_ =	shalt  }
0x7b: {  	_ =	shalt  }
0x7c: {  	_ =	shalt  }
0x7d: {  	_ =	shalt  }
0x7e: {  	_ =	shalt  }
0x7f: {  	_ =	shalt  }
0x80: {  	_ =	shalt  }
0x81: {  	_ =	shalt  }
0x82: {  	_ =	shalt  }
0x83: {  	_ =	shalt  }
0x84: {  	_ =	shalt  }
0x85: {  	_ =	shalt  }
0x86: {  	_ =	shalt  }
0x87: {  	_ =	shalt  }
.Lfunc_end0:
.L_simem_size_0:
called_computation.2_lowered:
.L_overlay_start_0:
0x88: {  	s2 =	sld [smem:$0x3FD9]  }
0x89: {  	s3 =	sld [smem:$0x3FFE];
	_ =	sdelay $0x1  }
0x8a: {  	s1 =	srdreg.scid  }
0x8b: {  	s0 =	sand.u32 $0x1, s1  }
0x8c: {  	s16 =	sshll.u32 s0, $0xA;
	s2 =	sadd.s32 s3, s2  }
0x8d: {  	s2 =	sadd.s32 s2, s16  }
0x8e: {  	[smem:$0x3FAF] =	sst s2  }
0x8f: {  	_ = 	snop  }
0x90: {  	(tm) =	ssettm $0x1  }
0x91: {  	s17 =	sld [smem:$0x3FFB];
	_ =	sdelay $0x3  }
0x92: {  	_ =	strace s17  }
0x93: {  	s2 =	sld [smem:$0x3FFC];
	_ =	sdelay $0x3  }
0x94: {  	_ =	strace s2  }
0x95: {  	s2 =	sld [smem:$0x3FFD];
	_ =	sdelay $0x3  }
0x96: {  	_ =	strace s2  }
0x97: {  	_ =	strace $0x8FFFFFFF  }
0x98: {  	s18 =	sld [smem:$0x3FDB];
	_ =	sdelay $0x1  }
0x99: {  	s19 =	simm.s32 $_scs_section_size  }
0x9a: {  	s4 =	simm.s32 $_size__tile_overlayer_lowered;
	s5 =	simm.s32 $_tile_overlayer_lowered  }
0x9b: {  	s22 =	simm.s32 $0x1BFF;
	s21 =	sshll.u32 s5, $0x1;
	s2 =	sadd.s32 s19, s18  }
0x9c: {  	s6 =	simm.s32 $0x0;
	s20 =	sshll.u32 s4, $0x1;
	s4 =	sadd.s32 s21, s2  }
0x9d: {  	[timem:s6], [sflag:s22] =	dma.local [hbm:s4], s20  }
0x9e: {  	_ =	swait.ge [sflag:s22], s20  }
0x9f: {  	s3 =	ssub.s32 $0x0, s20;
	[sflag:s22] =	ssyncset.done $0x0  }
0xa0: {  	[sflag:s22] =	ssyncadd.s32 s3;
	_ =	sdelay $0x1  }
0xa1: {  	s23 =	simm.s32 $0x1B8B  }
0xa2: {  	_ =	swait.ge [sflag:s23], $0x1  }
0xa3: {  	[sflag:s23] =	ssyncset.done $0x0  }
0xa4: {  	s25 =	simm.s32 $0x1B8E;
	s24 =	sld [smem:$0x3FFE];
	[sflag:s23] =	ssyncadd.s32 $0xFFFFFFFF  }
0xa5: {  	s26 =	simm.s32 $execute0_lowered;
	[smem:$0x3FD2] =	sst s25  }
0xa6: {  	s4 =	sshll.u32 s26, $0x1;
	_ =	strace $0x80000049;
	[dreg:$0x1] =	wrdreg $0xFFFFFFFF  }
0xa7: {  	s28 =	simm.s32 $_size_execute0_lowered;
	s2 =	sadd.s32 s2, s4;
	[dreg:$0x0] =	wrdreg $0x0  }
0xa8: {  	s4 =	sshll.u32 s28, $0x1;
	[dreg:$0x2] =	wrdreg s2  }
0xa9: {  	[dreg:$0x3] =	wrdreg s4  }
0xaa: {  	[dreg:$0x4] =	wrdreg $0xC0  }
0xab: {  	_ =	task [dreg:s6], $0x5FFFF  }
0xac: {  	[dreg:$0x1] =	wrdreg $0xFFFFFFFF  }
0xad: {  	[dreg:$0x0] =	wrdreg $0x60  }
0xae: {  	[dreg:$0x2] =	wrdreg s24  }
0xaf: {  	[dreg:$0x3] =	wrdreg $0x0  }
0xb0: {  	[dreg:$0x4] =	wrdreg $0xA  }
0xb1: {  	_ =	task.clear_ibuf [dreg:s6], $0x5FFFF;
	_ =	strace $0x90000049  }
0xb2: {  	s29 =	simm.s32 $0xA;
	_ =	strace $0x8000004B  }
0xb3: {  	_ =	swait.ge [sflag:s29], $0x1  }
0xb4: {  	[sflag:s29] =	ssyncadd.s32 $0xFFFFFFFF  }
0xb5: {  	_ =	strace $0x9000004B  }
0xb6: {  	_ =	sfence  }
0xb7: {  	s30 =	sld [smem:$0x0];
	_ =	sdelay $0x2  }
0xb8: {  	s31 =	sshll.u32 s1, $0xD;
	s1 =	sshrl.u32 s1, $0x2  }
0xb9: {  	s3 =	sand.u32 $0x4000, s31;
	s1 =	sadd.s32 s1, s30  }
0xba: {  	s0 =	sor.u32 s3, s0;
	s1 =	sshll.u32 s1, $0x11  }
0xbb: {  	s0 =	sor.u32 s1, s0  }
0xbc: {  	s0 =	sadd.s32 $0x8F2B, s0  }
0xbd: {  	[sflag:s0] =	ssyncadd.remote.s32 $0x1  }
0xbe: {  	_ =	sfence.sel $0xFFFF  }
0xbf: {  	[dreg:$0x0] =	wrdreg $0xFFFFFFFF;
	(pc) =	sbr.abs _section_cstart, $3  }
0xc0: {  	[dreg:$0x1] =	wrdreg $0xFFFFFFFF  }
0xc1: {  	_ =	task.clear_ibuf [dreg:s6], $0x2FFFF;
	_ =	strace $0x9FFFFFFF  }
0xc2: {  	(tm) =	ssettm $0x7FFFFFFF  }
0xc3: {  	_ =	shalt  }
tec
execute0_lowered:
.L_overlay_start_1:
0x0: {  	(tag) =	ssettag $0x1  }
0x1: {  	s0 =	rddreg [dreg:$0x0]  }
0x2: {  	s1 =	rddreg [dreg:$0x1];
	s2 =	simm.s32 $0x0;
	s13 =	stileid.u32  }
0x3: {  	s3 =	srdreg.scid;
	s28 =	simm.s32 $0x40;
	s7 =	smul.u32 $0x14000, s13  }
0x4: {  	s29 =	simm.s32 $0x14000;
	s30 =	simm.s32 $0x19000;
	s23 =	smul.u32 $0x280, s13  }
0x5: {  	s31 =	simm.s32 $0x16800;
	[smem:$0x7FF] =	sst s2;
	s14 =	smul.u32 $0x4E200, s13  }
0x6: {  	s3 =	sand.u32 $0x1, s3;
	s5 =	sadd.s32 $0x1883200, s0;
	s21 =	smul.u32 $0x4E20, s13  }
0x7: {  	s4 =	sadd.s32 $0xF400, s0;
	s8 =	sshll.u32 s13, $0x1;
	s6 =	smul.u32 $0x140000, s3  }
0x8: {  	s9 =	sadd.s32 $0x5C00, s0;
	s12 =	sadd.s32 $0x5600, s0;
	s22 =	smul.u32 $0x2710, s3  }
0x9: {  	s8 =	sor.u32 s3, s8;
	s24 =	ssub.s32 $0x2, s3;
	s3 =	smul.u32 $0x27100, s3  }
0xa: {  	_ =	strace $0x8000004A;
	[dreg:$0x3] =	wrdreg s9;
	s10 =	smul.u32 $0x2710, s8  }
0xb: {  	s11 =	sshrl.u32 s24, $0x1;
	s8 =	smul.u32 $0x27100, s8;
	s9 =	sshrl.u32 s23, $0x3  }
0xc: {  	s6 =	sadd.s32 s7, s6;
	s25 =	ssub.s32 s24, s11;
	s9 =	sadd.s32 s12, s9  }
0xd: {  	s23 =	sadd.s32 s22, s21;
	s6 =	sshrl.u32 s6, $0x3;
	s26 =	sadd.s32 s5, s8  }
0xe: {  	s8 =	sshrl.u32 s10, $0x3;
	s10 =	sadd.s32 $0x8, s9;
	s11 =	sadd.s32 $0x10, s9  }
0xf: {  	s19 =	sadd.s32 $0x18, s9;
	s20 =	sadd.s32 $0x20, s9;
	s15 =	sadd.s32 $0x30, s9  }
0x10: {  	s16 =	sadd.s32 $0x38, s9;
	s17 =	sadd.s32 $0x40, s9;
	[dreg:$0x4] =	wrdreg s26  }
0x11: {  	s18 =	sadd.s32 $0x48, s9;
	s5 =	sadd.s32 s14, s5;
	[dreg:$0x7] =	wrdreg s10  }
0x12: {  	s24 =	sadd.s32 $0x50, s23;
	s0 =	sadd.s32 s6, s0;
	[dreg:$0x8] =	wrdreg s11  }
0x13: {  	s7 =	sadd.s32 s4, s8;
	s6 =	smax.u32 s25, $0x1;
	[dreg:$0x9] =	wrdreg s19  }
0x14: {  	[dreg:$0xa] =	wrdreg s20;
	s8 =	sadd.s32 $0x28, s9;
	s3 =	sadd.s32 s3, s5  }
0x15: {  	s25 =	smul.u32 $0x50, s13;
	s10 =	sadd.s32 $0xA0, s23;
	[dreg:$0x5] =	wrdreg s7  }
0x16: {  	s26 =	sshrl.u32 s24, $0x3;
	s24 =	simm.s32 $0x19100;
	[dreg:$0x6] =	wrdreg s6  }
0x17: {  	s5 =	simm.s32 $0x50;
	[dreg:$0xb] =	wrdreg s8;
	s19 =	sadd.s32 $0xA00, s3  }
0x18: {  	s21 =	sadd.s32 s26, s4;
	s22 =	sadd.s32 $0x19200, s0;
	s26 =	simm.s32 $0x1B100  }
0x19: {  	s0 =	simm.s32 $0x19080;
	s3 =	simm.s32 $0x1;
	s6 =	simm.s32 $0x2  }
0x1a: {  	s7 =	simm.s32 $0x0;
	s23 =	sadd.s32 s25, s12;
	s25 =	simm.s32 $0x3  }
.LBB2_1:
0x1b: {  	s8 =	rddreg [dreg:$0x3]  }
0x1c: {  	[tilespmem:s24], [sflag:$0x3] =	stream.linear.gather [hbm4b:s8+s2], $0x2000, $0x38;
	[tilespmem:$0x1B180] =	vst v63  }
0x1d: {  	_ =	swait.ge [sflag:s25], $0x2000  }
0x1e: {  	[sflag:s25] =	ssyncset.done $0x0  }
0x1f: {  	[sflag:s25] =	ssyncadd.s32 $0xFFFFE000  }
0x20: {  	[tilespmem:s26], [sflag:$0x3] =	stream.linear.gather [hbm4b:s9+s2], $0x40, $0x38;
	[tilespmem:$0x1B180] =	vst v63  }
0x21: {  	_ =	swait.ge [sflag:s25], $0x40  }
0x22: {  	[sflag:s25] =	ssyncset.done $0x0  }
0x23: {  	[sflag:s25] =	ssyncadd.s32 $0xFFFFFFC0  }
0x24: {  	[spmem:s1] =	stream.indirect.scatter [tilespmem:s24], [sflag:$0x3], $0x80, s26, s28, $0xb8;
	[tilespmem:$0x1B180] =	vst v63  }
0x25: {  	_ =	swait.ge [sflag:s25], $0x2000  }
0x26: {  	[sflag:s25] =	ssyncset.done $0x0  }
0x27: {  	s11 =	rddreg [dreg:$0x7];
	[sflag:s25] =	ssyncadd.s32 $0xFFFFE000  }
0x28: {  	[tilespmem:s26], [sflag:$0x3] =	stream.linear.gather [hbm4b:s11+s2], $0x40, $0x38;
	[tilespmem:$0x1B180] =	vst v63  }
0x29: {  	_ =	swait.ge [sflag:s25], $0x40  }
0x2a: {  	[sflag:s25] =	ssyncset.done $0x0  }
0x2b: {  	[sflag:s25] =	ssyncadd.s32 $0xFFFFFFC0  }
0x2c: {  	[spmem:s1] =	stream.indirect.scatter [tilespmem:s24], [sflag:$0x3], $0x80, s26, s28, $0xb8;
	[tilespmem:$0x1B180] =	vst v63  }
0x2d: {  	_ =	swait.ge [sflag:s25], $0x2000  }
0x2e: {  	[sflag:s25] =	ssyncset.done $0x0  }
0x2f: {  	s12 =	rddreg [dreg:$0x8];
	[sflag:s25] =	ssyncadd.s32 $0xFFFFE000  }
0x30: {  	[tilespmem:s26], [sflag:$0x3] =	stream.linear.gather [hbm4b:s12+s2], $0x40, $0x38;
	[tilespmem:$0x1B180] =	vst v63  }
0x31: {  	_ =	swait.ge [sflag:s25], $0x40  }
0x32: {  	[sflag:s25] =	ssyncset.done $0x0  }
0x33: {  	[sflag:s25] =	ssyncadd.s32 $0xFFFFFFC0  }
0x34: {  	[spmem:s1] =	stream.indirect.scatter [tilespmem:s24], [sflag:$0x3], $0x80, s26, s28, $0xb8;
	[tilespmem:$0x1B180] =	vst v63  }
0x35: {  	_ =	swait.ge [sflag:s25], $0x2000  }
0x36: {  	[sflag:s25] =	ssyncset.done $0x0  }
0x37: {  	s13 =	rddreg [dreg:$0x9];
	[sflag:s25] =	ssyncadd.s32 $0xFFFFE000  }
0x38: {  	[tilespmem:s26], [sflag:$0x3] =	stream.linear.gather [hbm4b:s13+s2], $0x40, $0x38;
	[tilespmem:$0x1B180] =	vst v63  }
0x39: {  	_ =	swait.ge [sflag:s25], $0x40  }
0x3a: {  	[sflag:s25] =	ssyncset.done $0x0  }
0x3b: {  	[sflag:s25] =	ssyncadd.s32 $0xFFFFFFC0  }
0x3c: {  	[spmem:s1] =	stream.indirect.scatter [tilespmem:s24], [sflag:$0x3], $0x80, s26, s28, $0xb8;
	[tilespmem:$0x1B180] =	vst v63  }
0x3d: {  	_ =	swait.ge [sflag:s25], $0x2000  }
0x3e: {  	[sflag:s25] =	ssyncset.done $0x0  }
0x3f: {  	s14 =	rddreg [dreg:$0xa];
	[sflag:s25] =	ssyncadd.s32 $0xFFFFE000  }
0x40: {  	[tilespmem:s26], [sflag:$0x3] =	stream.linear.gather [hbm4b:s14+s2], $0x40, $0x38;
	[tilespmem:$0x1B180] =	vst v63  }
0x41: {  	_ =	swait.ge [sflag:s25], $0x40  }
0x42: {  	[sflag:s25] =	ssyncset.done $0x0  }
0x43: {  	[sflag:s25] =	ssyncadd.s32 $0xFFFFFFC0  }
0x44: {  	[spmem:s1] =	stream.indirect.scatter [tilespmem:s24], [sflag:$0x3], $0x80, s26, s28, $0xb8;
	[tilespmem:$0x1B180] =	vst v63  }
0x45: {  	_ =	swait.ge [sflag:s25], $0x2000  }
0x46: {  	[sflag:s25] =	ssyncset.done $0x0  }
0x47: {  	s20 =	rddreg [dreg:$0xb];
	[sflag:s25] =	ssyncadd.s32 $0xFFFFE000  }
0x48: {  	[tilespmem:s26], [sflag:$0x3] =	stream.linear.gather [hbm4b:s20+s2], $0x40, $0x38;
	[tilespmem:$0x1B180] =	vst v63  }
0x49: {  	_ =	swait.ge [sflag:s25], $0x40  }
0x4a: {  	[sflag:s25] =	ssyncset.done $0x0  }
0x4b: {  	[sflag:s25] =	ssyncadd.s32 $0xFFFFFFC0  }
0x4c: {  	[spmem:s1] =	stream.indirect.scatter [tilespmem:s24], [sflag:$0x3], $0x80, s26, s28, $0xb8;
	[tilespmem:$0x1B180] =	vst v63  }
0x4d: {  	_ =	swait.ge [sflag:s25], $0x2000  }
0x4e: {  	[sflag:s25] =	ssyncset.done $0x0  }
0x4f: {  	[sflag:s25] =	ssyncadd.s32 $0xFFFFE000  }
0x50: {  	[tilespmem:s26], [sflag:$0x3] =	stream.linear.gather [hbm4b:s15+s2], $0x40, $0x38;
	[tilespmem:$0x1B180] =	vst v63  }
0x51: {  	_ =	swait.ge [sflag:s25], $0x40  }
0x52: {  	[sflag:s25] =	ssyncset.done $0x0  }
0x53: {  	[sflag:s25] =	ssyncadd.s32 $0xFFFFFFC0  }
0x54: {  	[spmem:s1] =	stream.indirect.scatter [tilespmem:s24], [sflag:$0x3], $0x80, s26, s28, $0xb8;
	[tilespmem:$0x1B180] =	vst v63  }
0x55: {  	_ =	swait.ge [sflag:s25], $0x2000  }
0x56: {  	[sflag:s25] =	ssyncset.done $0x0  }
0x57: {  	[sflag:s25] =	ssyncadd.s32 $0xFFFFE000  }
0x58: {  	[tilespmem:s26], [sflag:$0x3] =	stream.linear.gather [hbm4b:s16+s2], $0x40, $0x38;
	[tilespmem:$0x1B180] =	vst v63  }
0x59: {  	_ =	swait.ge [sflag:s25], $0x40  }
0x5a: {  	[sflag:s25] =	ssyncset.done $0x0  }
0x5b: {  	[sflag:s25] =	ssyncadd.s32 $0xFFFFFFC0  }
0x5c: {  	[spmem:s1] =	stream.indirect.scatter [tilespmem:s24], [sflag:$0x3], $0x80, s26, s28, $0xb8;
	[tilespmem:$0x1B180] =	vst v63  }
0x5d: {  	_ =	swait.ge [sflag:s25], $0x2000  }
0x5e: {  	[sflag:s25] =	ssyncset.done $0x0  }
0x5f: {  	[sflag:s25] =	ssyncadd.s32 $0xFFFFE000  }
0x60: {  	[tilespmem:s26], [sflag:$0x3] =	stream.linear.gather [hbm4b:s17+s2], $0x40, $0x38;
	[tilespmem:$0x1B180] =	vst v63  }
0x61: {  	_ =	swait.ge [sflag:s25], $0x40  }
0x62: {  	[sflag:s25] =	ssyncset.done $0x0  }
0x63: {  	[sflag:s25] =	ssyncadd.s32 $0xFFFFFFC0  }
0x64: {  	[spmem:s1] =	stream.indirect.scatter [tilespmem:s24], [sflag:$0x3], $0x80, s26, s28, $0xb8;
	[tilespmem:$0x1B180] =	vst v63  }
0x65: {  	_ =	swait.ge [sflag:s25], $0x2000  }
0x66: {  	[sflag:s25] =	ssyncset.done $0x0  }
0x67: {  	[sflag:s25] =	ssyncadd.s32 $0xFFFFE000  }
0x68: {  	[tilespmem:s26], [sflag:$0x3] =	stream.linear.gather [hbm4b:s18+s2], $0x40, $0x38;
	[tilespmem:$0x1B180] =	vst v63  }
0x69: {  	_ =	swait.ge [sflag:s25], $0x40  }
0x6a: {  	[sflag:s25] =	ssyncset.done $0x0  }
0x6b: {  	[sflag:s25] =	ssyncadd.s32 $0xFFFFFFC0  }
0x6c: {  	[spmem:s1] =	stream.indirect.scatter [tilespmem:s24], [sflag:$0x3], $0x80, s26, s28, $0xb8;
	[tilespmem:$0x1B180] =	vst v63  }
0x6d: {  	_ =	swait.ge [sflag:s25], $0x2000  }
0x6e: {  	[sflag:s25] =	ssyncset.done $0x0  }
0x6f: {  	[sflag:s25] =	ssyncadd.s32 $0xFFFFE000  }
0x70: {  	[bflag:$0x0] =	sbarrier.arrive $0xFFFF  }
0x71: {  	s11 =	rddreg [dreg:$0x4]  }
0x72: {  	[tilespmem:s29], [sflag:$0x1] =	stream.linear.gather [hbm4b:s11+s2], $0x2800, $0x38;
	[tilespmem:$0x1B180] =	vst v63  }
0x73: {  	s12 =	rddreg [dreg:$0x5]  }
0x74: {  	[tilespmem:s30], [sflag:$0x1] =	stream.linear.gather [hbm4b:s12+s2], $0x50, $0x38;
	[tilespmem:$0x1B180] =	vst v63  }
0x75: {  	s13 =	sadd.s32 $0xFFFFFB00, s19  }
0x76: {  	[tilespmem:s31], [sflag:$0x2] =	stream.linear.gather [hbm4b:s13+s2], $0x2800, $0x38;
	[tilespmem:$0x1B180] =	vst v63  }
0x77: {  	s14 =	sadd.s32 $0x0, s21  }
0x78: {  	[tilespmem:s0], [sflag:$0x2] =	stream.linear.gather [hbm4b:s14+s2], $0x50, $0x38;
	[tilespmem:$0x1B180] =	vst v63  }
0x79: {  	_ =	swait.ge [sflag:s3], $0x2800  }
0x7a: {  	[sflag:s3] =	ssyncset.done $0x0  }
0x7b: {  	[sflag:s3] =	ssyncadd.s32 $0xFFFFD800  }
0x7c: {  	_ =	swait.ge [sflag:s3], $0x50  }
0x7d: {  	[sflag:s3] =	ssyncset.done $0x0  }
0x7e: {  	[sflag:s3] =	ssyncadd.s32 $0xFFFFFFB0  }
0x7f: {  	[spmem:s1] =	stream.indirect.scatter.add.f32 [tilespmem:s29], [sflag:$0x3], $0x80, s30, s5, $0xb8;
	[tilespmem:$0x1B180] =	vst v63  }
0x80: {  	_ =	swait.ge [sflag:s25], $0x2800  }
0x81: {  	[sflag:s25] =	ssyncset.done $0x0  }
0x82: {  	s20 =	sshrl.u32 s10, $0x3;
	[sflag:s25] =	ssyncadd.s32 $0xFFFFD800  }
0x83: {  	[tilespmem:s29], [sflag:$0x1] =	stream.linear.gather [hbm4b:s19+s2], $0x2800, $0x38;
	[tilespmem:$0x1B180] =	vst v63  }
0x84: {  	s8 =	sadd.s32 s4, s20  }
0x85: {  	[tilespmem:s30], [sflag:$0x1] =	stream.linear.gather [hbm4b:s8+s2], $0x50, $0x38;
	[tilespmem:$0x1B180] =	vst v63  }
0x86: {  	_ =	swait.ge [sflag:s6], $0x2800  }
0x87: {  	[sflag:s6] =	ssyncset.done $0x0  }
0x88: {  	[sflag:s6] =	ssyncadd.s32 $0xFFFFD800  }
0x89: {  	_ =	swait.ge [sflag:s6], $0x50  }
0x8a: {  	[sflag:s6] =	ssyncset.done $0x0  }
0x8b: {  	[sflag:s6] =	ssyncadd.s32 $0xFFFFFFB0  }
0x8c: {  	[spmem:s1] =	stream.indirect.scatter.add.f32 [tilespmem:s31], [sflag:$0x3], $0x80, s0, s5, $0xb8;
	[tilespmem:$0x1B180] =	vst v63  }
0x8d: {  	s20 =	smov.u32 s10;
	s11 =	simm.s32 $0x14;
	_ =	swait.ge [sflag:s25], $0x2800  }
0x8e: {  	s12 =	simm.s32 $0x28;
	s8 =	sadd.s32 $0xA00, s19;
	[sflag:s25] =	ssyncset.done $0x0  }
.LBB2_2:
0x8f: {  	s13 =	sadd.s32 $0xFFFFFB00, s8  }
0x90: {  	[sflag:s25] =	ssyncadd.s32 $0xFFFFD800;
	s20 =	sadd.s32 $0xA0, s20;
	s14 =	smov.u32 s12  }
0x91: {  	[tilespmem:s31], [sflag:$0x2] =	stream.linear.gather [hbm4b:s13+s2], $0x2800, $0x38;
	[tilespmem:$0x1B180] =	vst v63  }
0x92: {  	p0 =	sne.s32 s12, $0x4C4;
	s12 =	sadd.s32 $0x14, s12;
	s11 =	sadd.s32 s11, s21  }
0x93: {  	[tilespmem:s0], [sflag:$0x2] =	stream.linear.gather [hbm4b:s11+s2], $0x50, $0x38;
	[tilespmem:$0x1B180] =	vst v63  }
0x94: {  	s11 =	smov.u32 s14;
	_ =	swait.ge [sflag:s3], $0x2800  }
0x95: {  	[sflag:s3] =	ssyncset.done $0x0  }
0x96: {  	[sflag:s3] =	ssyncadd.s32 $0xFFFFD800  }
0x97: {  	_ =	swait.ge [sflag:s3], $0x50  }
0x98: {  	[sflag:s3] =	ssyncset.done $0x0  }
0x99: {  	[sflag:s3] =	ssyncadd.s32 $0xFFFFFFB0  }
0x9a: {  	[spmem:s1] =	stream.indirect.scatter.add.f32 [tilespmem:s29], [sflag:$0x3], $0x80, s30, s5, $0xb8;
	[tilespmem:$0x1B180] =	vst v63  }
0x9b: {  	_ =	swait.ge [sflag:s25], $0x2800  }
0x9c: {  	[sflag:s25] =	ssyncset.done $0x0  }
0x9d: {  	s13 =	sshrl.u32 s20, $0x3;
	[sflag:s25] =	ssyncadd.s32 $0xFFFFD800  }
0x9e: {  	[tilespmem:s29], [sflag:$0x1] =	stream.linear.gather [hbm4b:s8+s2], $0x2800, $0x38;
	[tilespmem:$0x1B180] =	vst v63  }
0x9f: {  	s13 =	sadd.s32 s4, s13  }
0xa0: {  	[tilespmem:s30], [sflag:$0x1] =	stream.linear.gather [hbm4b:s13+s2], $0x50, $0x38;
	[tilespmem:$0x1B180] =	vst v63  }
0xa1: {  	_ =	swait.ge [sflag:s6], $0x2800  }
0xa2: {  	[sflag:s6] =	ssyncset.done $0x0  }
0xa3: {  	[sflag:s6] =	ssyncadd.s32 $0xFFFFD800  }
0xa4: {  	_ =	swait.ge [sflag:s6], $0x50  }
.Ltmp0:
0xa5: {  	[sflag:s6] =	ssyncset.done $0x0;
	(pc) =	sbr.rel @p0 .LBB2_2-.Ltmp0, $4  }
0xa6: {  	[sflag:s6] =	ssyncadd.s32 $0xFFFFFFB0  }
0xa7: {  	[spmem:s1] =	stream.indirect.scatter.add.f32 [tilespmem:s31], [sflag:$0x3], $0x80, s0, s5, $0xb8;
	[tilespmem:$0x1B180] =	vst v63  }
0xa8: {  	_ =	swait.ge [sflag:s25], $0x2800  }
0xa9: {  	s8 =	sadd.s32 $0xA00, s8;
	[sflag:s25] =	ssyncset.done $0x0  }
0xaa: {  	s12 =	sadd.s32 $0xFFFFFB00, s8;
	[sflag:s25] =	ssyncadd.s32 $0xFFFFD800  }
0xab: {  	[tilespmem:s31], [sflag:$0x2] =	stream.linear.gather [hbm4b:s12+s2], $0x2800, $0x38;
	[tilespmem:$0x1B180] =	vst v63  }
0xac: {  	s11 =	sadd.s32 s11, s21  }
0xad: {  	[tilespmem:s0], [sflag:$0x2] =	stream.linear.gather [hbm4b:s11+s2], $0x50, $0x38;
	[tilespmem:$0x1B180] =	vst v63  }
0xae: {  	_ =	swait.ge [sflag:s3], $0x2800  }
0xaf: {  	[sflag:s3] =	ssyncset.done $0x0  }
0xb0: {  	[sflag:s3] =	ssyncadd.s32 $0xFFFFD800  }
0xb1: {  	_ =	swait.ge [sflag:s3], $0x50  }
0xb2: {  	[sflag:s3] =	ssyncset.done $0x0  }
0xb3: {  	[sflag:s3] =	ssyncadd.s32 $0xFFFFFFB0  }
0xb4: {  	[spmem:s1] =	stream.indirect.scatter.add.f32 [tilespmem:s29], [sflag:$0x3], $0x80, s30, s5, $0xb8;
	[tilespmem:$0x1B180] =	vst v63  }
0xb5: {  	_ =	swait.ge [sflag:s25], $0x2800  }
0xb6: {  	s13 =	sadd.s32 $0xA0, s20;
	[sflag:s25] =	ssyncset.done $0x0  }
0xb7: {  	s11 =	sshrl.u32 s13, $0x3;
	[sflag:s25] =	ssyncadd.s32 $0xFFFFD800  }
0xb8: {  	[tilespmem:s29], [sflag:$0x1] =	stream.linear.gather [hbm4b:s8+s2], $0x2800, $0x38;
	[tilespmem:$0x1B180] =	vst v63  }
0xb9: {  	s14 =	sadd.s32 s4, s11  }
0xba: {  	[tilespmem:s30], [sflag:$0x1] =	stream.linear.gather [hbm4b:s14+s2], $0x50, $0x38;
	[tilespmem:$0x1B180] =	vst v63  }
0xbb: {  	_ =	swait.ge [sflag:s6], $0x2800  }
0xbc: {  	[sflag:s6] =	ssyncset.done $0x0  }
0xbd: {  	[sflag:s6] =	ssyncadd.s32 $0xFFFFD800  }
0xbe: {  	_ =	swait.ge [sflag:s6], $0x50  }
0xbf: {  	[sflag:s6] =	ssyncset.done $0x0  }
0xc0: {  	[sflag:s6] =	ssyncadd.s32 $0xFFFFFFB0  }
0xc1: {  	[spmem:s1] =	stream.indirect.scatter.add.f32 [tilespmem:s31], [sflag:$0x3], $0x80, s0, s5, $0xb8;
	[tilespmem:$0x1B180] =	vst v63  }
0xc2: {  	_ =	swait.ge [sflag:s25], $0x2800  }
0xc3: {  	[sflag:s25] =	ssyncset.done $0x0  }
0xc4: {  	[sflag:s25] =	ssyncadd.s32 $0xFFFFD800  }
0xc5: {  	_ =	swait.ge [sflag:s3], $0x2800  }
0xc6: {  	[sflag:s3] =	ssyncset.done $0x0  }
0xc7: {  	[sflag:s3] =	ssyncadd.s32 $0xFFFFD800  }
0xc8: {  	_ =	swait.ge [sflag:s3], $0x50  }
0xc9: {  	[sflag:s3] =	ssyncset.done $0x0  }
0xca: {  	[sflag:s3] =	ssyncadd.s32 $0xFFFFFFB0  }
0xcb: {  	[spmem:s1] =	stream.indirect.scatter.add.f32 [tilespmem:s29], [sflag:$0x3], $0x80, s30, s5, $0xb8;
	[tilespmem:$0x1B180] =	vst v63  }
0xcc: {  	_ =	swait.ge [sflag:s25], $0x2800  }
0xcd: {  	[sflag:s25] =	ssyncset.done $0x0  }
0xce: {  	[sflag:s25] =	ssyncadd.s32 $0xFFFFD800  }
0xcf: {  	s20 =	sadd.s32 $0x0, s23;
	[bflag:$0x0] =	sbarrier.arrive $0xFFFF  }
0xd0: {  	[tilespmem:s26], [sflag:$0x3] =	stream.linear.gather [hbm4b:s20+s2], $0x40, $0x38;
	[tilespmem:$0x1B180] =	vst v63  }
0xd1: {  	_ =	swait.ge [sflag:s25], $0x40  }
0xd2: {  	[sflag:s25] =	ssyncset.done $0x0  }
0xd3: {  	[sflag:s25] =	ssyncadd.s32 $0xFFFFFFC0  }
0xd4: {  	[tilespmem:s24], [sflag:$0x3] =	stream.indirect.gather [spmem:s1], $0x80, s26, s28, $0xb8;
	[tilespmem:$0x1B180] =	vst v63  }
0xd5: {  	_ =	swait.ge [sflag:s25], $0x2000  }
0xd6: {  	[sflag:s25] =	ssyncset.done $0x0  }
0xd7: {  	[sflag:s25] =	ssyncadd.s32 $0xFFFFE000  }
0xd8: {  	[hbm4b:s22+s2] =	stream.linear.scatter [tilespmem:s24], [sflag:$0x3], $0x2000, $0x38;
	[tilespmem:$0x1B180] =	vst v63  }
0xd9: {  	s12 =	simm.s32 $0x10;
	_ =	swait.ge [sflag:s25], $0x2000  }
0xda: {  	s11 =	simm.s32 $0x8;
	s8 =	sadd.s32 $0x400, s22;
	[sflag:s25] =	ssyncset.done $0x0  }
.LBB2_4:
0xdb: {  	s13 =	sadd.s32 s11, s23  }
0xdc: {  	[sflag:s25] =	ssyncadd.s32 $0xFFFFE000;
	s11 =	smov.u32 s12;
	s14 =	sadd.s32 $0x8, s12  }
0xdd: {  	[tilespmem:s26], [sflag:$0x3] =	stream.linear.gather [hbm4b:s13+s2], $0x40, $0x38;
	[tilespmem:$0x1B180] =	vst v63  }
0xde: {  	p0 =	sne.s32 s12, $0x48;
	_ =	swait.ge [sflag:s25], $0x40  }
0xdf: {  	[sflag:s25] =	ssyncset.done $0x0  }
0xe0: {  	[sflag:s25] =	ssyncadd.s32 $0xFFFFFFC0  }
0xe1: {  	[tilespmem:s24], [sflag:$0x3] =	stream.indirect.gather [spmem:s1], $0x80, s26, s28, $0xb8;
	[tilespmem:$0x1B180] =	vst v63  }
0xe2: {  	_ =	swait.ge [sflag:s25], $0x2000  }
.Ltmp1:
0xe3: {  	[sflag:s25] =	ssyncset.done $0x0;
	(pc) =	sbr.rel @p0 .LBB2_4-.Ltmp1, $4  }
0xe4: {  	[sflag:s25] =	ssyncadd.s32 $0xFFFFE000  }
0xe5: {  	[hbm4b:s8+s2] =	stream.linear.scatter [tilespmem:s24], [sflag:$0x3], $0x2000, $0x38;
	[tilespmem:$0x1B180] =	vst v63  }
0xe6: {  	_ =	swait.ge [sflag:s25], $0x2000  }
0xe7: {  	s12 =	smov.u32 s14;
	s8 =	sadd.s32 $0x400, s8;
	[sflag:s25] =	ssyncset.done $0x0  }
0xe8: {  	s11 =	sadd.s32 s11, s23;
	[sflag:s25] =	ssyncadd.s32 $0xFFFFE000  }
0xe9: {  	[tilespmem:s26], [sflag:$0x3] =	stream.linear.gather [hbm4b:s11+s2], $0x40, $0x38;
	[tilespmem:$0x1B180] =	vst v63  }
0xea: {  	_ =	swait.ge [sflag:s25], $0x40  }
0xeb: {  	[sflag:s25] =	ssyncset.done $0x0  }
0xec: {  	[sflag:s25] =	ssyncadd.s32 $0xFFFFFFC0  }
0xed: {  	[tilespmem:s24], [sflag:$0x3] =	stream.indirect.gather [spmem:s1], $0x80, s26, s28, $0xb8;
	[tilespmem:$0x1B180] =	vst v63  }
0xee: {  	_ =	swait.ge [sflag:s25], $0x2000  }
0xef: {  	[sflag:s25] =	ssyncset.done $0x0  }
0xf0: {  	[sflag:s25] =	ssyncadd.s32 $0xFFFFE000  }
0xf1: {  	[hbm4b:s8+s2] =	stream.linear.scatter [tilespmem:s24], [sflag:$0x3], $0x2000, $0x38;
	[tilespmem:$0x1B180] =	vst v63  }
0xf2: {  	_ =	swait.ge [sflag:s25], $0x2000  }
0xf3: {  	s7 =	sadd.s32 $0x1, s7;
	s20 =	rddreg [dreg:$0x6]  }
0xf4: {  	p0 =	sne.s32 s7, s20  }
.Ltmp2:
0xf5: {  	_ = 	snop;
	(pc) =	sbr.rel @p0 .LBB2_1-.Ltmp2, $3  }
0xf6: {  	_ =	sdelay $0x1  }
0xf7: {  	[sflag:s25] =	ssyncset.done $0x0  }
0xf8: {  	[sflag:s25] =	ssyncadd.s32 $0xFFFFE000  }
0xf9: {  	_ =	sfence.sel $0x180000  }
0xfa: {  	[bflag:$0x0] =	sbarrier.arrive $0xFFFF  }
0xfb: {  	_ =	strace $0x9000004A  }
0xfc: {  	s0 =	stileid.u32;
	[bflag:$0x2] =	sbarrier.arrive $0xFFFF  }
0xfd: {  	p0 =	sne.s32 s0, $0x0;
	s0 =	rddreg [dreg:$0x2]  }
0xfe: {  	s0 =	sadd.s32 @!p0 $0x100000, s0  }
0xff: {  	[sflag:s0] =	ssyncadd.tile.s32 @!p0 $0x1;
	_ =	shalt  }
.Lfunc_end2:
_tile_overlayer_lowered:
.L_overlay_start_2:
0x100: {  	(tag) =	ssettag $0x2  }
0x101: {  	s0 =	rddreg [dreg:$0x0];
	s2 =	stileid.u32  }
0x102: {  	s1 =	rddreg [dreg:$0x1];
	p0 =	sne.s32 s2, $0x0  }
0x103: {  	s3 =	rddreg [dreg:$0x2];
	[bflag:$0x3] =	sbarrier.arrive $0xFFFF;
	s2 =	simm.s32 @!p0 $0x1C03  }
0x104: {  	[timem:s3], [sflag:s2] =	dma.local @!p0 [hbm:s0], s1  }
0x105: {  	s0 =	simm.s32 @!p0 $0x3  }
0x106: {  	_ =	swait.ge @!p0 [sflag:s0], s1  }
0x107: {  	s1 =	ssub.s32 @!p0 $0x0, s1;
	[sflag:s0] =	ssyncset.done @!p0 $0x0  }
0x108: {  	[sflag:s0] =	ssyncadd.s32 @!p0 s1  }
0x109: {  	[bflag:$0x3] =	sbarrier.arrive $0xFFFF  }
0x10a: {  	_ =	shalt  }

// kernel: kernel.8.cloned.1.call-start
scs
__scs_entry_jumppad:
0x0: {  	(pc) =	sbr.rel $0x88, $3  }
0x1: {  	(tag) =	ssettag $0x0;
	lr =	simm.s32 $0x1  }
0x2: {  	[smem:$0x3F88] =	sst lr;
	_ =	strace $0xD0000000  }
0x3: {  	_ = 	snop  }
0x4: {  	_ = 	snop  }
0x5: {  	_ = 	snop  }
0x6: {  	_ = 	snop  }
0x7: {  	_ = 	snop  }
__scs_overlays_trampoline_lowered:
0x8: {  	[smem:$0x3F97] =	sst s0  }
0x9: {  	[smem:$0x3F98] =	sst s1  }
0xa: {  	[smem:$0x3F99] =	sst s2  }
0xb: {  	[smem:$0x3F9A] =	sst s3  }
0xc: {  	[smem:$0x3F9B] =	sst s4  }
0xd: {  	[smem:$0x3F9C] =	sst s5  }
0xe: {  	[smem:$0x3F9D] =	sst s6  }
0xf: {  	[smem:$0x3F9E] =	sst s7  }
0x10: {  	[smem:$0x3F9F] =	sst s8  }
0x11: {  	[smem:$0x3FA0] =	sst s9;
	s0 =	simm.s32 @!p0 $0x0  }
0x12: {  	s1 =	sld [smem:$0x3F86];
	s0 =	simm.s32 @p0 $0x1  }
0x13: {  	[smem:$0x3FA1] =	sst s0;
	s0 =	simm.s32 @!p1 $0x0  }
0x14: {  	s2 =	sld [smem:$0x3F85];
	s0 =	simm.s32 @p1 $0x1  }
0x15: {  	[smem:$0x3FA2] =	sst s0;
	s0 =	simm.s32 @!p2 $0x0  }
0x16: {  	s3 =	sld [smem:$0x3FDB];
	s0 =	simm.s32 @p2 $0x1  }
0x17: {  	s4 =	simm.s32 $0x1BF5;
	[smem:$0x3FA4] =	sst s0  }
0x18: {  	s0 =	sld [smem:$0x3F87];
	_ =	swait.ge [sflag:s4], $0x0  }
0x19: {  	s7 =	sld [smem:$0x3F88]  }
0x1a: {  	s8 =	sadd.s32 $0xFFFFE003, lr  }
0x1b: {  	s9 =	sadd.s32 $0xFFFFFEF7, lr;
	s5 =	simm.s32 $0xFFFFFFFF;
	p2 =	slt.u32 s8, $0xFFFFF086  }
0x1c: {  	p1 =	slt.u32 s9, $0xF7A;
	s5 =	simm.s32 @!p2 $0x0  }
0x1d: {  	s5 =	simm.s32 @p1 $0x1;
	p0 =	seq.s32 s7, s2  }
0x1e: {  	s7 =	smul.u32 @!p0 $0xF7A, s2;
	p2 =	seq.s32 @!p0 s5, $0x0  }
0x1f: {  	s9 =	smul.u32 $0xF7A, s1;
	s8 =	simm.s32 @!p0 $0x1BF5;
	p2 =	por !p2, p0  }
0x20: {  	[sflag:s8] =	ssyncset.s32 @!p0 $0xFFFFF086;
	s6 =	sadd.s32 @!p0 s3, s7;
	s7 =	simm.s32 @!p0 $0x108  }
0x21: {  	s3 =	sadd.s32 s3, s9;
	s6 =	sadd.s32 @!p0 $0x88, s6;
	s7 =	simm.s32 @p2 $0x1082  }
0x22: {  	[simem:s7], [sflag:s8] =	dma.local @!p0 [hbm:s6], $0xF7A  }
0x23: {  	s9 =	sor.u32 $0xD0000000, s2;
	s6 =	simm.s32 $0x108;
	_ =	swait.ge @!p0 [sflag:s8], $0x0  }
0x24: {  	s3 =	sadd.s32 $0x88, s3;
	s6 =	simm.s32 @!p1 $0x1082;
	[sflag:s4] =	ssyncset.s32 $0xFFFFF086  }
0x25: {  	[simem:s6], [sflag:s4] =	dma.local [hbm:s3], $0xF7A  }
0x26: {  	[smem:$0x3F88] =	sst s1;
	(tag) =	ssettag s2;
	_ =	strace s9  }
0x27: {  	s1 =	sld [smem:$0x3F98]  }
0x28: {  	s2 =	sld [smem:$0x3F99]  }
0x29: {  	s4 =	sld [smem:$0x3F9B]  }
0x2a: {  	p0 =	seq.s32 s5, $0x0;
	s5 =	sld [smem:$0x3F9C]  }
0x2b: {  	s6 =	sld [smem:$0x3F9D]  }
0x2c: {  	s7 =	sld [smem:$0x3F9E]  }
0x2d: {  	s3 =	simm.s32 $0x108;
	s8 =	sld [smem:$0x3F9F]  }
0x2e: {  	s3 =	simm.s32 @!p0 $0x1082;
	s9 =	sld [smem:$0x3FA0]  }
0x2f: {  	lr =	sadd.s32 s0, s3;
	s0 =	sld [smem:$0x3F97]  }
0x30: {  	s3 =	sld [smem:$0x3F9A]  }
0x31: {  	[smem:$0x3FA3] =	sst s10  }
0x32: {  	s10 =	sld [smem:$0x3FA1];
	_ =	sdelay $0x3  }
0x33: {  	p0 =	seq.s32 s10, $0x1;
	s10 =	sld [smem:$0x3FA3];
	_ =	sdelay $0x3  }
0x34: {  	[smem:$0x3FA3] =	sst s10  }
0x35: {  	s10 =	sld [smem:$0x3FA2];
	_ =	sdelay $0x3  }
0x36: {  	p1 =	seq.s32 s10, $0x1;
	s10 =	sld [smem:$0x3FA3];
	_ =	sdelay $0x3  }
0x37: {  	[smem:$0x3FA3] =	sst s10  }
0x38: {  	s10 =	sld [smem:$0x3FA4]  }
0x39: {  	_ = 	snop;
	(pc) =	sbr.ind lr, $3  }
0x3a: {  	_ = 	snop  }
0x3b: {  	_ = 	snop  }
0x3c: {  	p2 =	seq.s32 s10, $0x1;
	s10 =	sld [smem:$0x3FA3]  }
0x3d: {  	_ =	shalt  }
0x3e: {  	_ =	shalt  }
0x3f: {  	_ =	shalt  }
0x40: {  	_ =	shalt  }
0x41: {  	_ =	shalt  }
0x42: {  	_ =	shalt  }
0x43: {  	_ =	shalt  }
0x44: {  	_ =	shalt  }
0x45: {  	_ =	shalt  }
0x46: {  	_ =	shalt  }
0x47: {  	_ =	shalt  }
0x48: {  	_ =	shalt  }
0x49: {  	_ =	shalt  }
0x4a: {  	_ =	shalt  }
0x4b: {  	_ =	shalt  }
0x4c: {  	_ =	shalt  }
0x4d: {  	_ =	shalt  }
0x4e: {  	_ =	shalt  }
0x4f: {  	_ =	shalt  }
0x50: {  	_ =	shalt  }
0x51: {  	_ =	shalt  }
0x52: {  	_ =	shalt  }
0x53: {  	_ =	shalt  }
0x54: {  	_ =	shalt  }
0x55: {  	_ =	shalt  }
0x56: {  	_ =	shalt  }
0x57: {  	_ =	shalt  }
0x58: {  	_ =	shalt  }
0x59: {  	_ =	shalt  }
0x5a: {  	_ =	shalt  }
0x5b: {  	_ =	shalt  }
0x5c: {  	_ =	shalt  }
0x5d: {  	_ =	shalt  }
0x5e: {  	_ =	shalt  }
0x5f: {  	_ =	shalt  }
0x60: {  	_ =	shalt  }
0x61: {  	_ =	shalt  }
0x62: {  	_ =	shalt  }
0x63: {  	_ =	shalt  }
0x64: {  	_ =	shalt  }
0x65: {  	_ =	shalt  }
0x66: {  	_ =	shalt  }
0x67: {  	_ =	shalt  }
0x68: {  	_ =	shalt  }
0x69: {  	_ =	shalt  }
0x6a: {  	_ =	shalt  }
0x6b: {  	_ =	shalt  }
0x6c: {  	_ =	shalt  }
0x6d: {  	_ =	shalt  }
0x6e: {  	_ =	shalt  }
0x6f: {  	_ =	shalt  }
0x70: {  	_ =	shalt  }
0x71: {  	_ =	shalt  }
0x72: {  	_ =	shalt  }
0x73: {  	_ =	shalt  }
0x74: {  	_ =	shalt  }
0x75: {  	_ =	shalt  }
0x76: {  	_ =	shalt  }
0x77: {  	_ =	shalt  }
0x78: {  	_ =	shalt  }
0x79: {  	_ =	shalt  }
0x7a: {  	_ =	shalt  }
0x7b: {  	_ =	shalt  }
0x7c: {  	_ =	shalt  }
0x7d: {  	_ =	shalt  }
0x7e: {  	_ =	shalt  }
0x7f: {  	_ =	shalt  }
0x80: {  	_ =	shalt  }
0x81: {  	_ =	shalt  }
0x82: {  	_ =	shalt  }
0x83: {  	_ =	shalt  }
0x84: {  	_ =	shalt  }
0x85: {  	_ =	shalt  }
0x86: {  	_ =	shalt  }
0x87: {  	_ =	shalt  }
.Lfunc_end0:
.L_simem_size_0:
called_computation_lowered:
.L_overlay_start_0:
0x88: {  	s2 =	sld [smem:$0x3FD9]  }
0x89: {  	s3 =	sld [smem:$0x3FFE];
	_ =	sdelay $0x1  }
0x8a: {  	s1 =	srdreg.scid  }
0x8b: {  	s0 =	sand.u32 $0x1, s1  }
0x8c: {  	s14 =	sshll.u32 s0, $0xA;
	s2 =	sadd.s32 s3, s2  }
0x8d: {  	s2 =	sadd.s32 s2, s14  }
0x8e: {  	[smem:$0x3FAF] =	sst s2  }
0x8f: {  	_ = 	snop  }
0x90: {  	s2 =	sld [smem:$0x3FD0];
	_ =	sdelay $0x2  }
0x91: {  	s15 =	simm.s32 $0xB;
	s4 =	simm.s32 $0x10  }
0x92: {  	[smem:s4], [sflag:s15] =	dma.local [hbm:s2], $0x1  }
0x93: {  	_ =	swait.eq [sflag:s15], $0x1  }
0x94: {  	[sflag:s15] =	ssyncset.done $0x0  }
0x95: {  	s16 =	sld [smem:$0x10];
	[sflag:s15] =	ssyncadd.s32 $0xFFFFFFFF  }
0x96: {  	s17 =	sld [smem:$0x11];
	(tm) =	ssettm $0x1  }
0x97: {  	s18 =	sld [smem:$0x3FFB];
	_ =	sdelay $0x3  }
0x98: {  	_ =	strace s18  }
0x99: {  	s4 =	sld [smem:$0x3FFC];
	_ =	sdelay $0x3  }
0x9a: {  	_ =	strace s4  }
0x9b: {  	s4 =	sld [smem:$0x3FFD];
	_ =	sdelay $0x3  }
0x9c: {  	_ =	strace s4  }
0x9d: {  	_ =	strace $0x8FFFFFFF  }
0x9e: {  	s19 =	sld [smem:$0x3FDB];
	_ =	sdelay $0x1  }
0x9f: {  	s5 =	simm.s32 $_scs_section_size  }
0xa0: {  	s6 =	simm.s32 $_size__tile_overlayer_lowered;
	s7 =	simm.s32 $_tile_overlayer_lowered  }
0xa1: {  	s22 =	simm.s32 $0x1BFF;
	s21 =	sshll.u32 s7, $0x1;
	s4 =	sadd.s32 s5, s19  }
0xa2: {  	s8 =	simm.s32 $0x0;
	s20 =	sshll.u32 s6, $0x1;
	s6 =	sadd.s32 s21, s4  }
0xa3: {  	[timem:s8], [sflag:s22] =	dma.local [hbm:s6], s20  }
0xa4: {  	_ =	swait.ge [sflag:s22], s20  }
0xa5: {  	s5 =	ssub.s32 $0x0, s20;
	[sflag:s22] =	ssyncset.done $0x0  }
0xa6: {  	[sflag:s22] =	ssyncadd.s32 s5;
	_ =	sdelay $0x1  }
0xa7: {  	s23 =	simm.s32 $0x1B8B  }
0xa8: {  	_ =	swait.ge [sflag:s23], $0x1  }
0xa9: {  	[sflag:s23] =	ssyncset.done $0x0  }
0xaa: {  	s25 =	simm.s32 $0x1B8E;
	s24 =	sld [smem:$0x3FFE];
	[sflag:s23] =	ssyncadd.s32 $0xFFFFFFFF  }
0xab: {  	s26 =	simm.s32 $execute0_lowered;
	[smem:$0x3FD2] =	sst s25  }
0xac: {  	s6 =	sshll.u32 s26, $0x1;
	_ =	strace $0x80000046;
	[dreg:$0x1] =	wrdreg $0xFFFFFFFF  }
0xad: {  	s28 =	simm.s32 $_size_execute0_lowered;
	s4 =	sadd.s32 s4, s6;
	[dreg:$0x0] =	wrdreg $0x0  }
0xae: {  	s6 =	sshll.u32 s28, $0x1;
	[dreg:$0x2] =	wrdreg s4  }
0xaf: {  	[dreg:$0x3] =	wrdreg s6  }
0xb0: {  	[dreg:$0x4] =	wrdreg $0xC0  }
0xb1: {  	_ =	task [dreg:s8], $0x5FFFF  }
0xb2: {  	[dreg:$0x1] =	wrdreg $0xFFFFFFFF  }
0xb3: {  	[dreg:$0x0] =	wrdreg $0x60  }
0xb4: {  	[dreg:$0x2] =	wrdreg s17  }
0xb5: {  	[dreg:$0x3] =	wrdreg s16  }
0xb6: {  	[dreg:$0x4] =	wrdreg s24  }
0xb7: {  	[dreg:$0x5] =	wrdreg $0x9  }
0xb8: {  	_ =	task.clear_ibuf [dreg:s8], $0x6FFFF;
	_ =	strace $0x90000046  }
0xb9: {  	s29 =	simm.s32 $0x9;
	_ =	strace $0x80000048  }
0xba: {  	_ =	swait.ge [sflag:s29], $0x1  }
0xbb: {  	[sflag:s29] =	ssyncadd.s32 $0xFFFFFFFF  }
0xbc: {  	_ =	strace $0x90000048  }
0xbd: {  	_ =	sfence  }
0xbe: {  	s30 =	sld [smem:$0x0];
	_ =	sdelay $0x2  }
0xbf: {  	s31 =	sshll.u32 s1, $0xD;
	s1 =	sshrl.u32 s1, $0x2  }
0xc0: {  	s3 =	sand.u32 $0x4000, s31;
	s1 =	sadd.s32 s1, s30  }
0xc1: {  	s0 =	sor.u32 s3, s0;
	s1 =	sshll.u32 s1, $0x11  }
0xc2: {  	s0 =	sor.u32 s1, s0  }
0xc3: {  	s0 =	sadd.s32 $0x8F2B, s0  }
0xc4: {  	[sflag:s0] =	ssyncadd.remote.s32 $0x1  }
0xc5: {  	_ =	sfence.sel $0xFFFF  }
0xc6: {  	[dreg:$0x0] =	wrdreg $0xFFFFFFFF;
	(pc) =	sbr.abs _section_cstart, $3  }
0xc7: {  	[dreg:$0x1] =	wrdreg $0xFFFFFFFF  }
0xc8: {  	_ =	task.clear_ibuf [dreg:s8], $0x2FFFF;
	_ =	strace $0x9FFFFFFF  }
0xc9: {  	(tm) =	ssettm $0x7FFFFFFF  }
tec
execute0_lowered:
.L_overlay_start_1:
0x0: {  	(tag) =	ssettag $0x1  }
0x1: {  	s0 =	srdreg.scid;
	s1 =	rddreg [dreg:$0x0]  }
0x2: {  	s12 =	stileid.u32;
	s3 =	rddreg [dreg:$0x1]  }
0x3: {  	s5 =	rddreg [dreg:$0x2];
	s4 =	simm.s32 $0x0;
	s13 =	simm.s32 $0x3  }
0x4: {  	s20 =	simm.s32 $0x5800;
	s21 =	simm.s32 $0x6000;
	s22 =	simm.s32 $0x6800  }
0x5: {  	s23 =	simm.s32 $0x7000;
	s24 =	simm.s32 $0x7800;
	s25 =	simm.s32 $0x8000  }
0x6: {  	s26 =	simm.s32 $0x8800;
	s28 =	simm.s32 $0x9000;
	s29 =	simm.s32 $0x9800  }
0x7: {  	s30 =	simm.s32 $0xC800;
	s31 =	simm.s32 $0x1;
	s0 =	sand.u32 $0x1, s0  }
0x8: {  	s2 =	sshll.u32 s12, $0x1;
	[smem:$0x7FF] =	sst s4;
	s8 =	sadd.s32 $0x19200, s5  }
0x9: {  	s14 =	smul.u32 $0x9C400, s12;
	_ =	strace $0x80000047;
	[dreg:$0x4] =	wrdreg s20  }
0xa: {  	s17 =	smul.u32 $0x4E200, s12;
	s2 =	sor.u32 s0, s2;
	[dreg:$0x5] =	wrdreg s21  }
0xb: {  	s7 =	ssub.s32 $0x2, s0;
	s11 =	smul.u32 $0x4E200, s0;
	[dreg:$0x6] =	wrdreg s22  }
0xc: {  	s0 =	smul.u32 $0x27100, s0;
	s20 =	simm.s32 $0x3000;
	[dreg:$0x7] =	wrdreg s23  }
0xd: {  	s21 =	simm.s32 $0x3800;
	s22 =	simm.s32 $0x4000;
	[dreg:$0x8] =	wrdreg s24  }
0xe: {  	s23 =	simm.s32 $0x4800;
	s24 =	simm.s32 $0x50;
	[dreg:$0x9] =	wrdreg s25  }
0xf: {  	[dreg:$0xa] =	wrdreg s26;
	s2 =	smul.u32 $0x2710, s2;
	s9 =	sshrl.u32 s7, $0x1  }
0x10: {  	s25 =	simm.s32 $0xA000;
	s26 =	simm.s32 $0x5000;
	s7 =	ssub.s32 s7, s9  }
0x11: {  	s9 =	sadd.s32 s14, s8;
	s14 =	simm.s32 $0x11780;
	s6 =	sshrl.u32 s2, $0x3  }
0x12: {  	s2 =	sadd.s32 $0x26C0, s2;
	s19 =	smax.u32 s7, $0x1;
	s6 =	sadd.s32 s6, s5  }
0x13: {  	s5 =	sadd.s32 $0x9DD200, s5;
	[dreg:$0xf] =	wrdreg s19;
	s10 =	sadd.s32 $0xF400, s6  }
0x14: {  	s15 =	sshll.u32 s2, $0x5;
	s6 =	sadd.s32 $0x5600, s6;
	[dreg:$0xb] =	wrdreg s10  }
0x15: {  	s2 =	sshll.u32 s2, $0x4;
	s16 =	sadd.s32 s8, s15;
	[dreg:$0xc] =	wrdreg s6  }
0x16: {  	s18 =	sadd.s32 s11, s9;
	s2 =	sadd.s32 s5, s2;
	[dreg:$0xd] =	wrdreg s16  }
0x17: {  	s19 =	simm.s32 $0x2800;
	s15 =	simm.s32 $0x800;
	[dreg:$0xe] =	wrdreg s2  }
0x18: {  	v2 =	vlaneseq.u32;
	s6 =	sadd.s32 s17, s5;
	s5 =	sadd.s32 $0xA00, s18;
	s16 =	simm.s32 $0x1000  }
0x19: {  	vm0 =	vmmov $0xffff;
	v1 =	vshrl.u32 v2, $0x3;
	s17 =	simm.s32 $0x1800;
	s18 =	simm.s32 $0x2000;
	s0 =	sadd.s32 s0, s6  }
0x1a: {  	v0 =	vand.u32 $0x7, v2;
	v2 =	vor.u32 $0x8, v2;
	v1 =	vmul.u32 $0x8, v1;
	s2 =	simm.s32 $0x2;
	s12 =	sadd.s32 $0x500, s0;
	s0 =	simm.s32 $0x0  }
.LBB2_1:
0x1b: {  	s6 =	rddreg [dreg:$0xb];
	s7 =	simm.s32 $0xF000  }
0x1c: {  	[tilespmem:s7], [sflag:$0x3] =	stream.linear.gather [hbm4b:s6+s4], $0x2710, $0x38;
	[tilespmem:$0x13F00] =	vst v63  }
0x1d: {  	_ =	swait.ge [sflag:s13], $0x2710  }
0x1e: {  	[sflag:s13] =	ssyncset.done $0x0  }
0x1f: {  	s11 =	rddreg [dreg:$0xc];
	[sflag:s13] =	ssyncadd.s32 $0xFFFFD8F0  }
0x20: {  	[tilespmem:s14], [sflag:$0x3] =	stream.linear.gather [hbm4b:s11+s4], $0x2710, $0x38;
	[tilespmem:$0x13F00] =	vst v63  }
0x21: {  	_ =	swait.ge [sflag:s13], $0x2710  }
0x22: {  	[sflag:s13] =	ssyncset.done $0x0  }
0x23: {  	[sflag:s13] =	ssyncadd.s32 $0xFFFFD8F0  }
0x24: {  	v3 =	vld [tilespmem:$0xF000];
	_ =	sdelay $0x4  }
0x25: {  	v4 =	vshll.u32 v3, $0x1  }
0x26: {  	v3 =	vand.u32 $0x7, v3;
	v4 =	vand.u32 $0xFFFFFFF0, v4  }
0x27: {  	v3 =	vor.u32 v3, v4  }
0x28: {  	v4 =	vperm.xlane v3, v0;
	_ =	sdelay $0x1  }
0x29: {  	v3 =	vperm.xlane v3, v2;
	v4 =	vadd.s32 v1, v4;
	_ =	sdelay $0x1  }
0x2a: {  	v3 =	vadd.s32 v1, v3;
	_ =	sdelay $0x2  }
0x2b: {  	[tilespmem:s4], [sflag:$0x1] =	stream.indirect_vreg.gather [hbm4b:s1+s4], $0x80, v4, vm0, $0xb8;
	[tilespmem:$0x13F00] =	vst v63  }
0x2c: {  	_ = 	snop  }
0x2d: {  	[tilespmem:s15], [sflag:$0x1] =	stream.indirect_vreg.gather [hbm4b:s1+s4], $0x80, v3, vm0, $0xb8;
	[tilespmem:$0x13F00] =	vst v63  }
0x2e: {  	v3 =	vld [tilespmem:$0xF010];
	_ =	sdelay $0x4  }
0x2f: {  	v60 =	vshll.u32 v3, $0x1  }
0x30: {  	v3 =	vand.u32 $0x7, v3;
	v4 =	vand.u32 $0xFFFFFFF0, v60  }
0x31: {  	v3 =	vor.u32 v3, v4  }
0x32: {  	v4 =	vperm.xlane v3, v0;
	_ =	sdelay $0x1  }
0x33: {  	v3 =	vperm.xlane v3, v2;
	v4 =	vadd.s32 v1, v4;
	_ =	sdelay $0x1  }
0x34: {  	v3 =	vadd.s32 v1, v3;
	_ =	sdelay $0x2  }
0x35: {  	[tilespmem:s16], [sflag:$0x1] =	stream.indirect_vreg.gather [hbm4b:s1+s4], $0x80, v4, vm0, $0xb8;
	[tilespmem:$0x13F00] =	vst v63  }
0x36: {  	_ = 	snop  }
0x37: {  	[tilespmem:s17], [sflag:$0x1] =	stream.indirect_vreg.gather [hbm4b:s1+s4], $0x80, v3, vm0, $0xb8;
	[tilespmem:$0x13F00] =	vst v63  }
0x38: {  	v3 =	vld [tilespmem:$0xF020];
	_ =	sdelay $0x4  }
0x39: {  	v61 =	vshll.u32 v3, $0x1  }
0x3a: {  	v3 =	vand.u32 $0x7, v3;
	v4 =	vand.u32 $0xFFFFFFF0, v61  }
0x3b: {  	v3 =	vor.u32 v3, v4  }
0x3c: {  	v4 =	vperm.xlane v3, v0;
	_ =	sdelay $0x1  }
0x3d: {  	v3 =	vperm.xlane v3, v2;
	v4 =	vadd.s32 v1, v4;
	_ =	sdelay $0x1  }
0x3e: {  	v3 =	vadd.s32 v1, v3;
	_ =	sdelay $0x2  }
0x3f: {  	[tilespmem:s18], [sflag:$0x1] =	stream.indirect_vreg.gather [hbm4b:s1+s4], $0x80, v4, vm0, $0xb8;
	[tilespmem:$0x13F00] =	vst v63  }
0x40: {  	_ = 	snop  }
0x41: {  	[tilespmem:s19], [sflag:$0x1] =	stream.indirect_vreg.gather [hbm4b:s1+s4], $0x80, v3, vm0, $0xb8;
	[tilespmem:$0x13F00] =	vst v63  }
0x42: {  	v3 =	vld [tilespmem:$0xF030];
	_ =	sdelay $0x4  }
0x43: {  	v62 =	vshll.u32 v3, $0x1  }
0x44: {  	v3 =	vand.u32 $0x7, v3;
	v4 =	vand.u32 $0xFFFFFFF0, v62  }
0x45: {  	v3 =	vor.u32 v3, v4  }
0x46: {  	v4 =	vperm.xlane v3, v0;
	_ =	sdelay $0x1  }
0x47: {  	v3 =	vperm.xlane v3, v2;
	v4 =	vadd.s32 v1, v4;
	_ =	sdelay $0x1  }
0x48: {  	v3 =	vadd.s32 v1, v3;
	_ =	sdelay $0x2  }
0x49: {  	[tilespmem:s20], [sflag:$0x1] =	stream.indirect_vreg.gather [hbm4b:s1+s4], $0x80, v4, vm0, $0xb8;
	[tilespmem:$0x13F00] =	vst v63  }
0x4a: {  	_ = 	snop  }
0x4b: {  	[tilespmem:s21], [sflag:$0x1] =	stream.indirect_vreg.gather [hbm4b:s1+s4], $0x80, v3, vm0, $0xb8;
	[tilespmem:$0x13F00] =	vst v63  }
0x4c: {  	v3 =	vld [tilespmem:$0xF040];
	_ =	sdelay $0x4  }
0x4d: {  	v63 =	vshll.u32 v3, $0x1  }
0x4e: {  	v3 =	vand.u32 $0x7, v3;
	v4 =	vand.u32 $0xFFFFFFF0, v63  }
0x4f: {  	v3 =	vor.u32 v3, v4  }
0x50: {  	v4 =	vperm.xlane v3, v0;
	_ =	sdelay $0x1  }
0x51: {  	v3 =	vperm.xlane v3, v2;
	v4 =	vadd.s32 v1, v4;
	_ =	sdelay $0x1  }
0x52: {  	v3 =	vadd.s32 v1, v3;
	_ =	sdelay $0x2  }
0x53: {  	[tilespmem:s22], [sflag:$0x1] =	stream.indirect_vreg.gather [hbm4b:s1+s4], $0x80, v4, vm0, $0xb8;
	[tilespmem:$0x13F00] =	vst v63  }
0x54: {  	_ = 	snop  }
0x55: {  	[tilespmem:s23], [sflag:$0x1] =	stream.indirect_vreg.gather [hbm4b:s1+s4], $0x80, v3, vm0, $0xb8;
	[tilespmem:$0x13F00] =	vst v63  }
0x56: {  	s10 =	smov.u32 s5;
	s6 =	simm.s32 $0x0;
	s11 =	smov.u32 s12  }
0x57: {  	[tilespmem:s25], [sflag:$0x1] =	stream.indirect.gather [hbm4b:s3+s24], $0x80, s14, s24, $0xb8;
	[tilespmem:$0x13F00] =	vst v63  }
.LBB2_2:
0x58: {  	s7 =	sshra.s32 s6, $0x2  }
0x59: {  	v3 =	vld [tilespmem:s7+$0xF050];
	_ =	sdelay $0x4  }
0x5a: {  	v4 =	vshll.u32 v3, $0x1  }
0x5b: {  	v3 =	vand.u32 $0x7, v3;
	v4 =	vand.u32 $0xFFFFFFF0, v4  }
0x5c: {  	v3 =	vor.u32 v3, v4  }
0x5d: {  	v4 =	vperm.xlane v3, v0;
	_ =	sdelay $0x1  }
0x5e: {  	v3 =	vperm.xlane v3, v2;
	v4 =	vadd.s32 v1, v4;
	_ =	sdelay $0x1  }
0x5f: {  	v3 =	vadd.s32 v1, v3;
	_ =	sdelay $0x2  }
0x60: {  	[tilespmem:s26], [sflag:$0x2] =	stream.indirect_vreg.gather [hbm4b:s1+s4], $0x80, v4, vm0, $0xb8;
	[tilespmem:$0x13F00] =	vst v63  }
0x61: {  	s8 =	rddreg [dreg:$0x4]  }
0x62: {  	[tilespmem:s8], [sflag:$0x2] =	stream.indirect_vreg.gather [hbm4b:s1+s4], $0x80, v3, vm0, $0xb8;
	[tilespmem:$0x13F00] =	vst v63  }
0x63: {  	v3 =	vld [tilespmem:s7+$0xF060];
	_ =	sdelay $0x4  }
0x64: {  	v55 =	vshll.u32 v3, $0x1  }
0x65: {  	v3 =	vand.u32 $0x7, v3;
	v4 =	vand.u32 $0xFFFFFFF0, v55  }
0x66: {  	v3 =	vor.u32 v3, v4  }
0x67: {  	v4 =	vperm.xlane v3, v0;
	_ =	sdelay $0x1  }
0x68: {  	v3 =	vperm.xlane v3, v2;
	v4 =	vadd.s32 v1, v4;
	_ =	sdelay $0x1  }
0x69: {  	v3 =	vadd.s32 v1, v3;
	_ =	sdelay $0x1  }
0x6a: {  	s8 =	rddreg [dreg:$0x5]  }
0x6b: {  	[tilespmem:s8], [sflag:$0x2] =	stream.indirect_vreg.gather [hbm4b:s1+s4], $0x80, v4, vm0, $0xb8;
	[tilespmem:$0x13F00] =	vst v63  }
0x6c: {  	s9 =	rddreg [dreg:$0x6]  }
0x6d: {  	[tilespmem:s9], [sflag:$0x2] =	stream.indirect_vreg.gather [hbm4b:s1+s4], $0x80, v3, vm0, $0xb8;
	[tilespmem:$0x13F00] =	vst v63  }
0x6e: {  	v3 =	vld [tilespmem:s7+$0xF070];
	_ =	sdelay $0x4  }
0x6f: {  	v56 =	vshll.u32 v3, $0x1  }
0x70: {  	v3 =	vand.u32 $0x7, v3;
	v4 =	vand.u32 $0xFFFFFFF0, v56  }
0x71: {  	v3 =	vor.u32 v3, v4  }
0x72: {  	v4 =	vperm.xlane v3, v0;
	_ =	sdelay $0x1  }
0x73: {  	v3 =	vperm.xlane v3, v2;
	v4 =	vadd.s32 v1, v4;
	_ =	sdelay $0x1  }
0x74: {  	v3 =	vadd.s32 v1, v3;
	_ =	sdelay $0x1  }
0x75: {  	s8 =	rddreg [dreg:$0x7]  }
0x76: {  	[tilespmem:s8], [sflag:$0x2] =	stream.indirect_vreg.gather [hbm4b:s1+s4], $0x80, v4, vm0, $0xb8;
	[tilespmem:$0x13F00] =	vst v63  }
0x77: {  	s9 =	rddreg [dreg:$0x8]  }
0x78: {  	[tilespmem:s9], [sflag:$0x2] =	stream.indirect_vreg.gather [hbm4b:s1+s4], $0x80, v3, vm0, $0xb8;
	[tilespmem:$0x13F00] =	vst v63  }
0x79: {  	v3 =	vld [tilespmem:s7+$0xF080];
	_ =	sdelay $0x4  }
0x7a: {  	v57 =	vshll.u32 v3, $0x1  }
0x7b: {  	v3 =	vand.u32 $0x7, v3;
	v4 =	vand.u32 $0xFFFFFFF0, v57  }
0x7c: {  	v3 =	vor.u32 v3, v4  }
0x7d: {  	v4 =	vperm.xlane v3, v0;
	_ =	sdelay $0x1  }
0x7e: {  	v3 =	vperm.xlane v3, v2;
	v4 =	vadd.s32 v1, v4;
	_ =	sdelay $0x1  }
0x7f: {  	v3 =	vadd.s32 v1, v3;
	_ =	sdelay $0x1  }
0x80: {  	s8 =	rddreg [dreg:$0x9]  }
0x81: {  	[tilespmem:s8], [sflag:$0x2] =	stream.indirect_vreg.gather [hbm4b:s1+s4], $0x80, v4, vm0, $0xb8;
	[tilespmem:$0x13F00] =	vst v63  }
0x82: {  	s9 =	rddreg [dreg:$0xa]  }
0x83: {  	[tilespmem:s9], [sflag:$0x2] =	stream.indirect_vreg.gather [hbm4b:s1+s4], $0x80, v3, vm0, $0xb8;
	[tilespmem:$0x13F00] =	vst v63  }
0x84: {  	v3 =	vld [tilespmem:s7+$0xF090];
	_ =	sdelay $0x4  }
0x85: {  	v58 =	vshll.u32 v3, $0x1  }
0x86: {  	v3 =	vand.u32 $0x7, v3;
	v4 =	vand.u32 $0xFFFFFFF0, v58  }
0x87: {  	v3 =	vor.u32 v3, v4  }
0x88: {  	v4 =	vperm.xlane v3, v0;
	_ =	sdelay $0x1  }
0x89: {  	v3 =	vperm.xlane v3, v2;
	v4 =	vadd.s32 v1, v4;
	_ =	sdelay $0x1  }
0x8a: {  	v3 =	vadd.s32 v1, v3;
	_ =	sdelay $0x2  }
0x8b: {  	[tilespmem:s28], [sflag:$0x2] =	stream.indirect_vreg.gather [hbm4b:s1+s4], $0x80, v4, vm0, $0xb8;
	[tilespmem:$0x13F00] =	vst v63  }
0x8c: {  	_ = 	snop  }
0x8d: {  	[tilespmem:s29], [sflag:$0x2] =	stream.indirect_vreg.gather [hbm4b:s1+s4], $0x80, v3, vm0, $0xb8;
	[tilespmem:$0x13F00] =	vst v63  }
0x8e: {  	s9 =	sadd.s32 $0x117D0, s7  }
0x8f: {  	[tilespmem:s30], [sflag:$0x2] =	stream.indirect.gather [hbm4b:s3+s24], $0x80, s9, s24, $0xb8;
	[tilespmem:$0x13F00] =	vst v63  }
0x90: {  	_ =	swait.ge [sflag:s31], $0x5000  }
0x91: {  	[sflag:s31] =	ssyncset.done $0x0  }
0x92: {  	[sflag:s31] =	ssyncadd.s32 $0xFFFFB000  }
0x93: {  	_ =	swait.ge [sflag:s31], $0x2800  }
0x94: {  	[sflag:s31] =	ssyncset.done $0x0  }
0x95: {  	s9 =	sadd.s32 $0xFFFFF600, s10;
	[sflag:s31] =	ssyncadd.s32 $0xFFFFD800  }
0x96: {  	[hbm4b:s9+s4] =	stream.linear.scatter [tilespmem:s4], [sflag:$0x3], $0x5000, $0x38;
	[tilespmem:$0x13F00] =	vst v63  }
0x97: {  	_ =	swait.ge [sflag:s13], $0x5000  }
0x98: {  	[sflag:s13] =	ssyncset.done $0x0  }
0x99: {  	s9 =	sadd.s32 $0xFFFFFB00, s11;
	[sflag:s13] =	ssyncadd.s32 $0xFFFFB000  }
0x9a: {  	[hbm4b:s9+s4] =	stream.linear.scatter [tilespmem:s25], [sflag:$0x3], $0x2800, $0x38;
	[tilespmem:$0x13F00] =	vst v63  }
0x9b: {  	_ =	swait.ge [sflag:s13], $0x2800  }
0x9c: {  	[sflag:s13] =	ssyncset.done $0x0  }
0x9d: {  	[sflag:s13] =	ssyncadd.s32 $0xFFFFD800  }
0x9e: {  	v3 =	vld [tilespmem:s7+$0xF0A0];
	_ =	sdelay $0x4  }
0x9f: {  	v59 =	vshll.u32 v3, $0x1  }
0xa0: {  	v3 =	vand.u32 $0x7, v3;
	v4 =	vand.u32 $0xFFFFFFF0, v59  }
0xa1: {  	v3 =	vor.u32 v3, v4  }
0xa2: {  	v4 =	vperm.xlane v3, v0;
	_ =	sdelay $0x1  }
0xa3: {  	v3 =	vperm.xlane v3, v2;
	v4 =	vadd.s32 v1, v4;
	_ =	sdelay $0x1  }
0xa4: {  	v3 =	vadd.s32 v1, v3;
	_ =	sdelay $0x2  }
0xa5: {  	[tilespmem:s4], [sflag:$0x1] =	stream.indirect_vreg.gather [hbm4b:s1+s4], $0x80, v4, vm0, $0xb8;
	[tilespmem:$0x13F00] =	vst v63  }
0xa6: {  	_ = 	snop  }
0xa7: {  	[tilespmem:s15], [sflag:$0x1] =	stream.indirect_vreg.gather [hbm4b:s1+s4], $0x80, v3, vm0, $0xb8;
	[tilespmem:$0x13F00] =	vst v63  }
0xa8: {  	v3 =	vld [tilespmem:s7+$0xF0B0];
	_ =	sdelay $0x4  }
0xa9: {  	v60 =	vshll.u32 v3, $0x1  }
0xaa: {  	v3 =	vand.u32 $0x7, v3;
	v4 =	vand.u32 $0xFFFFFFF0, v60  }
0xab: {  	v3 =	vor.u32 v3, v4  }
0xac: {  	v4 =	vperm.xlane v3, v0;
	_ =	sdelay $0x1  }
0xad: {  	v3 =	vperm.xlane v3, v2;
	v4 =	vadd.s32 v1, v4;
	_ =	sdelay $0x1  }
0xae: {  	v3 =	vadd.s32 v1, v3;
	_ =	sdelay $0x2  }
0xaf: {  	[tilespmem:s16], [sflag:$0x1] =	stream.indirect_vreg.gather [hbm4b:s1+s4], $0x80, v4, vm0, $0xb8;
	[tilespmem:$0x13F00] =	vst v63  }
0xb0: {  	_ = 	snop  }
0xb1: {  	[tilespmem:s17], [sflag:$0x1] =	stream.indirect_vreg.gather [hbm4b:s1+s4], $0x80, v3, vm0, $0xb8;
	[tilespmem:$0x13F00] =	vst v63  }
0xb2: {  	v3 =	vld [tilespmem:s7+$0xF0C0];
	_ =	sdelay $0x4  }
0xb3: {  	v61 =	vshll.u32 v3, $0x1  }
0xb4: {  	v3 =	vand.u32 $0x7, v3;
	v4 =	vand.u32 $0xFFFFFFF0, v61  }
0xb5: {  	v3 =	vor.u32 v3, v4  }
0xb6: {  	v4 =	vperm.xlane v3, v0;
	_ =	sdelay $0x1  }
0xb7: {  	v3 =	vperm.xlane v3, v2;
	v4 =	vadd.s32 v1, v4;
	_ =	sdelay $0x1  }
0xb8: {  	v3 =	vadd.s32 v1, v3;
	_ =	sdelay $0x2  }
0xb9: {  	[tilespmem:s18], [sflag:$0x1] =	stream.indirect_vreg.gather [hbm4b:s1+s4], $0x80, v4, vm0, $0xb8;
	[tilespmem:$0x13F00] =	vst v63  }
0xba: {  	_ = 	snop  }
0xbb: {  	[tilespmem:s19], [sflag:$0x1] =	stream.indirect_vreg.gather [hbm4b:s1+s4], $0x80, v3, vm0, $0xb8;
	[tilespmem:$0x13F00] =	vst v63  }
0xbc: {  	v3 =	vld [tilespmem:s7+$0xF0D0];
	_ =	sdelay $0x4  }
0xbd: {  	v62 =	vshll.u32 v3, $0x1  }
0xbe: {  	v3 =	vand.u32 $0x7, v3;
	v4 =	vand.u32 $0xFFFFFFF0, v62  }
0xbf: {  	v3 =	vor.u32 v3, v4  }
0xc0: {  	v4 =	vperm.xlane v3, v0;
	_ =	sdelay $0x1  }
0xc1: {  	v3 =	vperm.xlane v3, v2;
	v4 =	vadd.s32 v1, v4;
	_ =	sdelay $0x1  }
0xc2: {  	v3 =	vadd.s32 v1, v3;
	_ =	sdelay $0x2  }
0xc3: {  	[tilespmem:s20], [sflag:$0x1] =	stream.indirect_vreg.gather [hbm4b:s1+s4], $0x80, v4, vm0, $0xb8;
	[tilespmem:$0x13F00] =	vst v63  }
0xc4: {  	_ = 	snop  }
0xc5: {  	[tilespmem:s21], [sflag:$0x1] =	stream.indirect_vreg.gather [hbm4b:s1+s4], $0x80, v3, vm0, $0xb8;
	[tilespmem:$0x13F00] =	vst v63  }
0xc6: {  	v3 =	vld [tilespmem:s7+$0xF0E0];
	_ =	sdelay $0x4  }
0xc7: {  	v63 =	vshll.u32 v3, $0x1  }
0xc8: {  	v3 =	vand.u32 $0x7, v3;
	v4 =	vand.u32 $0xFFFFFFF0, v63  }
0xc9: {  	v3 =	vor.u32 v3, v4  }
0xca: {  	v4 =	vperm.xlane v3, v0;
	_ =	sdelay $0x1  }
0xcb: {  	v3 =	vperm.xlane v3, v2;
	v4 =	vadd.s32 v1, v4;
	_ =	sdelay $0x1  }
0xcc: {  	v3 =	vadd.s32 v1, v3;
	_ =	sdelay $0x2  }
0xcd: {  	[tilespmem:s22], [sflag:$0x1] =	stream.indirect_vreg.gather [hbm4b:s1+s4], $0x80, v4, vm0, $0xb8;
	[tilespmem:$0x13F00] =	vst v63  }
0xce: {  	_ = 	snop  }
0xcf: {  	[tilespmem:s23], [sflag:$0x1] =	stream.indirect_vreg.gather [hbm4b:s1+s4], $0x80, v3, vm0, $0xb8;
	[tilespmem:$0x13F00] =	vst v63  }
0xd0: {  	s7 =	sadd.s32 $0x11820, s7  }
0xd1: {  	[tilespmem:s25], [sflag:$0x1] =	stream.indirect.gather [hbm4b:s3+s24], $0x80, s7, s24, $0xb8;
	[tilespmem:$0x13F00] =	vst v63  }
0xd2: {  	_ =	swait.ge [sflag:s2], $0x5000  }
0xd3: {  	[sflag:s2] =	ssyncset.done $0x0  }
0xd4: {  	[sflag:s2] =	ssyncadd.s32 $0xFFFFB000  }
0xd5: {  	_ =	swait.ge [sflag:s2], $0x2800  }
0xd6: {  	[sflag:s2] =	ssyncset.done $0x0  }
0xd7: {  	[sflag:s2] =	ssyncadd.s32 $0xFFFFD800  }
0xd8: {  	[hbm4b:s10+s4] =	stream.linear.scatter [tilespmem:s26], [sflag:$0x3], $0x5000, $0x38;
	[tilespmem:$0x13F00] =	vst v63  }
0xd9: {  	_ =	swait.ge [sflag:s13], $0x5000  }
0xda: {  	p0 =	sne.s32 s6, $0x9880;
	[sflag:s13] =	ssyncset.done $0x0  }
.Ltmp0:
0xdb: {  	[sflag:s13] =	ssyncadd.s32 $0xFFFFB000;
	(pc) =	sbr.rel @p0 .LBB2_2-.Ltmp0, $4  }
0xdc: {  	[hbm4b:s11+s4] =	stream.linear.scatter [tilespmem:s30], [sflag:$0x3], $0x2800, $0x38;
	[tilespmem:$0x13F00] =	vst v63  }
0xdd: {  	_ =	swait.ge [sflag:s13], $0x2800  }
0xde: {  	s6 =	sadd.s32 $0x280, s6;
	[sflag:s13] =	ssyncset.done $0x0  }
0xdf: {  	s10 =	sadd.s32 $0x1400, s10;
	s11 =	sadd.s32 $0xA00, s11;
	[sflag:s13] =	ssyncadd.s32 $0xFFFFD800  }
0xe0: {  	_ =	swait.ge [sflag:s31], $0x5000  }
0xe1: {  	[sflag:s31] =	ssyncset.done $0x0  }
0xe2: {  	[sflag:s31] =	ssyncadd.s32 $0xFFFFB000  }
0xe3: {  	_ =	swait.ge [sflag:s31], $0x2800  }
0xe4: {  	[sflag:s31] =	ssyncset.done $0x0  }
0xe5: {  	s6 =	rddreg [dreg:$0xd];
	[sflag:s31] =	ssyncadd.s32 $0xFFFFD800  }
0xe6: {  	[hbm4b:s6+s4] =	stream.linear.scatter [tilespmem:s4], [sflag:$0x3], $0x5000, $0x38;
	[tilespmem:$0x13F00] =	vst v63  }
0xe7: {  	_ =	swait.ge [sflag:s13], $0x5000  }
0xe8: {  	[sflag:s13] =	ssyncset.done $0x0  }
0xe9: {  	s10 =	rddreg [dreg:$0xe];
	[sflag:s13] =	ssyncadd.s32 $0xFFFFB000  }
0xea: {  	[hbm4b:s10+s4] =	stream.linear.scatter [tilespmem:s25], [sflag:$0x3], $0x2800, $0x38;
	[tilespmem:$0x13F00] =	vst v63  }
0xeb: {  	_ =	swait.ge [sflag:s13], $0x2800  }
0xec: {  	s0 =	sadd.s32 $0x1, s0;
	s11 =	rddreg [dreg:$0xf]  }
0xed: {  	p0 =	sne.s32 s0, s11  }
.Ltmp1:
0xee: {  	_ = 	snop;
	(pc) =	sbr.rel @p0 .LBB2_1-.Ltmp1, $3  }
0xef: {  	_ =	sdelay $0x1  }
0xf0: {  	[sflag:s13] =	ssyncset.done $0x0  }
0xf1: {  	[sflag:s13] =	ssyncadd.s32 $0xFFFFD800  }
0xf2: {  	_ =	sfence.sel $0x180000  }
0xf3: {  	[bflag:$0x0] =	sbarrier.arrive $0xFFFF  }
0xf4: {  	_ =	strace $0x90000047  }
0xf5: {  	s0 =	stileid.u32;
	[bflag:$0x2] =	sbarrier.arrive $0xFFFF  }
0xf6: {  	p0 =	sne.s32 s0, $0x0;
	s0 =	rddreg [dreg:$0x3]  }
0xf7: {  	s0 =	sadd.s32 @!p0 $0x100000, s0  }
0xf8: {  	[sflag:s0] =	ssyncadd.tile.s32 @!p0 $0x1;
	_ =	shalt  }
.Lfunc_end2:
_tile_overlayer_lowered:
.L_overlay_start_2:
0xf9: {  	(tag) =	ssettag $0x2  }
0xfa: {  	s0 =	rddreg [dreg:$0x0];
	s2 =	stileid.u32  }
0xfb: {  	s1 =	rddreg [dreg:$0x1];
	p0 =	sne.s32 s2, $0x0  }
0xfc: {  	s3 =	rddreg [dreg:$0x2];
	[bflag:$0x3] =	sbarrier.arrive $0xFFFF;
	s2 =	simm.s32 @!p0 $0x1C03  }
0xfd: {  	[timem:s3], [sflag:s2] =	dma.local @!p0 [hbm:s0], s1  }
0xfe: {  	s0 =	simm.s32 @!p0 $0x3  }
0xff: {  	_ =	swait.ge @!p0 [sflag:s0], s1  }
0x100: {  	s1 =	ssub.s32 @!p0 $0x0, s1;
	[sflag:s0] =	ssyncset.done @!p0 $0x0  }
0x101: {  	[sflag:s0] =	ssyncadd.s32 @!p0 s1  }
0x102: {  	[bflag:$0x3] =	sbarrier.arrive $0xFFFF  }
0x103: {  	_ =	shalt  }

</sc_bundles>
